<compile_context>
chip_gen: v7x
topology: tpu7x:2x2x1
jax: 0.10.2.dev20260603
libtpu: 0.0.44.dev20260713+nightly
codegen_flags: <defaults>
</compile_context>

<pallas_src>
import functools

import jax
import jax.numpy as jnp
from jax import lax
from jax.experimental import pallas as pl
from jax.experimental.pallas import tpu as pltpu
from jax.experimental.pallas import tpu_sc as plsc

SUB = 128
K = 4
KCH = K * SUB
NUM_GRAPHS = 32
BN = 1000


def _scale_rows16(rows, ev, ngroups):
    def scale(q, cc):
        evec = ev[pl.ds(16 * q, 16)]
        for j in range(16):
            r = 16 * q + j
            rows[r] = rows[r] * evec[j]
        return cc

    lax.fori_loop(0, ngroups, scale, 0)


def _scale_rows32(rows, ev, ngroups):
    def scale(q, cc):
        evec = ev[pl.ds(16 * q, 16)]
        for j in range(16):
            r = 16 * q + j
            rows[r, pl.ds(0, 16)] = rows[r, pl.ds(0, 16)] * evec[j]
            rows[r, pl.ds(16, 16)] = rows[r, pl.ds(16, 16)] * evec[j]
        return cc

    lax.fori_loop(0, ngroups, scale, 0)


def _sc_edge_pass1(src2, dst2, ewp, x16, zeros16, n, npad, ep):
    nsk = ep // (32 * KCH)
    nrows = npad // 16
    tail = n - 15 * nrows
    mesh = plsc.VectorSubcoreMesh(core_axis_name="c", subcore_axis_name="s")

    @functools.partial(
        pl.kernel, mesh=mesh,
        compiler_params=pltpu.CompilerParams(use_tc_tiling_on_sc=False),
        out_type=jax.ShapeDtypeStruct((2 * n, 16), jnp.float32),
        scratch_types=[
            pltpu.VMEM_SHARED((npad, 16), jnp.float32),
            pltpu.VMEM((K, SUB), jnp.int32),
            pltpu.VMEM((K, SUB), jnp.int32),
            pltpu.VMEM((KCH,), jnp.float32),
            pltpu.VMEM((KCH, 16), jnp.float32),
            pltpu.SemaphoreType.DMA,
            pltpu.SemaphoreType.DMA,
            pltpu.SemaphoreType.DMA,
        ])
    def kern(src_h, dst_h, e_h, x_h, z_h, out_h,
             acc, srcv, dstv, ev, rows, sem_e, sem_g, sem_s):
        c = lax.axis_index("c")
        s = lax.axis_index("s")
        w = s * 2 + c
        r0 = s * nrows
        pltpu.sync_copy(z_h.at[pl.ds(r0, nrows)], acc.at[pl.ds(r0, nrows)])
        plsc.subcore_barrier()

        def body(g, carry):
            base = (w * nsk + g) * KCH
            cb = (w * nsk + g) * K
            h1 = pltpu.async_copy(src_h.at[pl.ds(cb, K)], srcv, sem_e)
            h2 = pltpu.async_copy(dst_h.at[pl.ds(cb, K)], dstv, sem_e)
            h3 = pltpu.async_copy(e_h.at[pl.ds(base, KCH)], ev, sem_e)
            h1.wait()
            h2.wait()
            h3.wait()
            ghs = [pltpu.async_copy(x_h.at[srcv.at[j]],
                                    rows.at[pl.ds(SUB * j, SUB)], sem_g)
                   for j in range(K)]
            for h in ghs:
                h.wait()
            _scale_rows16(rows, ev, KCH // 16)
            shs = [pltpu.async_copy(rows.at[pl.ds(SUB * j, SUB)],
                                    acc.at[dstv.at[j]], sem_s, add=True)
                   for j in range(K)]
            for h in shs:
                h.wait()
            return carry

        lax.fori_loop(0, nsk, body, 0)
        plsc.subcore_barrier()

        @pl.when(s < 15)
        def _():
            pltpu.sync_copy(acc.at[pl.ds(r0, nrows)],
                            out_h.at[pl.ds(c * n + r0, nrows)])

        @pl.when(s == 15)
        def _():
            pltpu.sync_copy(acc.at[pl.ds(r0, tail)],
                            out_h.at[pl.ds(c * n + r0, tail)])

    return kern(src2, dst2, ewp, x16, zeros16)


def _sc_edge_pass2(src2, dst2, ewp, ypack, zeros32, n, npad, ep):
    nsk = ep // (16 * KCH)
    nrows = npad // 16
    tail = n - 15 * nrows
    mesh = plsc.VectorSubcoreMesh(core_axis_name="c", subcore_axis_name="s")

    @functools.partial(
        pl.kernel, mesh=mesh,
        compiler_params=pltpu.CompilerParams(use_tc_tiling_on_sc=False),
        out_type=jax.ShapeDtypeStruct((2 * n, 32), jnp.float32),
        scratch_types=[
            pltpu.VMEM_SHARED((npad, 32), jnp.float32),
            pltpu.VMEM((K, SUB), jnp.int32),
            pltpu.VMEM((K, SUB), jnp.int32),
            pltpu.VMEM((KCH,), jnp.float32),
            pltpu.VMEM((KCH,), jnp.int32),
            pltpu.VMEM((KCH, 32), jnp.float32),
            pltpu.SemaphoreType.DMA,
            pltpu.SemaphoreType.DMA,
            pltpu.SemaphoreType.DMA,
        ])
    def kern(src_h, dst_h, e_h, y_h, z_h, out_h,
             acc, srcv, dstv, ev, idx2, rows, sem_e, sem_g, sem_s):
        c = lax.axis_index("c")
        s = lax.axis_index("s")
        r0 = s * nrows
        coff = c * n
        pltpu.sync_copy(z_h.at[pl.ds(r0, nrows)], acc.at[pl.ds(r0, nrows)])
        plsc.subcore_barrier()

        def body(g, carry):
            base = (s * nsk + g) * KCH
            cb = (s * nsk + g) * K
            h1 = pltpu.async_copy(src_h.at[pl.ds(cb, K)], srcv, sem_e)
            h2 = pltpu.async_copy(dst_h.at[pl.ds(cb, K)], dstv, sem_e)
            h3 = pltpu.async_copy(e_h.at[pl.ds(base, KCH)], ev, sem_e)
            h1.wait()
            h2.wait()
            h3.wait()
            for j in range(K):
                for m in range(SUB // 16):
                    idx2[pl.ds(SUB * j + 16 * m, 16)] = (
                        srcv[j, pl.ds(16 * m, 16)] + coff)
            ghs = [pltpu.async_copy(y_h.at[idx2.at[pl.ds(SUB * j, SUB)]],
                                    rows.at[pl.ds(SUB * j, SUB)], sem_g)
                   for j in range(K)]
            for h in ghs:
                h.wait()
            _scale_rows32(rows, ev, KCH // 16)
            shs = [pltpu.async_copy(rows.at[pl.ds(SUB * j, SUB)],
                                    acc.at[dstv.at[j]], sem_s, add=True)
                   for j in range(K)]
            for h in shs:
                h.wait()
            return carry

        lax.fori_loop(0, nsk, body, 0)
        plsc.subcore_barrier()

        @pl.when(s < 15)
        def _():
            pltpu.sync_copy(acc.at[pl.ds(r0, nrows)],
                            out_h.at[pl.ds(coff + r0, nrows)])

        @pl.when(s == 15)
        def _():
            pltpu.sync_copy(acc.at[pl.ds(r0, tail)],
                            out_h.at[pl.ds(coff + r0, tail)])

    return kern(src2, dst2, ewp, ypack, zeros32)


def _tc_mid(agg1p, x, w1relT, w1rootT, b1, w2relT, w2rootT, n):
    steps = n // BN

    def body(ag_ref, x_ref, wa_ref, wb_ref, b1_ref, w2a_ref, w2b_ref,
             yp_ref, r2_ref):
        a = ag_ref[0, :, :4] + ag_ref[1, :, :4]
        x1 = jnp.dot(a, wa_ref[...], preferred_element_type=jnp.float32)
        x1 = x1 + jnp.dot(x_ref[...], wb_ref[...],
                          preferred_element_type=jnp.float32)
        x1 = jnp.maximum(x1 + b1_ref[...], 0.0)
        y = jnp.dot(x1, w2a_ref[...], preferred_element_type=jnp.float32)
        r2_ref[...] = jnp.dot(x1, w2b_ref[...],
                              preferred_element_type=jnp.float32)
        yp_ref[0] = y[:, :32]
        yp_ref[1] = y[:, 32:]

    return pl.pallas_call(
        body,
        grid=(steps,),
        in_specs=[
            pl.BlockSpec((2, BN, 16), lambda i: (0, i, 0)),
            pl.BlockSpec((BN, 4), lambda i: (i, 0)),
            pl.BlockSpec((4, 128), lambda i: (0, 0)),
            pl.BlockSpec((4, 128), lambda i: (0, 0)),
            pl.BlockSpec((1, 128), lambda i: (0, 0)),
            pl.BlockSpec((128, 64), lambda i: (0, 0)),
            pl.BlockSpec((128, 64), lambda i: (0, 0)),
        ],
        out_specs=[
            pl.BlockSpec((2, BN, 32), lambda i: (0, i, 0)),
            pl.BlockSpec((BN, 64), lambda i: (i, 0)),
        ],
        out_shape=[
            jax.ShapeDtypeStruct((2, n, 32), jnp.float32),
            jax.ShapeDtypeStruct((n, 64), jnp.float32),
        ],
    )(agg1p, x, w1relT, w1rootT, b1, w2relT, w2rootT)


def _tc_final(agg2, r2, batchf, b2, wf1T, bf1, wf2T, bf2, n):
    steps = n // BN
    g = NUM_GRAPHS

    def body(ag_ref, r2_ref, b_ref, b2_ref, w1_ref, bf1_ref, w2_ref, bf2_ref,
             out_ref, pooled, cnt):
        i = pl.program_id(0)

        @pl.when(i == 0)
        def _():
            pooled[...] = jnp.zeros_like(pooled)
            cnt[...] = jnp.zeros_like(cnt)

        x2 = jnp.concatenate([ag_ref[0], ag_ref[1]], axis=1)
        x2 = jnp.maximum(x2 + r2_ref[...] + b2_ref[...], 0.0)
        bf = b_ref[0]
        gid = lax.broadcasted_iota(jnp.int32, (BN, g), 1).astype(jnp.float32)
        oh = (bf == gid)
        oh = oh.astype(jnp.float32)
        pooled[...] += lax.dot_general(
            oh, x2, (((0,), (0,)), ((), ())),
            preferred_element_type=jnp.float32)
        cnt[...] += lax.dot_general(
            oh, jnp.ones((BN, 64), jnp.float32), (((0,), (0,)), ((), ())),
            preferred_element_type=jnp.float32)

        @pl.when(i == steps - 1)
        def _():
            m = pooled[...] / jnp.maximum(cnt[...], 1.0)
            h1 = jnp.dot(m, w1_ref[...], preferred_element_type=jnp.float32)
            h1 = jnp.maximum(h1 + bf1_ref[...], 0.0)
            out_ref[...] = (jnp.dot(h1, w2_ref[...],
                                    preferred_element_type=jnp.float32)
                            + bf2_ref[...])

    return pl.pallas_call(
        body,
        grid=(steps,),
        in_specs=[
            pl.BlockSpec((2, BN, 32), lambda i: (0, i, 0)),
            pl.BlockSpec((BN, 64), lambda i: (i, 0)),
            pl.BlockSpec((1, BN, 1), lambda i: (i, 0, 0)),
            pl.BlockSpec((1, 64), lambda i: (0, 0)),
            pl.BlockSpec((64, 32), lambda i: (0, 0)),
            pl.BlockSpec((1, 32), lambda i: (0, 0)),
            pl.BlockSpec((32, 3), lambda i: (0, 0)),
            pl.BlockSpec((1, 3), lambda i: (0, 0)),
        ],
        out_specs=pl.BlockSpec((g, 3), lambda i: (0, 0)),
        out_shape=jax.ShapeDtypeStruct((g, 3), jnp.float32),
        scratch_shapes=[
            pltpu.VMEM((g, 64), jnp.float32),
            pltpu.VMEM((g, 64), jnp.float32),
        ],
    )(agg2, r2, batchf, b2, wf1T, bf1, wf2T, bf2)


def kernel(pos, z, edge_index, edge_attr, batch, W1_rel, b1_rel, W1_root,
           W2_rel, b2_rel, W2_root, Wfc1, bfc1, Wfc2, bfc2):
    n = pos.shape[0]
    e = edge_attr.shape[0]
    epad = ((e + 32 * KCH - 1) // (32 * KCH)) * (32 * KCH)
    pad = epad - e
    src = jnp.concatenate([edge_index[0], jnp.zeros((pad,), jnp.int32)])
    dst = jnp.concatenate([edge_index[1], jnp.zeros((pad,), jnp.int32)])
    ew = jnp.concatenate([edge_attr, jnp.zeros((pad,), jnp.float32)])
    src2 = src.reshape(-1, SUB)
    dst2 = dst.reshape(-1, SUB)

    x = jnp.concatenate([pos, z[:, None]], axis=1)
    x16 = jnp.concatenate([x, jnp.zeros((n, 12), jnp.float32)], axis=1)
    npad = ((n + 127) // 128) * 128
    zeros16 = jnp.zeros((npad, 16), jnp.float32)
    zeros32 = jnp.zeros((npad, 32), jnp.float32)

    agg1p = _sc_edge_pass1(src2, dst2, ew, x16, zeros16, n, npad, epad)
    agg1p = agg1p.reshape(2, n, 16)

    ypack, r2 = _tc_mid(agg1p, x, W1_rel.T, W1_root.T, b1_rel[None, :],
                        W2_rel.T, W2_root.T, n)

    agg2 = _sc_edge_pass2(src2, dst2, ew, ypack.reshape(2 * n, 32), zeros32,
                          n, npad, epad)
    agg2 = agg2.reshape(2, n, 32)

    steps = n // BN
    batchf = batch.astype(jnp.float32).reshape(steps, BN, 1)
    out = _tc_final(agg2, r2, batchf, b2_rel[None, :], Wfc1.T, bfc1[None, :],
                    Wfc2.T, bfc2[None, :], n)
    return out

# --- scband reference (transcript-rebuilt; emitter-appended) ---
"""Pipeline reference for scband-dipole-predictor-30030411333861 (READ-ONLY COPY).

The authoritative reference and input builder live on the scoring server;
editing this copy changes nothing except your own understanding.
"""

import jax, jax.numpy as jnp
import numpy as np

N = 50000
E = 800000
NUM_GRAPHS = 32


def setup_inputs(seed: int = 0):
    key = jax.random.key(seed)
    ks = jax.random.split(key, 16)
    pos = jax.random.normal(ks[0], (N, 3), dtype=jnp.float32)
    z = jax.random.uniform(ks[1], (N,), dtype=jnp.float32)
    edge_index = jax.random.randint(ks[2], (2, E), 0, N, dtype=jnp.int32)
    edge_attr = jax.random.uniform(ks[3], (E,), dtype=jnp.float32)
    batch = jnp.sort(jax.random.randint(ks[4], (N,), 0, NUM_GRAPHS, dtype=jnp.int32))
    # GraphConv(4, 128): lin_rel (with bias) applied to aggregated messages, lin_root (no bias) to x
    W1_rel = jax.random.normal(ks[5], (128, 4), dtype=jnp.float32) * 0.1
    b1_rel = jnp.zeros((128,), dtype=jnp.float32)
    W1_root = jax.random.normal(ks[6], (128, 4), dtype=jnp.float32) * 0.1
    # GraphConv(128, 64)
    W2_rel = jax.random.normal(ks[7], (64, 128), dtype=jnp.float32) * 0.05
    b2_rel = jnp.zeros((64,), dtype=jnp.float32)
    W2_root = jax.random.normal(ks[8], (64, 128), dtype=jnp.float32) * 0.05
    # fc1: Linear(64, 32), fc2: Linear(32, 3)
    Wfc1 = jax.random.normal(ks[9], (32, 64), dtype=jnp.float32) * 0.1
    bfc1 = jnp.zeros((32,), dtype=jnp.float32)
    Wfc2 = jax.random.normal(ks[10], (3, 32), dtype=jnp.float32) * 0.1
    bfc2 = jnp.zeros((3,), dtype=jnp.float32)
    return {"pos": pos, "z": z, "edge_index": edge_index, "edge_attr": edge_attr,
            "batch": batch, "W1_rel": W1_rel, "b1_rel": b1_rel, "W1_root": W1_root,
            "W2_rel": W2_rel, "b2_rel": b2_rel, "W2_root": W2_root,
            "Wfc1": Wfc1, "bfc1": bfc1, "Wfc2": Wfc2, "bfc2": bfc2}


def _graph_conv(x, edge_index, edge_weight, W_rel, b_rel, W_root):
    # PyG GraphConv: out = lin_rel(sum_{j->i} e_ji * x_j) + lin_root(x_i)
    src = edge_index[0]
    dst = edge_index[1]
    msg = jnp.take(x, src, axis=0) * edge_weight[:, None]
    agg = jax.ops.segment_sum(msg, dst, num_segments=N)
    return agg @ W_rel.T + b_rel + x @ W_root.T


def _global_mean_pool(x, batch):
    sums = jax.ops.segment_sum(x, batch, num_segments=NUM_GRAPHS)
    cnt = jax.ops.segment_sum(jnp.ones((x.shape[0],), dtype=x.dtype), batch, num_segments=NUM_GRAPHS)
    return sums / jnp.clip(cnt, 1.0)[:, None]


def reference(pos, z, edge_index, edge_attr, batch, W1_rel, b1_rel, W1_root,
              W2_rel, b2_rel, W2_root, Wfc1, bfc1, Wfc2, bfc2):
    x = jnp.concatenate([pos, z[:, None]], axis=-1)
    x = _graph_conv(x, edge_index, edge_attr, W1_rel, b1_rel, W1_root)
    x = jax.nn.relu(x)
    # dropout is identity in eval mode
    x = _graph_conv(x, edge_index, edge_attr, W2_rel, b2_rel, W2_root)
    x = jax.nn.relu(x)
    x = _global_mean_pool(x, batch)
    x = jax.nn.relu(x @ Wfc1.T + bfc1)
    x = x @ Wfc2.T + bfc2
    return x.reshape(-1, 3)

if __name__ == "__main__":
    import jax
    _d = setup_inputs()
    print(jax.jit(kernel)(*tuple(_d.values())))

</pallas_src>

<mosaic_0001>
#map = affine_map<(d0, d1) -> (0, 0)>
#map1 = affine_map<(d0, d1) -> (0)>
module attributes {stable_mosaic.version = 14 : i64} {
  func.func @kern(%arg0: i32, %arg1: i32, %arg2: memref<6272x128xi32, #tpu.memory_space<hbm>>, %arg3: memref<6272x128xi32, #tpu.memory_space<hbm>>, %arg4: memref<802816xf32, #tpu.memory_space<hbm>>, %arg5: memref<50000x16xf32, #tpu.memory_space<hbm>>, %arg6: memref<50048x16xf32, #tpu.memory_space<hbm>>, %arg7: memref<100000x16xf32, #tpu.memory_space<hbm>>, %arg8: memref<50048x16xf32, #tpu.memory_space<vmem_shared>>, %arg9: memref<4x128xi32, #tpu.memory_space<vmem>>, %arg10: memref<4x128xi32, #tpu.memory_space<vmem>>, %arg11: memref<512xf32, #tpu.memory_space<vmem>>, %arg12: memref<512x16xf32, #tpu.memory_space<vmem>>, %arg13: memref<!tpu.dma_semaphore, #tpu.memory_space<semaphore_mem>>, %arg14: memref<!tpu.dma_semaphore, #tpu.memory_space<semaphore_mem>>, %arg15: memref<!tpu.dma_semaphore, #tpu.memory_space<semaphore_mem>>) attributes {dimension_semantics = [#tpu.dimension_semantics<core_parallel>, #tpu.dimension_semantics<subcore_parallel>], iteration_bounds = array<i64: 2, 16>, scalar_prefetch = 0 : i64, scratch_operands = 8 : i64, tpu.core_type = #tpu.core_type<sc_vector_subcore>, window_params = [{transform_indices = #map}, {transform_indices = #map}, {transform_indices = #map1}, {transform_indices = #map}, {transform_indices = #map}, {transform_indices = #map}]} {
    %mul3A = arith.constant 2 : i32
    %mul3A_0 = arith.muli %arg1, %mul3A : i32
    %add3A = arith.addi %mul3A_0, %arg0 : i32
    %mul3A_1 = arith.constant 3128 : i32
    %mul3A_2 = arith.muli %arg1, %mul3A_1 : i32
    "tpu.region"() ({
      %run_scoped3A = tpu.sem_alloc : memref<!tpu.dma_semaphore, #tpu.memory_space<semaphore_mem>>
      %dma_start3A = arith.constant 0 : i32
      %dma_start3A_15 = tpu.memref_slice %arg8[%mul3A_2, %dma_start3A] : memref<50048x16xf32, #tpu.memory_space<vmem_shared>> -> memref<3128x16xf32, #tpu.memory_space<vmem_shared>>
      %dma_start3A_16 = arith.constant 0 : i32
      %dma_start3A_17 = tpu.memref_slice %arg6[%mul3A_2, %dma_start3A_16] : memref<50048x16xf32, #tpu.memory_space<hbm>> -> memref<3128x16xf32, #tpu.memory_space<hbm>>
      tpu.enqueue_dma source(%dma_start3A_17 : memref<3128x16xf32, #tpu.memory_space<hbm>>) target(%dma_start3A_15 : memref<3128x16xf32, #tpu.memory_space<vmem_shared>>) target_semaphore(%run_scoped3A : memref<!tpu.dma_semaphore, #tpu.memory_space<semaphore_mem>>)
      %dma_wait3A = arith.constant 0 : i32
      %dma_wait3A_18 = tpu.memref_slice %arg8[%mul3A_2, %dma_wait3A] : memref<50048x16xf32, #tpu.memory_space<vmem_shared>> -> memref<3128x16xf32, #tpu.memory_space<vmem_shared>>
      %dma_wait3A_19 = arith.constant 0 : i32
      %dma_wait3A_20 = tpu.memref_slice %arg6[%mul3A_2, %dma_wait3A_19] : memref<50048x16xf32, #tpu.memory_space<hbm>> -> memref<3128x16xf32, #tpu.memory_space<hbm>>
      tpu.wait_dma2 semaphore(%run_scoped3A : memref<!tpu.dma_semaphore, #tpu.memory_space<semaphore_mem>>) src(%dma_wait3A_20 : memref<3128x16xf32, #tpu.memory_space<hbm>>) dst(%dma_wait3A_18 : memref<3128x16xf32, #tpu.memory_space<vmem_shared>>)
      tpu.yield
    }) : () -> ()
    %barrier3A = arith.constant 0 : index
    tpu.barrier barrier_id(%barrier3A)
    %scan3A = arith.constant 0 : i32
    %scan3A_3 = arith.constant 0 : i32
    %scan3A_4 = arith.constant 49 : i32
    %scan3A_5 = arith.addi %scan3A_3, %scan3A_4 : i32
    %scan3A_6 = arith.constant 1 : i32
    scf.for %scan3A_15 = %scan3A_3 to %scan3A_5 step %scan3A_6  : i32 {
      %mul3A_16 = arith.constant 49 : i32
      %mul3A_17 = arith.muli %add3A, %mul3A_16 : i32
      %add3A_18 = arith.addi %mul3A_17, %scan3A_15 : i32
      %mul3A_19 = arith.constant 512 : i32
      %mul3A_20 = arith.muli %add3A_18, %mul3A_19 : i32
      %mul3A_21 = arith.constant 49 : i32
      %mul3A_22 = arith.muli %add3A, %mul3A_21 : i32
      %add3A_23 = arith.addi %mul3A_22, %scan3A_15 : i32
      %mul3A_24 = arith.constant 4 : i32
      %mul3A_25 = arith.muli %add3A_23, %mul3A_24 : i32
      %dma_start3A = arith.constant 0 : i32
      %dma_start3A_26 = tpu.memref_slice %arg2[%mul3A_25, %dma_start3A] : memref<6272x128xi32, #tpu.memory_space<hbm>> -> memref<4x128xi32, #tpu.memory_space<hbm>>
      %dma_start3A_27 = arith.constant 0 : i32
      %dma_start3A_28 = tpu.memref_slice %arg2[%mul3A_25, %dma_start3A_27] : memref<6272x128xi32, #tpu.memory_space<hbm>> -> memref<4x128xi32, #tpu.memory_space<hbm>>
      tpu.enqueue_dma source(%dma_start3A_28 : memref<4x128xi32, #tpu.memory_space<hbm>>) target(%arg9 : memref<4x128xi32, #tpu.memory_space<vmem>>) target_semaphore(%arg13 : memref<!tpu.dma_semaphore, #tpu.memory_space<semaphore_mem>>)
      %dma_start3A_29 = arith.constant 0 : i32
      %dma_start3A_30 = tpu.memref_slice %arg3[%mul3A_25, %dma_start3A_29] : memref<6272x128xi32, #tpu.memory_space<hbm>> -> memref<4x128xi32, #tpu.memory_space<hbm>>
      %dma_start3A_31 = arith.constant 0 : i32
      %dma_start3A_32 = tpu.memref_slice %arg3[%mul3A_25, %dma_start3A_31] : memref<6272x128xi32, #tpu.memory_space<hbm>> -> memref<4x128xi32, #tpu.memory_space<hbm>>
      tpu.enqueue_dma source(%dma_start3A_32 : memref<4x128xi32, #tpu.memory_space<hbm>>) target(%arg10 : memref<4x128xi32, #tpu.memory_space<vmem>>) target_semaphore(%arg13 : memref<!tpu.dma_semaphore, #tpu.memory_space<semaphore_mem>>)
      %dma_start3A_33 = tpu.memref_slice %arg4[%mul3A_20] : memref<802816xf32, #tpu.memory_space<hbm>> -> memref<512xf32, #tpu.memory_space<hbm>>
      %dma_start3A_34 = tpu.memref_slice %arg4[%mul3A_20] : memref<802816xf32, #tpu.memory_space<hbm>> -> memref<512xf32, #tpu.memory_space<hbm>>
      tpu.enqueue_dma source(%dma_start3A_34 : memref<512xf32, #tpu.memory_space<hbm>>) target(%arg11 : memref<512xf32, #tpu.memory_space<vmem>>) target_semaphore(%arg13 : memref<!tpu.dma_semaphore, #tpu.memory_space<semaphore_mem>>)
      %dma_wait3A = arith.constant 0 : i32
      %dma_wait3A_35 = tpu.memref_slice %arg2[%mul3A_25, %dma_wait3A] : memref<6272x128xi32, #tpu.memory_space<hbm>> -> memref<4x128xi32, #tpu.memory_space<hbm>>
      %dma_wait3A_36 = arith.constant 0 : i32
      %dma_wait3A_37 = tpu.memref_slice %arg2[%mul3A_25, %dma_wait3A_36] : memref<6272x128xi32, #tpu.memory_space<hbm>> -> memref<4x128xi32, #tpu.memory_space<hbm>>
      tpu.wait_dma2 semaphore(%arg13 : memref<!tpu.dma_semaphore, #tpu.memory_space<semaphore_mem>>) src(%dma_wait3A_37 : memref<4x128xi32, #tpu.memory_space<hbm>>) dst(%arg9 : memref<4x128xi32, #tpu.memory_space<vmem>>)
      %dma_wait3A_38 = arith.constant 0 : i32
      %dma_wait3A_39 = tpu.memref_slice %arg3[%mul3A_25, %dma_wait3A_38] : memref<6272x128xi32, #tpu.memory_space<hbm>> -> memref<4x128xi32, #tpu.memory_space<hbm>>
      %dma_wait3A_40 = arith.constant 0 : i32
      %dma_wait3A_41 = tpu.memref_slice %arg3[%mul3A_25, %dma_wait3A_40] : memref<6272x128xi32, #tpu.memory_space<hbm>> -> memref<4x128xi32, #tpu.memory_space<hbm>>
      tpu.wait_dma2 semaphore(%arg13 : memref<!tpu.dma_semaphore, #tpu.memory_space<semaphore_mem>>) src(%dma_wait3A_41 : memref<4x128xi32, #tpu.memory_space<hbm>>) dst(%arg10 : memref<4x128xi32, #tpu.memory_space<vmem>>)
      %dma_wait3A_42 = tpu.memref_slice %arg4[%mul3A_20] : memref<802816xf32, #tpu.memory_space<hbm>> -> memref<512xf32, #tpu.memory_space<hbm>>
      %dma_wait3A_43 = tpu.memref_slice %arg4[%mul3A_20] : memref<802816xf32, #tpu.memory_space<hbm>> -> memref<512xf32, #tpu.memory_space<hbm>>
      tpu.wait_dma2 semaphore(%arg13 : memref<!tpu.dma_semaphore, #tpu.memory_space<semaphore_mem>>) src(%dma_wait3A_43 : memref<512xf32, #tpu.memory_space<hbm>>) dst(%arg11 : memref<512xf32, #tpu.memory_space<vmem>>)
      %dma_start3A_44 = arith.constant 0 : i32
      %dma_start3A_45 = arith.constant 0 : i32
      %dma_start3A_46 = arith.constant 0 : i32
      %dma_start3A_47 = tpu.memref_slice %arg12[%dma_start3A_45, %dma_start3A_46] : memref<512x16xf32, #tpu.memory_space<vmem>> -> memref<128x16xf32, #tpu.memory_space<vmem>>
      %dma_start3A_48 = arith.constant 0 : i32
      %dma_start3A_49 = tpu.memref_slice %arg9[%dma_start3A_44, %dma_start3A_48] : memref<4x128xi32, #tpu.memory_space<vmem>> -> memref<1x128xi32, #tpu.memory_space<vmem>>
      %dma_start3A_50 = tpu.memref_squeeze %dma_start3A_49 : memref<1x128xi32, #tpu.memory_space<vmem>> -> memref<128xi32, #tpu.memory_space<vmem>>
      %dma_start3A_51 = arith.constant 0 : i32
      %dma_start3A_52 = arith.constant 0 : i32
      %dma_start3A_53 = tpu.memref_slice %arg5[%dma_start3A_51, %dma_start3A_52] : memref<50000x16xf32, #tpu.memory_space<hbm>> -> memref<50000x16xf32, #tpu.memory_space<hbm>>
      tpu.enqueue_indirect_dma source(%dma_start3A_53 : memref<50000x16xf32, #tpu.memory_space<hbm>>) target(%dma_start3A_47 : memref<128x16xf32, #tpu.memory_space<vmem>>) offsets(%dma_start3A_50 : memref<128xi32, #tpu.memory_space<vmem>>) semaphore(%arg14 : memref<!tpu.dma_semaphore, #tpu.memory_space<semaphore_mem>>)
      %dma_start3A_54 = arith.constant 1 : i32
      %dma_start3A_55 = arith.constant 128 : i32
      %dma_start3A_56 = arith.constant 0 : i32
      %dma_start3A_57 = tpu.memref_slice %arg12[%dma_start3A_55, %dma_start3A_56] : memref<512x16xf32, #tpu.memory_space<vmem>> -> memref<128x16xf32, #tpu.memory_space<vmem>>
      %dma_start3A_58 = arith.constant 0 : i32
      %dma_start3A_59 = tpu.memref_slice %arg9[%dma_start3A_54, %dma_start3A_58] : memref<4x128xi32, #tpu.memory_space<vmem>> -> memref<1x128xi32, #tpu.memory_space<vmem>>
      %dma_start3A_60 = tpu.memref_squeeze %dma_start3A_59 : memref<1x128xi32, #tpu.memory_space<vmem>> -> memref<128xi32, #tpu.memory_space<vmem>>
      %dma_start3A_61 = arith.constant 0 : i32
      %dma_start3A_62 = arith.constant 0 : i32
      %dma_start3A_63 = tpu.memref_slice %arg5[%dma_start3A_61, %dma_start3A_62] : memref<50000x16xf32, #tpu.memory_space<hbm>> -> memref<50000x16xf32, #tpu.memory_space<hbm>>
      tpu.enqueue_indirect_dma source(%dma_start3A_63 : memref<50000x16xf32, #tpu.memory_space<hbm>>) target(%dma_start3A_57 : memref<128x16xf32, #tpu.memory_space<vmem>>) offsets(%dma_start3A_60 : memref<128xi32, #tpu.memory_space<vmem>>) semaphore(%arg14 : memref<!tpu.dma_semaphore, #tpu.memory_space<semaphore_mem>>)
      %dma_start3A_64 = arith.constant 2 : i32
      %dma_start3A_65 = arith.constant 256 : i32
      %dma_start3A_66 = arith.constant 0 : i32
      %dma_start3A_67 = tpu.memref_slice %arg12[%dma_start3A_65, %dma_start3A_66] : memref<512x16xf32, #tpu.memory_space<vmem>> -> memref<128x16xf32, #tpu.memory_space<vmem>>
      %dma_start3A_68 = arith.constant 0 : i32
      %dma_start3A_69 = tpu.memref_slice %arg9[%dma_start3A_64, %dma_start3A_68] : memref<4x128xi32, #tpu.memory_space<vmem>> -> memref<1x128xi32, #tpu.memory_space<vmem>>
      %dma_start3A_70 = tpu.memref_squeeze %dma_start3A_69 : memref<1x128xi32, #tpu.memory_space<vmem>> -> memref<128xi32, #tpu.memory_space<vmem>>
      %dma_start3A_71 = arith.constant 0 : i32
      %dma_start3A_72 = arith.constant 0 : i32
      %dma_start3A_73 = tpu.memref_slice %arg5[%dma_start3A_71, %dma_start3A_72] : memref<50000x16xf32, #tpu.memory_space<hbm>> -> memref<50000x16xf32, #tpu.memory_space<hbm>>
      tpu.enqueue_indirect_dma source(%dma_start3A_73 : memref<50000x16xf32, #tpu.memory_space<hbm>>) target(%dma_start3A_67 : memref<128x16xf32, #tpu.memory_space<vmem>>) offsets(%dma_start3A_70 : memref<128xi32, #tpu.memory_space<vmem>>) semaphore(%arg14 : memref<!tpu.dma_semaphore, #tpu.memory_space<semaphore_mem>>)
      %dma_start3A_74 = arith.constant 3 : i32
      %dma_start3A_75 = arith.constant 384 : i32
      %dma_start3A_76 = arith.constant 0 : i32
      %dma_start3A_77 = tpu.memref_slice %arg12[%dma_start3A_75, %dma_start3A_76] : memref<512x16xf32, #tpu.memory_space<vmem>> -> memref<128x16xf32, #tpu.memory_space<vmem>>
      %dma_start3A_78 = arith.constant 0 : i32
      %dma_start3A_79 = tpu.memref_slice %arg9[%dma_start3A_74, %dma_start3A_78] : memref<4x128xi32, #tpu.memory_space<vmem>> -> memref<1x128xi32, #tpu.memory_space<vmem>>
      %dma_start3A_80 = tpu.memref_squeeze %dma_start3A_79 : memref<1x128xi32, #tpu.memory_space<vmem>> -> memref<128xi32, #tpu.memory_space<vmem>>
      %dma_start3A_81 = arith.constant 0 : i32
      %dma_start3A_82 = arith.constant 0 : i32
      %dma_start3A_83 = tpu.memref_slice %arg5[%dma_start3A_81, %dma_start3A_82] : memref<50000x16xf32, #tpu.memory_space<hbm>> -> memref<50000x16xf32, #tpu.memory_space<hbm>>
      tpu.enqueue_indirect_dma source(%dma_start3A_83 : memref<50000x16xf32, #tpu.memory_space<hbm>>) target(%dma_start3A_77 : memref<128x16xf32, #tpu.memory_space<vmem>>) offsets(%dma_start3A_80 : memref<128xi32, #tpu.memory_space<vmem>>) semaphore(%arg14 : memref<!tpu.dma_semaphore, #tpu.memory_space<semaphore_mem>>)
      %dma_wait3A_84 = arith.constant 0 : i32
      %dma_wait3A_85 = arith.constant 0 : i32
      %dma_wait3A_86 = arith.constant 0 : i32
      %dma_wait3A_87 = tpu.memref_slice %arg12[%dma_wait3A_85, %dma_wait3A_86] : memref<512x16xf32, #tpu.memory_space<vmem>> -> memref<128x16xf32, #tpu.memory_space<vmem>>
      %dma_wait3A_88 = arith.constant 0 : i32
      %dma_wait3A_89 = tpu.memref_slice %arg9[%dma_wait3A_84, %dma_wait3A_88] : memref<4x128xi32, #tpu.memory_space<vmem>> -> memref<1x128xi32, #tpu.memory_space<vmem>>
      %dma_wait3A_90 = tpu.memref_squeeze %dma_wait3A_89 : memref<1x128xi32, #tpu.memory_space<vmem>> -> memref<128xi32, #tpu.memory_space<vmem>>
      %dma_wait3A_91 = arith.constant 0 : i32
      %dma_wait3A_92 = arith.constant 0 : i32
      %dma_wait3A_93 = tpu.memref_slice %arg5[%dma_wait3A_91, %dma_wait3A_92] : memref<50000x16xf32, #tpu.memory_space<hbm>> -> memref<50000x16xf32, #tpu.memory_space<hbm>>
      tpu.wait_indirect_dma semaphore(%arg14 : memref<!tpu.dma_semaphore, #tpu.memory_space<semaphore_mem>>) src(%dma_wait3A_93 : memref<50000x16xf32, #tpu.memory_space<hbm>>) dst(%dma_wait3A_87 : memref<128x16xf32, #tpu.memory_space<vmem>>)
      %dma_wait3A_94 = arith.constant 1 : i32
      %dma_wait3A_95 = arith.constant 128 : i32
      %dma_wait3A_96 = arith.constant 0 : i32
      %dma_wait3A_97 = tpu.memref_slice %arg12[%dma_wait3A_95, %dma_wait3A_96] : memref<512x16xf32, #tpu.memory_space<vmem>> -> memref<128x16xf32, #tpu.memory_space<vmem>>
      %dma_wait3A_98 = arith.constant 0 : i32
      %dma_wait3A_99 = tpu.memref_slice %arg9[%dma_wait3A_94, %dma_wait3A_98] : memref<4x128xi32, #tpu.memory_space<vmem>> -> memref<1x128xi32, #tpu.memory_space<vmem>>
      %dma_wait3A_100 = tpu.memref_squeeze %dma_wait3A_99 : memref<1x128xi32, #tpu.memory_space<vmem>> -> memref<128xi32, #tpu.memory_space<vmem>>
      %dma_wait3A_101 = arith.constant 0 : i32
      %dma_wait3A_102 = arith.constant 0 : i32
      %dma_wait3A_103 = tpu.memref_slice %arg5[%dma_wait3A_101, %dma_wait3A_102] : memref<50000x16xf32, #tpu.memory_space<hbm>> -> memref<50000x16xf32, #tpu.memory_space<hbm>>
      tpu.wait_indirect_dma semaphore(%arg14 : memref<!tpu.dma_semaphore, #tpu.memory_space<semaphore_mem>>) src(%dma_wait3A_103 : memref<50000x16xf32, #tpu.memory_space<hbm>>) dst(%dma_wait3A_97 : memref<128x16xf32, #tpu.memory_space<vmem>>)
      %dma_wait3A_104 = arith.constant 2 : i32
      %dma_wait3A_105 = arith.constant 256 : i32
      %dma_wait3A_106 = arith.constant 0 : i32
      %dma_wait3A_107 = tpu.memref_slice %arg12[%dma_wait3A_105, %dma_wait3A_106] : memref<512x16xf32, #tpu.memory_space<vmem>> -> memref<128x16xf32, #tpu.memory_space<vmem>>
      %dma_wait3A_108 = arith.constant 0 : i32
      %dma_wait3A_109 = tpu.memref_slice %arg9[%dma_wait3A_104, %dma_wait3A_108] : memref<4x128xi32, #tpu.memory_space<vmem>> -> memref<1x128xi32, #tpu.memory_space<vmem>>
      %dma_wait3A_110 = tpu.memref_squeeze %dma_wait3A_109 : memref<1x128xi32, #tpu.memory_space<vmem>> -> memref<128xi32, #tpu.memory_space<vmem>>
      %dma_wait3A_111 = arith.constant 0 : i32
      %dma_wait3A_112 = arith.constant 0 : i32
      %dma_wait3A_113 = tpu.memref_slice %arg5[%dma_wait3A_111, %dma_wait3A_112] : memref<50000x16xf32, #tpu.memory_space<hbm>> -> memref<50000x16xf32, #tpu.memory_space<hbm>>
      tpu.wait_indirect_dma semaphore(%arg14 : memref<!tpu.dma_semaphore, #tpu.memory_space<semaphore_mem>>) src(%dma_wait3A_113 : memref<50000x16xf32, #tpu.memory_space<hbm>>) dst(%dma_wait3A_107 : memref<128x16xf32, #tpu.memory_space<vmem>>)
      %dma_wait3A_114 = arith.constant 3 : i32
      %dma_wait3A_115 = arith.constant 384 : i32
      %dma_wait3A_116 = arith.constant 0 : i32
      %dma_wait3A_117 = tpu.memref_slice %arg12[%dma_wait3A_115, %dma_wait3A_116] : memref<512x16xf32, #tpu.memory_space<vmem>> -> memref<128x16xf32, #tpu.memory_space<vmem>>
      %dma_wait3A_118 = arith.constant 0 : i32
      %dma_wait3A_119 = tpu.memref_slice %arg9[%dma_wait3A_114, %dma_wait3A_118] : memref<4x128xi32, #tpu.memory_space<vmem>> -> memref<1x128xi32, #tpu.memory_space<vmem>>
      %dma_wait3A_120 = tpu.memref_squeeze %dma_wait3A_119 : memref<1x128xi32, #tpu.memory_space<vmem>> -> memref<128xi32, #tpu.memory_space<vmem>>
      %dma_wait3A_121 = arith.constant 0 : i32
      %dma_wait3A_122 = arith.constant 0 : i32
      %dma_wait3A_123 = tpu.memref_slice %arg5[%dma_wait3A_121, %dma_wait3A_122] : memref<50000x16xf32, #tpu.memory_space<hbm>> -> memref<50000x16xf32, #tpu.memory_space<hbm>>
      tpu.wait_indirect_dma semaphore(%arg14 : memref<!tpu.dma_semaphore, #tpu.memory_space<semaphore_mem>>) src(%dma_wait3A_123 : memref<50000x16xf32, #tpu.memory_space<hbm>>) dst(%dma_wait3A_117 : memref<128x16xf32, #tpu.memory_space<vmem>>)
      %scan3A_124 = arith.constant 0 : i32
      %scan3A_125 = arith.constant 0 : i32
      %scan3A_126 = arith.constant 32 : i32
      %scan3A_127 = arith.addi %scan3A_125, %scan3A_126 : i32
      %scan3A_128 = arith.constant 1 : i32
      scf.for %scan3A_210 = %scan3A_125 to %scan3A_127 step %scan3A_128  : i32 {
        %mul3A_211 = arith.constant 16 : i32
        %mul3A_212 = arith.muli %mul3A_211, %scan3A_210 : i32
        %get3A = arith.index_cast %mul3A_212 : i32 to index
        %get3A_213 = tpu.vector_load %arg11[%get3A] {strides = array<i32>} : memref<512xf32, #tpu.memory_space<vmem>>, vector<16xf32>,
        %get3A_214 = vector.shape_cast %get3A_213 : vector<16xf32> to vector<16xf32>
        %mul3A_215 = arith.constant 16 : i32
        %mul3A_216 = arith.muli %mul3A_215, %scan3A_210 : i32
        %add3A_217 = arith.constant 0 : i32
        %add3A_218 = arith.addi %mul3A_216, %add3A_217 : i32
        %get3A_219 = arith.index_cast %add3A_218 : i32 to index
        %get3A_220 = arith.constant 0 : index
        %get3A_221 = tpu.vector_load %arg12[%get3A_219, %get3A_220] {strides = array<i32>} : memref<512x16xf32, #tpu.memory_space<vmem>>, vector<1x16xf32>,
        %get3A_222 = vector.shape_cast %get3A_221 : vector<1x16xf32> to vector<16xf32>
        %slice3A = vector.extract_strided_slice %get3A_214 {offsets = [0], sizes = [1], strides = [1]} : vector<16xf32> to vector<1xf32>
        %squeeze3A = vector.extract %slice3A[0] : f32 from vector<1xf32>
        %mul3A_223 = vector.broadcast %squeeze3A : f32 to vector<16xf32>
        %mul3A_224 = arith.mulf %get3A_222, %mul3A_223 : vector<16xf32>
        %swap3A = arith.index_cast %add3A_218 : i32 to index
        %swap3A_225 = arith.constant 0 : index
        %swap3A_226 = tpu.vector_load %arg12[%swap3A, %swap3A_225] {strides = array<i32>} : memref<512x16xf32, #tpu.memory_space<vmem>>, vector<1x16xf32>,
        %swap3A_227 = vector.shape_cast %swap3A_226 : vector<1x16xf32> to vector<16xf32>
        %swap3A_228 = vector.shape_cast %mul3A_224 : vector<16xf32> to vector<1x16xf32>
        tpu.vector_store %arg12[%swap3A, %swap3A_225], %swap3A_228 {strides = array<i32>} : memref<512x16xf32, #tpu.memory_space<vmem>>, vector<1x16xf32>,
        %mul3A_229 = arith.constant 16 : i32
        %mul3A_230 = arith.muli %mul3A_229, %scan3A_210 : i32
        %add3A_231 = arith.constant 1 : i32
        %add3A_232 = arith.addi %mul3A_230, %add3A_231 : i32
        %get3A_233 = arith.index_cast %add3A_232 : i32 to index
        %get3A_234 = arith.constant 0 : index
        %get3A_235 = tpu.vector_load %arg12[%get3A_233, %get3A_234] {strides = array<i32>} : memref<512x16xf32, #tpu.memory_space<vmem>>, vector<1x16xf32>,
        %get3A_236 = vector.shape_cast %get3A_235 : vector<1x16xf32> to vector<16xf32>
        %slice3A_237 = vector.extract_strided_slice %get3A_214 {offsets = [1], sizes = [1], strides = [1]} : vector<16xf32> to vector<1xf32>
        %squeeze3A_238 = vector.extract %slice3A_237[0] : f32 from vector<1xf32>
        %mul3A_239 = vector.broadcast %squeeze3A_238 : f32 to vector<16xf32>
        %mul3A_240 = arith.mulf %get3A_236, %mul3A_239 : vector<16xf32>
        %swap3A_241 = arith.index_cast %add3A_232 : i32 to index
        %swap3A_242 = arith.constant 0 : index
        %swap3A_243 = tpu.vector_load %arg12[%swap3A_241, %swap3A_242] {strides = array<i32>} : memref<512x16xf32, #tpu.memory_space<vmem>>, vector<1x16xf32>,
        %swap3A_244 = vector.shape_cast %swap3A_243 : vector<1x16xf32> to vector<16xf32>
        %swap3A_245 = vector.shape_cast %mul3A_240 : vector<16xf32> to vector<1x16xf32>
        tpu.vector_store %arg12[%swap3A_241, %swap3A_242], %swap3A_245 {strides = array<i32>} : memref<512x16xf32, #tpu.memory_space<vmem>>, vector<1x16xf32>,
        %mul3A_246 = arith.constant 16 : i32
        %mul3A_247 = arith.muli %mul3A_246, %scan3A_210 : i32
        %add3A_248 = arith.constant 2 : i32
        %add3A_249 = arith.addi %mul3A_247, %add3A_248 : i32
        %get3A_250 = arith.index_cast %add3A_249 : i32 to index
        %get3A_251 = arith.constant 0 : index
        %get3A_252 = tpu.vector_load %arg12[%get3A_250, %get3A_251] {strides = array<i32>} : memref<512x16xf32, #tpu.memory_space<vmem>>, vector<1x16xf32>,
        %get3A_253 = vector.shape_cast %get3A_252 : vector<1x16xf32> to vector<16xf32>
        %slice3A_254 = vector.extract_strided_slice %get3A_214 {offsets = [2], sizes = [1], strides = [1]} : vector<16xf32> to vector<1xf32>
        %squeeze3A_255 = vector.extract %slice3A_254[0] : f32 from vector<1xf32>
        %mul3A_256 = vector.broadcast %squeeze3A_255 : f32 to vector<16xf32>
        %mul3A_257 = arith.mulf %get3A_253, %mul3A_256 : vector<16xf32>
        %swap3A_258 = arith.index_cast %add3A_249 : i32 to index
        %swap3A_259 = arith.constant 0 : index
        %swap3A_260 = tpu.vector_load %arg12[%swap3A_258, %swap3A_259] {strides = array<i32>} : memref<512x16xf32, #tpu.memory_space<vmem>>, vector<1x16xf32>,
        %swap3A_261 = vector.shape_cast %swap3A_260 : vector<1x16xf32> to vector<16xf32>
        %swap3A_262 = vector.shape_cast %mul3A_257 : vector<16xf32> to vector<1x16xf32>
        tpu.vector_store %arg12[%swap3A_258, %swap3A_259], %swap3A_262 {strides = array<i32>} : memref<512x16xf32, #tpu.memory_space<vmem>>, vector<1x16xf32>,
        %mul3A_263 = arith.constant 16 : i32
        %mul3A_264 = arith.muli %mul3A_263, %scan3A_210 : i32
        %add3A_265 = arith.constant 3 : i32
        %add3A_266 = arith.addi %mul3A_264, %add3A_265 : i32
        %get3A_267 = arith.index_cast %add3A_266 : i32 to index
        %get3A_268 = arith.constant 0 : index
        %get3A_269 = tpu.vector_load %arg12[%get3A_267, %get3A_268] {strides = array<i32>} : memref<512x16xf32, #tpu.memory_space<vmem>>, vector<1x16xf32>,
        %get3A_270 = vector.shape_cast %get3A_269 : vector<1x16xf32> to vector<16xf32>
        %slice3A_271 = vector.extract_strided_slice %get3A_214 {offsets = [3], sizes = [1], strides = [1]} : vector<16xf32> to vector<1xf32>
        %squeeze3A_272 = vector.extract %slice3A_271[0] : f32 from vector<1xf32>
        %mul3A_273 = vector.broadcast %squeeze3A_272 : f32 to vector<16xf32>
        %mul3A_274 = arith.mulf %get3A_270, %mul3A_273 : vector<16xf32>
        %swap3A_275 = arith.index_cast %add3A_266 : i32 to index
        %swap3A_276 = arith.constant 0 : index
        %swap3A_277 = tpu.vector_load %arg12[%swap3A_275, %swap3A_276] {strides = array<i32>} : memref<512x16xf32, #tpu.memory_space<vmem>>, vector<1x16xf32>,
        %swap3A_278 = vector.shape_cast %swap3A_277 : vector<1x16xf32> to vector<16xf32>
        %swap3A_279 = vector.shape_cast %mul3A_274 : vector<16xf32> to vector<1x16xf32>
        tpu.vector_store %arg12[%swap3A_275, %swap3A_276], %swap3A_279 {strides = array<i32>} : memref<512x16xf32, #tpu.memory_space<vmem>>, vector<1x16xf32>,
        %mul3A_280 = arith.constant 16 : i32
        %mul3A_281 = arith.muli %mul3A_280, %scan3A_210 : i32
        %add3A_282 = arith.constant 4 : i32
        %add3A_283 = arith.addi %mul3A_281, %add3A_282 : i32
        %get3A_284 = arith.index_cast %add3A_283 : i32 to index
        %get3A_285 = arith.constant 0 : index
        %get3A_286 = tpu.vector_load %arg12[%get3A_284, %get3A_285] {strides = array<i32>} : memref<512x16xf32, #tpu.memory_space<vmem>>, vector<1x16xf32>,
        %get3A_287 = vector.shape_cast %get3A_286 : vector<1x16xf32> to vector<16xf32>
        %slice3A_288 = vector.extract_strided_slice %get3A_214 {offsets = [4], sizes = [1], strides = [1]} : vector<16xf32> to vector<1xf32>
        %squeeze3A_289 = vector.extract %slice3A_288[0] : f32 from vector<1xf32>
        %mul3A_290 = vector.broadcast %squeeze3A_289 : f32 to vector<16xf32>
        %mul3A_291 = arith.mulf %get3A_287, %mul3A_290 : vector<16xf32>
        %swap3A_292 = arith.index_cast %add3A_283 : i32 to index
        %swap3A_293 = arith.constant 0 : index
        %swap3A_294 = tpu.vector_load %arg12[%swap3A_292, %swap3A_293] {strides = array<i32>} : memref<512x16xf32, #tpu.memory_space<vmem>>, vector<1x16xf32>,
        %swap3A_295 = vector.shape_cast %swap3A_294 : vector<1x16xf32> to vector<16xf32>
        %swap3A_296 = vector.shape_cast %mul3A_291 : vector<16xf32> to vector<1x16xf32>
        tpu.vector_store %arg12[%swap3A_292, %swap3A_293], %swap3A_296 {strides = array<i32>} : memref<512x16xf32, #tpu.memory_space<vmem>>, vector<1x16xf32>,
        %mul3A_297 = arith.constant 16 : i32
        %mul3A_298 = arith.muli %mul3A_297, %scan3A_210 : i32
        %add3A_299 = arith.constant 5 : i32
        %add3A_300 = arith.addi %mul3A_298, %add3A_299 : i32
        %get3A_301 = arith.index_cast %add3A_300 : i32 to index
        %get3A_302 = arith.constant 0 : index
        %get3A_303 = tpu.vector_load %arg12[%get3A_301, %get3A_302] {strides = array<i32>} : memref<512x16xf32, #tpu.memory_space<vmem>>, vector<1x16xf32>,
        %get3A_304 = vector.shape_cast %get3A_303 : vector<1x16xf32> to vector<16xf32>
        %slice3A_305 = vector.extract_strided_slice %get3A_214 {offsets = [5], sizes = [1], strides = [1]} : vector<16xf32> to vector<1xf32>
        %squeeze3A_306 = vector.extract %slice3A_305[0] : f32 from vector<1xf32>
        %mul3A_307 = vector.broadcast %squeeze3A_306 : f32 to vector<16xf32>
        %mul3A_308 = arith.mulf %get3A_304, %mul3A_307 : vector<16xf32>
        %swap3A_309 = arith.index_cast %add3A_300 : i32 to index
        %swap3A_310 = arith.constant 0 : index
        %swap3A_311 = tpu.vector_load %arg12[%swap3A_309, %swap3A_310] {strides = array<i32>} : memref<512x16xf32, #tpu.memory_space<vmem>>, vector<1x16xf32>,
        %swap3A_312 = vector.shape_cast %swap3A_311 : vector<1x16xf32> to vector<16xf32>
        %swap3A_313 = vector.shape_cast %mul3A_308 : vector<16xf32> to vector<1x16xf32>
        tpu.vector_store %arg12[%swap3A_309, %swap3A_310], %swap3A_313 {strides = array<i32>} : memref<512x16xf32, #tpu.memory_space<vmem>>, vector<1x16xf32>,
        %mul3A_314 = arith.constant 16 : i32
        %mul3A_315 = arith.muli %mul3A_314, %scan3A_210 : i32
        %add3A_316 = arith.constant 6 : i32
        %add3A_317 = arith.addi %mul3A_315, %add3A_316 : i32
        %get3A_318 = arith.index_cast %add3A_317 : i32 to index
        %get3A_319 = arith.constant 0 : index
        %get3A_320 = tpu.vector_load %arg12[%get3A_318, %get3A_319] {strides = array<i32>} : memref<512x16xf32, #tpu.memory_space<vmem>>, vector<1x16xf32>,
        %get3A_321 = vector.shape_cast %get3A_320 : vector<1x16xf32> to vector<16xf32>
        %slice3A_322 = vector.extract_strided_slice %get3A_214 {offsets = [6], sizes = [1], strides = [1]} : vector<16xf32> to vector<1xf32>
        %squeeze3A_323 = vector.extract %slice3A_322[0] : f32 from vector<1xf32>
        %mul3A_324 = vector.broadcast %squeeze3A_323 : f32 to vector<16xf32>
        %mul3A_325 = arith.mulf %get3A_321, %mul3A_324 : vector<16xf32>
        %swap3A_326 = arith.index_cast %add3A_317 : i32 to index
        %swap3A_327 = arith.constant 0 : index
        %swap3A_328 = tpu.vector_load %arg12[%swap3A_326, %swap3A_327] {strides = array<i32>} : memref<512x16xf32, #tpu.memory_space<vmem>>, vector<1x16xf32>,
        %swap3A_329 = vector.shape_cast %swap3A_328 : vector<1x16xf32> to vector<16xf32>
        %swap3A_330 = vector.shape_cast %mul3A_325 : vector<16xf32> to vector<1x16xf32>
        tpu.vector_store %arg12[%swap3A_326, %swap3A_327], %swap3A_330 {strides = array<i32>} : memref<512x16xf32, #tpu.memory_space<vmem>>, vector<1x16xf32>,
        %mul3A_331 = arith.constant 16 : i32
        %mul3A_332 = arith.muli %mul3A_331, %scan3A_210 : i32
        %add3A_333 = arith.constant 7 : i32
        %add3A_334 = arith.addi %mul3A_332, %add3A_333 : i32
        %get3A_335 = arith.index_cast %add3A_334 : i32 to index
        %get3A_336 = arith.constant 0 : index
        %get3A_337 = tpu.vector_load %arg12[%get3A_335, %get3A_336] {strides = array<i32>} : memref<512x16xf32, #tpu.memory_space<vmem>>, vector<1x16xf32>,
        %get3A_338 = vector.shape_cast %get3A_337 : vector<1x16xf32> to vector<16xf32>
        %slice3A_339 = vector.extract_strided_slice %get3A_214 {offsets = [7], sizes = [1], strides = [1]} : vector<16xf32> to vector<1xf32>
        %squeeze3A_340 = vector.extract %slice3A_339[0] : f32 from vector<1xf32>
        %mul3A_341 = vector.broadcast %squeeze3A_340 : f32 to vector<16xf32>
        %mul3A_342 = arith.mulf %get3A_338, %mul3A_341 : vector<16xf32>
        %swap3A_343 = arith.index_cast %add3A_334 : i32 to index
        %swap3A_344 = arith.constant 0 : index
        %swap3A_345 = tpu.vector_load %arg12[%swap3A_343, %swap3A_344] {strides = array<i32>} : memref<512x16xf32, #tpu.memory_space<vmem>>, vector<1x16xf32>,
        %swap3A_346 = vector.shape_cast %swap3A_345 : vector<1x16xf32> to vector<16xf32>
        %swap3A_347 = vector.shape_cast %mul3A_342 : vector<16xf32> to vector<1x16xf32>
        tpu.vector_store %arg12[%swap3A_343, %swap3A_344], %swap3A_347 {strides = array<i32>} : memref<512x16xf32, #tpu.memory_space<vmem>>, vector<1x16xf32>,
        %mul3A_348 = arith.constant 16 : i32
        %mul3A_349 = arith.muli %mul3A_348, %scan3A_210 : i32
        %add3A_350 = arith.constant 8 : i32
        %add3A_351 = arith.addi %mul3A_349, %add3A_350 : i32
        %get3A_352 = arith.index_cast %add3A_351 : i32 to index
        %get3A_353 = arith.constant 0 : index
        %get3A_354 = tpu.vector_load %arg12[%get3A_352, %get3A_353] {strides = array<i32>} : memref<512x16xf32, #tpu.memory_space<vmem>>, vector<1x16xf32>,
        %get3A_355 = vector.shape_cast %get3A_354 : vector<1x16xf32> to vector<16xf32>
        %slice3A_356 = vector.extract_strided_slice %get3A_214 {offsets = [8], sizes = [1], strides = [1]} : vector<16xf32> to vector<1xf32>
        %squeeze3A_357 = vector.extract %slice3A_356[0] : f32 from vector<1xf32>
        %mul3A_358 = vector.broadcast %squeeze3A_357 : f32 to vector<16xf32>
        %mul3A_359 = arith.mulf %get3A_355, %mul3A_358 : vector<16xf32>
        %swap3A_360 = arith.index_cast %add3A_351 : i32 to index
        %swap3A_361 = arith.constant 0 : index
        %swap3A_362 = tpu.vector_load %arg12[%swap3A_360, %swap3A_361] {strides = array<i32>} : memref<512x16xf32, #tpu.memory_space<vmem>>, vector<1x16xf32>,
        %swap3A_363 = vector.shape_cast %swap3A_362 : vector<1x16xf32> to vector<16xf32>
        %swap3A_364 = vector.shape_cast %mul3A_359 : vector<16xf32> to vector<1x16xf32>
        tpu.vector_store %arg12[%swap3A_360, %swap3A_361], %swap3A_364 {strides = array<i32>} : memref<512x16xf32, #tpu.memory_space<vmem>>, vector<1x16xf32>,
        %mul3A_365 = arith.constant 16 : i32
        %mul3A_366 = arith.muli %mul3A_365, %scan3A_210 : i32
        %add3A_367 = arith.constant 9 : i32
        %add3A_368 = arith.addi %mul3A_366, %add3A_367 : i32
        %get3A_369 = arith.index_cast %add3A_368 : i32 to index
        %get3A_370 = arith.constant 0 : index
        %get3A_371 = tpu.vector_load %arg12[%get3A_369, %get3A_370] {strides = array<i32>} : memref<512x16xf32, #tpu.memory_space<vmem>>, vector<1x16xf32>,
        %get3A_372 = vector.shape_cast %get3A_371 : vector<1x16xf32> to vector<16xf32>
        %slice3A_373 = vector.extract_strided_slice %get3A_214 {offsets = [9], sizes = [1], strides = [1]} : vector<16xf32> to vector<1xf32>
        %squeeze3A_374 = vector.extract %slice3A_373[0] : f32 from vector<1xf32>
        %mul3A_375 = vector.broadcast %squeeze3A_374 : f32 to vector<16xf32>
        %mul3A_376 = arith.mulf %get3A_372, %mul3A_375 : vector<16xf32>
        %swap3A_377 = arith.index_cast %add3A_368 : i32 to index
        %swap3A_378 = arith.constant 0 : index
        %swap3A_379 = tpu.vector_load %arg12[%swap3A_377, %swap3A_378] {strides = array<i32>} : memref<512x16xf32, #tpu.memory_space<vmem>>, vector<1x16xf32>,
        %swap3A_380 = vector.shape_cast %swap3A_379 : vector<1x16xf32> to vector<16xf32>
        %swap3A_381 = vector.shape_cast %mul3A_376 : vector<16xf32> to vector<1x16xf32>
        tpu.vector_store %arg12[%swap3A_377, %swap3A_378], %swap3A_381 {strides = array<i32>} : memref<512x16xf32, #tpu.memory_space<vmem>>, vector<1x16xf32>,
        %mul3A_382 = arith.constant 16 : i32
        %mul3A_383 = arith.muli %mul3A_382, %scan3A_210 : i32
        %add3A_384 = arith.constant 10 : i32
        %add3A_385 = arith.addi %mul3A_383, %add3A_384 : i32
        %get3A_386 = arith.index_cast %add3A_385 : i32 to index
        %get3A_387 = arith.constant 0 : index
        %get3A_388 = tpu.vector_load %arg12[%get3A_386, %get3A_387] {strides = array<i32>} : memref<512x16xf32, #tpu.memory_space<vmem>>, vector<1x16xf32>,
        %get3A_389 = vector.shape_cast %get3A_388 : vector<1x16xf32> to vector<16xf32>
        %slice3A_390 = vector.extract_strided_slice %get3A_214 {offsets = [10], sizes = [1], strides = [1]} : vector<16xf32> to vector<1xf32>
        %squeeze3A_391 = vector.extract %slice3A_390[0] : f32 from vector<1xf32>
        %mul3A_392 = vector.broadcast %squeeze3A_391 : f32 to vector<16xf32>
        %mul3A_393 = arith.mulf %get3A_389, %mul3A_392 : vector<16xf32>
        %swap3A_394 = arith.index_cast %add3A_385 : i32 to index
        %swap3A_395 = arith.constant 0 : index
        %swap3A_396 = tpu.vector_load %arg12[%swap3A_394, %swap3A_395] {strides = array<i32>} : memref<512x16xf32, #tpu.memory_space<vmem>>, vector<1x16xf32>,
        %swap3A_397 = vector.shape_cast %swap3A_396 : vector<1x16xf32> to vector<16xf32>
        %swap3A_398 = vector.shape_cast %mul3A_393 : vector<16xf32> to vector<1x16xf32>
        tpu.vector_store %arg12[%swap3A_394, %swap3A_395], %swap3A_398 {strides = array<i32>} : memref<512x16xf32, #tpu.memory_space<vmem>>, vector<1x16xf32>,
        %mul3A_399 = arith.constant 16 : i32
        %mul3A_400 = arith.muli %mul3A_399, %scan3A_210 : i32
        %add3A_401 = arith.constant 11 : i32
        %add3A_402 = arith.addi %mul3A_400, %add3A_401 : i32
        %get3A_403 = arith.index_cast %add3A_402 : i32 to index
        %get3A_404 = arith.constant 0 : index
        %get3A_405 = tpu.vector_load %arg12[%get3A_403, %get3A_404] {strides = array<i32>} : memref<512x16xf32, #tpu.memory_space<vmem>>, vector<1x16xf32>,
        %get3A_406 = vector.shape_cast %get3A_405 : vector<1x16xf32> to vector<16xf32>
        %slice3A_407 = vector.extract_strided_slice %get3A_214 {offsets = [11], sizes = [1], strides = [1]} : vector<16xf32> to vector<1xf32>
        %squeeze3A_408 = vector.extract %slice3A_407[0] : f32 from vector<1xf32>
        %mul3A_409 = vector.broadcast %squeeze3A_408 : f32 to vector<16xf32>
        %mul3A_410 = arith.mulf %get3A_406, %mul3A_409 : vector<16xf32>
        %swap3A_411 = arith.index_cast %add3A_402 : i32 to index
        %swap3A_412 = arith.constant 0 : index
        %swap3A_413 = tpu.vector_load %arg12[%swap3A_411, %swap3A_412] {strides = array<i32>} : memref<512x16xf32, #tpu.memory_space<vmem>>, vector<1x16xf32>,
        %swap3A_414 = vector.shape_cast %swap3A_413 : vector<1x16xf32> to vector<16xf32>
        %swap3A_415 = vector.shape_cast %mul3A_410 : vector<16xf32> to vector<1x16xf32>
        tpu.vector_store %arg12[%swap3A_411, %swap3A_412], %swap3A_415 {strides = array<i32>} : memref<512x16xf32, #tpu.memory_space<vmem>>, vector<1x16xf32>,
        %mul3A_416 = arith.constant 16 : i32
        %mul3A_417 = arith.muli %mul3A_416, %scan3A_210 : i32
        %add3A_418 = arith.constant 12 : i32
        %add3A_419 = arith.addi %mul3A_417, %add3A_418 : i32
        %get3A_420 = arith.index_cast %add3A_419 : i32 to index
        %get3A_421 = arith.constant 0 : index
        %get3A_422 = tpu.vector_load %arg12[%get3A_420, %get3A_421] {strides = array<i32>} : memref<512x16xf32, #tpu.memory_space<vmem>>, vector<1x16xf32>,
        %get3A_423 = vector.shape_cast %get3A_422 : vector<1x16xf32> to vector<16xf32>
        %slice3A_424 = vector.extract_strided_slice %get3A_214 {offsets = [12], sizes = [1], strides = [1]} : vector<16xf32> to vector<1xf32>
        %squeeze3A_425 = vector.extract %slice3A_424[0] : f32 from vector<1xf32>
        %mul3A_426 = vector.broadcast %squeeze3A_425 : f32 to vector<16xf32>
        %mul3A_427 = arith.mulf %get3A_423, %mul3A_426 : vector<16xf32>
        %swap3A_428 = arith.index_cast %add3A_419 : i32 to index
        %swap3A_429 = arith.constant 0 : index
        %swap3A_430 = tpu.vector_load %arg12[%swap3A_428, %swap3A_429] {strides = array<i32>} : memref<512x16xf32, #tpu.memory_space<vmem>>, vector<1x16xf32>,
        %swap3A_431 = vector.shape_cast %swap3A_430 : vector<1x16xf32> to vector<16xf32>
        %swap3A_432 = vector.shape_cast %mul3A_427 : vector<16xf32> to vector<1x16xf32>
        tpu.vector_store %arg12[%swap3A_428, %swap3A_429], %swap3A_432 {strides = array<i32>} : memref<512x16xf32, #tpu.memory_space<vmem>>, vector<1x16xf32>,
        %mul3A_433 = arith.constant 16 : i32
        %mul3A_434 = arith.muli %mul3A_433, %scan3A_210 : i32
        %add3A_435 = arith.constant 13 : i32
        %add3A_436 = arith.addi %mul3A_434, %add3A_435 : i32
        %get3A_437 = arith.index_cast %add3A_436 : i32 to index
        %get3A_438 = arith.constant 0 : index
        %get3A_439 = tpu.vector_load %arg12[%get3A_437, %get3A_438] {strides = array<i32>} : memref<512x16xf32, #tpu.memory_space<vmem>>, vector<1x16xf32>,
        %get3A_440 = vector.shape_cast %get3A_439 : vector<1x16xf32> to vector<16xf32>
        %slice3A_441 = vector.extract_strided_slice %get3A_214 {offsets = [13], sizes = [1], strides = [1]} : vector<16xf32> to vector<1xf32>
        %squeeze3A_442 = vector.extract %slice3A_441[0] : f32 from vector<1xf32>
        %mul3A_443 = vector.broadcast %squeeze3A_442 : f32 to vector<16xf32>
        %mul3A_444 = arith.mulf %get3A_440, %mul3A_443 : vector<16xf32>
        %swap3A_445 = arith.index_cast %add3A_436 : i32 to index
        %swap3A_446 = arith.constant 0 : index
        %swap3A_447 = tpu.vector_load %arg12[%swap3A_445, %swap3A_446] {strides = array<i32>} : memref<512x16xf32, #tpu.memory_space<vmem>>, vector<1x16xf32>,
        %swap3A_448 = vector.shape_cast %swap3A_447 : vector<1x16xf32> to vector<16xf32>
        %swap3A_449 = vector.shape_cast %mul3A_444 : vector<16xf32> to vector<1x16xf32>
        tpu.vector_store %arg12[%swap3A_445, %swap3A_446], %swap3A_449 {strides = array<i32>} : memref<512x16xf32, #tpu.memory_space<vmem>>, vector<1x16xf32>,
        %mul3A_450 = arith.constant 16 : i32
        %mul3A_451 = arith.muli %mul3A_450, %scan3A_210 : i32
        %add3A_452 = arith.constant 14 : i32
        %add3A_453 = arith.addi %mul3A_451, %add3A_452 : i32
        %get3A_454 = arith.index_cast %add3A_453 : i32 to index
        %get3A_455 = arith.constant 0 : index
        %get3A_456 = tpu.vector_load %arg12[%get3A_454, %get3A_455] {strides = array<i32>} : memref<512x16xf32, #tpu.memory_space<vmem>>, vector<1x16xf32>,
        %get3A_457 = vector.shape_cast %get3A_456 : vector<1x16xf32> to vector<16xf32>
        %slice3A_458 = vector.extract_strided_slice %get3A_214 {offsets = [14], sizes = [1], strides = [1]} : vector<16xf32> to vector<1xf32>
        %squeeze3A_459 = vector.extract %slice3A_458[0] : f32 from vector<1xf32>
        %mul3A_460 = vector.broadcast %squeeze3A_459 : f32 to vector<16xf32>
        %mul3A_461 = arith.mulf %get3A_457, %mul3A_460 : vector<16xf32>
        %swap3A_462 = arith.index_cast %add3A_453 : i32 to index
        %swap3A_463 = arith.constant 0 : index
        %swap3A_464 = tpu.vector_load %arg12[%swap3A_462, %swap3A_463] {strides = array<i32>} : memref<512x16xf32, #tpu.memory_space<vmem>>, vector<1x16xf32>,
        %swap3A_465 = vector.shape_cast %swap3A_464 : vector<1x16xf32> to vector<16xf32>
        %swap3A_466 = vector.shape_cast %mul3A_461 : vector<16xf32> to vector<1x16xf32>
        tpu.vector_store %arg12[%swap3A_462, %swap3A_463], %swap3A_466 {strides = array<i32>} : memref<512x16xf32, #tpu.memory_space<vmem>>, vector<1x16xf32>,
        %mul3A_467 = arith.constant 16 : i32
        %mul3A_468 = arith.muli %mul3A_467, %scan3A_210 : i32
        %add3A_469 = arith.constant 15 : i32
        %add3A_470 = arith.addi %mul3A_468, %add3A_469 : i32
        %get3A_471 = arith.index_cast %add3A_470 : i32 to index
        %get3A_472 = arith.constant 0 : index
        %get3A_473 = tpu.vector_load %arg12[%get3A_471, %get3A_472] {strides = array<i32>} : memref<512x16xf32, #tpu.memory_space<vmem>>, vector<1x16xf32>,
        %get3A_474 = vector.shape_cast %get3A_473 : vector<1x16xf32> to vector<16xf32>
        %slice3A_475 = vector.extract_strided_slice %get3A_214 {offsets = [15], sizes = [1], strides = [1]} : vector<16xf32> to vector<1xf32>
        %squeeze3A_476 = vector.extract %slice3A_475[0] : f32 from vector<1xf32>
        %mul3A_477 = vector.broadcast %squeeze3A_476 : f32 to vector<16xf32>
        %mul3A_478 = arith.mulf %get3A_474, %mul3A_477 : vector<16xf32>
        %swap3A_479 = arith.index_cast %add3A_470 : i32 to index
        %swap3A_480 = arith.constant 0 : index
        %swap3A_481 = tpu.vector_load %arg12[%swap3A_479, %swap3A_480] {strides = array<i32>} : memref<512x16xf32, #tpu.memory_space<vmem>>, vector<1x16xf32>,
        %swap3A_482 = vector.shape_cast %swap3A_481 : vector<1x16xf32> to vector<16xf32>
        %swap3A_483 = vector.shape_cast %mul3A_478 : vector<16xf32> to vector<1x16xf32>
        tpu.vector_store %arg12[%swap3A_479, %swap3A_480], %swap3A_483 {strides = array<i32>} : memref<512x16xf32, #tpu.memory_space<vmem>>, vector<1x16xf32>,
      }
      %scan3A_129 = arith.constant 32 : i32
      %dma_start3A_130 = arith.constant 0 : i32
      %dma_start3A_131 = arith.constant 0 : i32
      %dma_start3A_132 = arith.constant 0 : i32
      %dma_start3A_133 = tpu.memref_slice %arg12[%dma_start3A_131, %dma_start3A_132] : memref<512x16xf32, #tpu.memory_space<vmem>> -> memref<128x16xf32, #tpu.memory_space<vmem>>
      %dma_start3A_134 = arith.constant 0 : i32
      %dma_start3A_135 = tpu.memref_slice %arg10[%dma_start3A_130, %dma_start3A_134] : memref<4x128xi32, #tpu.memory_space<vmem>> -> memref<1x128xi32, #tpu.memory_space<vmem>>
      %dma_start3A_136 = tpu.memref_squeeze %dma_start3A_135 : memref<1x128xi32, #tpu.memory_space<vmem>> -> memref<128xi32, #tpu.memory_space<vmem>>
      %dma_start3A_137 = arith.constant 0 : i32
      %dma_start3A_138 = arith.constant 0 : i32
      %dma_start3A_139 = tpu.memref_slice %arg8[%dma_start3A_137, %dma_start3A_138] : memref<50048x16xf32, #tpu.memory_space<vmem_shared>> -> memref<50048x16xf32, #tpu.memory_space<vmem_shared>>
      tpu.enqueue_indirect_dma source(%dma_start3A_133 : memref<128x16xf32, #tpu.memory_space<vmem>>) target(%dma_start3A_139 : memref<50048x16xf32, #tpu.memory_space<vmem_shared>>) offsets(%dma_start3A_136 : memref<128xi32, #tpu.memory_space<vmem>>) semaphore(%arg15 : memref<!tpu.dma_semaphore, #tpu.memory_space<semaphore_mem>>) {add = true}
      %dma_start3A_140 = arith.constant 1 : i32
      %dma_start3A_141 = arith.constant 128 : i32
      %dma_start3A_142 = arith.constant 0 : i32
      %dma_start3A_143 = tpu.memref_slice %arg12[%dma_start3A_141, %dma_start3A_142] : memref<512x16xf32, #tpu.memory_space<vmem>> -> memref<128x16xf32, #tpu.memory_space<vmem>>
      %dma_start3A_144 = arith.constant 0 : i32
      %dma_start3A_145 = tpu.memref_slice %arg10[%dma_start3A_140, %dma_start3A_144] : memref<4x128xi32, #tpu.memory_space<vmem>> -> memref<1x128xi32, #tpu.memory_space<vmem>>
      %dma_start3A_146 = tpu.memref_squeeze %dma_start3A_145 : memref<1x128xi32, #tpu.memory_space<vmem>> -> memref<128xi32, #tpu.memory_space<vmem>>
      %dma_start3A_147 = arith.constant 0 : i32
      %dma_start3A_148 = arith.constant 0 : i32
      %dma_start3A_149 = tpu.memref_slice %arg8[%dma_start3A_147, %dma_start3A_148] : memref<50048x16xf32, #tpu.memory_space<vmem_shared>> -> memref<50048x16xf32, #tpu.memory_space<vmem_shared>>
      tpu.enqueue_indirect_dma source(%dma_start3A_143 : memref<128x16xf32, #tpu.memory_space<vmem>>) target(%dma_start3A_149 : memref<50048x16xf32, #tpu.memory_space<vmem_shared>>) offsets(%dma_start3A_146 : memref<128xi32, #tpu.memory_space<vmem>>) semaphore(%arg15 : memref<!tpu.dma_semaphore, #tpu.memory_space<semaphore_mem>>) {add = true}
      %dma_start3A_150 = arith.constant 2 : i32
      %dma_start3A_151 = arith.constant 256 : i32
      %dma_start3A_152 = arith.constant 0 : i32
      %dma_start3A_153 = tpu.memref_slice %arg12[%dma_start3A_151, %dma_start3A_152] : memref<512x16xf32, #tpu.memory_space<vmem>> -> memref<128x16xf32, #tpu.memory_space<vmem>>
      %dma_start3A_154 = arith.constant 0 : i32
      %dma_start3A_155 = tpu.memref_slice %arg10[%dma_start3A_150, %dma_start3A_154] : memref<4x128xi32, #tpu.memory_space<vmem>> -> memref<1x128xi32, #tpu.memory_space<vmem>>
      %dma_start3A_156 = tpu.memref_squeeze %dma_start3A_155 : memref<1x128xi32, #tpu.memory_space<vmem>> -> memref<128xi32, #tpu.memory_space<vmem>>
      %dma_start3A_157 = arith.constant 0 : i32
      %dma_start3A_158 = arith.constant 0 : i32
      %dma_start3A_159 = tpu.memref_slice %arg8[%dma_start3A_157, %dma_start3A_158] : memref<50048x16xf32, #tpu.memory_space<vmem_shared>> -> memref<50048x16xf32, #tpu.memory_space<vmem_shared>>
      tpu.enqueue_indirect_dma source(%dma_start3A_153 : memref<128x16xf32, #tpu.memory_space<vmem>>) target(%dma_start3A_159 : memref<50048x16xf32, #tpu.memory_space<vmem_shared>>) offsets(%dma_start3A_156 : memref<128xi32, #tpu.memory_space<vmem>>) semaphore(%arg15 : memref<!tpu.dma_semaphore, #tpu.memory_space<semaphore_mem>>) {add = true}
      %dma_start3A_160 = arith.constant 3 : i32
      %dma_start3A_161 = arith.constant 384 : i32
      %dma_start3A_162 = arith.constant 0 : i32
      %dma_start3A_163 = tpu.memref_slice %arg12[%dma_start3A_161, %dma_start3A_162] : memref<512x16xf32, #tpu.memory_space<vmem>> -> memref<128x16xf32, #tpu.memory_space<vmem>>
      %dma_start3A_164 = arith.constant 0 : i32
      %dma_start3A_165 = tpu.memref_slice %arg10[%dma_start3A_160, %dma_start3A_164] : memref<4x128xi32, #tpu.memory_space<vmem>> -> memref<1x128xi32, #tpu.memory_space<vmem>>
      %dma_start3A_166 = tpu.memref_squeeze %dma_start3A_165 : memref<1x128xi32, #tpu.memory_space<vmem>> -> memref<128xi32, #tpu.memory_space<vmem>>
      %dma_start3A_167 = arith.constant 0 : i32
      %dma_start3A_168 = arith.constant 0 : i32
      %dma_start3A_169 = tpu.memref_slice %arg8[%dma_start3A_167, %dma_start3A_168] : memref<50048x16xf32, #tpu.memory_space<vmem_shared>> -> memref<50048x16xf32, #tpu.memory_space<vmem_shared>>
      tpu.enqueue_indirect_dma source(%dma_start3A_163 : memref<128x16xf32, #tpu.memory_space<vmem>>) target(%dma_start3A_169 : memref<50048x16xf32, #tpu.memory_space<vmem_shared>>) offsets(%dma_start3A_166 : memref<128xi32, #tpu.memory_space<vmem>>) semaphore(%arg15 : memref<!tpu.dma_semaphore, #tpu.memory_space<semaphore_mem>>) {add = true}
      %dma_wait3A_170 = arith.constant 0 : i32
      %dma_wait3A_171 = arith.constant 0 : i32
      %dma_wait3A_172 = arith.constant 0 : i32
      %dma_wait3A_173 = tpu.memref_slice %arg12[%dma_wait3A_171, %dma_wait3A_172] : memref<512x16xf32, #tpu.memory_space<vmem>> -> memref<128x16xf32, #tpu.memory_space<vmem>>
      %dma_wait3A_174 = arith.constant 0 : i32
      %dma_wait3A_175 = tpu.memref_slice %arg10[%dma_wait3A_170, %dma_wait3A_174] : memref<4x128xi32, #tpu.memory_space<vmem>> -> memref<1x128xi32, #tpu.memory_space<vmem>>
      %dma_wait3A_176 = tpu.memref_squeeze %dma_wait3A_175 : memref<1x128xi32, #tpu.memory_space<vmem>> -> memref<128xi32, #tpu.memory_space<vmem>>
      %dma_wait3A_177 = arith.constant 0 : i32
      %dma_wait3A_178 = arith.constant 0 : i32
      %dma_wait3A_179 = tpu.memref_slice %arg8[%dma_wait3A_177, %dma_wait3A_178] : memref<50048x16xf32, #tpu.memory_space<vmem_shared>> -> memref<50048x16xf32, #tpu.memory_space<vmem_shared>>
      tpu.wait_indirect_dma semaphore(%arg15 : memref<!tpu.dma_semaphore, #tpu.memory_space<semaphore_mem>>) src(%dma_wait3A_173 : memref<128x16xf32, #tpu.memory_space<vmem>>) dst(%dma_wait3A_179 : memref<50048x16xf32, #tpu.memory_space<vmem_shared>>)
      %dma_wait3A_180 = arith.constant 1 : i32
      %dma_wait3A_181 = arith.constant 128 : i32
      %dma_wait3A_182 = arith.constant 0 : i32
      %dma_wait3A_183 = tpu.memref_slice %arg12[%dma_wait3A_181, %dma_wait3A_182] : memref<512x16xf32, #tpu.memory_space<vmem>> -> memref<128x16xf32, #tpu.memory_space<vmem>>
      %dma_wait3A_184 = arith.constant 0 : i32
      %dma_wait3A_185 = tpu.memref_slice %arg10[%dma_wait3A_180, %dma_wait3A_184] : memref<4x128xi32, #tpu.memory_space<vmem>> -> memref<1x128xi32, #tpu.memory_space<vmem>>
      %dma_wait3A_186 = tpu.memref_squeeze %dma_wait3A_185 : memref<1x128xi32, #tpu.memory_space<vmem>> -> memref<128xi32, #tpu.memory_space<vmem>>
      %dma_wait3A_187 = arith.constant 0 : i32
      %dma_wait3A_188 = arith.constant 0 : i32
      %dma_wait3A_189 = tpu.memref_slice %arg8[%dma_wait3A_187, %dma_wait3A_188] : memref<50048x16xf32, #tpu.memory_space<vmem_shared>> -> memref<50048x16xf32, #tpu.memory_space<vmem_shared>>
      tpu.wait_indirect_dma semaphore(%arg15 : memref<!tpu.dma_semaphore, #tpu.memory_space<semaphore_mem>>) src(%dma_wait3A_183 : memref<128x16xf32, #tpu.memory_space<vmem>>) dst(%dma_wait3A_189 : memref<50048x16xf32, #tpu.memory_space<vmem_shared>>)
      %dma_wait3A_190 = arith.constant 2 : i32
      %dma_wait3A_191 = arith.constant 256 : i32
      %dma_wait3A_192 = arith.constant 0 : i32
      %dma_wait3A_193 = tpu.memref_slice %arg12[%dma_wait3A_191, %dma_wait3A_192] : memref<512x16xf32, #tpu.memory_space<vmem>> -> memref<128x16xf32, #tpu.memory_space<vmem>>
      %dma_wait3A_194 = arith.constant 0 : i32
      %dma_wait3A_195 = tpu.memref_slice %arg10[%dma_wait3A_190, %dma_wait3A_194] : memref<4x128xi32, #tpu.memory_space<vmem>> -> memref<1x128xi32, #tpu.memory_space<vmem>>
      %dma_wait3A_196 = tpu.memref_squeeze %dma_wait3A_195 : memref<1x128xi32, #tpu.memory_space<vmem>> -> memref<128xi32, #tpu.memory_space<vmem>>
      %dma_wait3A_197 = arith.constant 0 : i32
      %dma_wait3A_198 = arith.constant 0 : i32
      %dma_wait3A_199 = tpu.memref_slice %arg8[%dma_wait3A_197, %dma_wait3A_198] : memref<50048x16xf32, #tpu.memory_space<vmem_shared>> -> memref<50048x16xf32, #tpu.memory_space<vmem_shared>>
      tpu.wait_indirect_dma semaphore(%arg15 : memref<!tpu.dma_semaphore, #tpu.memory_space<semaphore_mem>>) src(%dma_wait3A_193 : memref<128x16xf32, #tpu.memory_space<vmem>>) dst(%dma_wait3A_199 : memref<50048x16xf32, #tpu.memory_space<vmem_shared>>)
      %dma_wait3A_200 = arith.constant 3 : i32
      %dma_wait3A_201 = arith.constant 384 : i32
      %dma_wait3A_202 = arith.constant 0 : i32
      %dma_wait3A_203 = tpu.memref_slice %arg12[%dma_wait3A_201, %dma_wait3A_202] : memref<512x16xf32, #tpu.memory_space<vmem>> -> memref<128x16xf32, #tpu.memory_space<vmem>>
      %dma_wait3A_204 = arith.constant 0 : i32
      %dma_wait3A_205 = tpu.memref_slice %arg10[%dma_wait3A_200, %dma_wait3A_204] : memref<4x128xi32, #tpu.memory_space<vmem>> -> memref<1x128xi32, #tpu.memory_space<vmem>>
      %dma_wait3A_206 = tpu.memref_squeeze %dma_wait3A_205 : memref<1x128xi32, #tpu.memory_space<vmem>> -> memref<128xi32, #tpu.memory_space<vmem>>
      %dma_wait3A_207 = arith.constant 0 : i32
      %dma_wait3A_208 = arith.constant 0 : i32
      %dma_wait3A_209 = tpu.memref_slice %arg8[%dma_wait3A_207, %dma_wait3A_208] : memref<50048x16xf32, #tpu.memory_space<vmem_shared>> -> memref<50048x16xf32, #tpu.memory_space<vmem_shared>>
      tpu.wait_indirect_dma semaphore(%arg15 : memref<!tpu.dma_semaphore, #tpu.memory_space<semaphore_mem>>) src(%dma_wait3A_203 : memref<128x16xf32, #tpu.memory_space<vmem>>) dst(%dma_wait3A_209 : memref<50048x16xf32, #tpu.memory_space<vmem_shared>>)
    }
    %scan3A_7 = arith.constant 49 : i32
    %barrier3A_8 = arith.constant 0 : index
    tpu.barrier barrier_id(%barrier3A_8)
    %lt3A = arith.constant 15 : i32
    %lt3A_9 = arith.cmpi slt, %arg1, %lt3A : i32
    %convert_element_type3A = arith.extui %lt3A_9 : i1 to i32
    %cond3A = arith.constant 0 : i32
    %cond3A_10 = arith.cmpi ne, %convert_element_type3A, %cond3A : i32
    scf.if %cond3A_10 {
      %mul3A_15 = arith.constant 50000 : i32
      %mul3A_16 = arith.muli %arg0, %mul3A_15 : i32
      %add3A_17 = arith.addi %mul3A_16, %mul3A_2 : i32
      "tpu.region"() ({
        %run_scoped3A = tpu.sem_alloc : memref<!tpu.dma_semaphore, #tpu.memory_space<semaphore_mem>>
        %dma_start3A = arith.constant 0 : i32
        %dma_start3A_18 = tpu.memref_slice %arg7[%add3A_17, %dma_start3A] : memref<100000x16xf32, #tpu.memory_space<hbm>> -> memref<3128x16xf32, #tpu.memory_space<hbm>>
        %dma_start3A_19 = arith.constant 0 : i32
        %dma_start3A_20 = tpu.memref_slice %arg8[%mul3A_2, %dma_start3A_19] : memref<50048x16xf32, #tpu.memory_space<vmem_shared>> -> memref<3128x16xf32, #tpu.memory_space<vmem_shared>>
        tpu.enqueue_dma source(%dma_start3A_20 : memref<3128x16xf32, #tpu.memory_space<vmem_shared>>) target(%dma_start3A_18 : memref<3128x16xf32, #tpu.memory_space<hbm>>) target_semaphore(%run_scoped3A : memref<!tpu.dma_semaphore, #tpu.memory_space<semaphore_mem>>)
        %dma_wait3A = arith.constant 0 : i32
        %dma_wait3A_21 = tpu.memref_slice %arg7[%add3A_17, %dma_wait3A] : memref<100000x16xf32, #tpu.memory_space<hbm>> -> memref<3128x16xf32, #tpu.memory_space<hbm>>
        %dma_wait3A_22 = arith.constant 0 : i32
        %dma_wait3A_23 = tpu.memref_slice %arg8[%mul3A_2, %dma_wait3A_22] : memref<50048x16xf32, #tpu.memory_space<vmem_shared>> -> memref<3128x16xf32, #tpu.memory_space<vmem_shared>>
        tpu.wait_dma2 semaphore(%run_scoped3A : memref<!tpu.dma_semaphore, #tpu.memory_space<semaphore_mem>>) src(%dma_wait3A_23 : memref<3128x16xf32, #tpu.memory_space<vmem_shared>>) dst(%dma_wait3A_21 : memref<3128x16xf32, #tpu.memory_space<hbm>>)
        tpu.yield
      }) : () -> ()
    } else {
    }
    %eq3A = arith.constant 15 : i32
    %eq3A_11 = arith.cmpi eq, %arg1, %eq3A : i32
    %convert_element_type3A_12 = arith.extui %eq3A_11 : i1 to i32
    %cond3A_13 = arith.constant 0 : i32
    %cond3A_14 = arith.cmpi ne, %convert_element_type3A_12, %cond3A_13 : i32
    scf.if %cond3A_14 {
      %mul3A_15 = arith.constant 50000 : i32
      %mul3A_16 = arith.muli %arg0, %mul3A_15 : i32
      %add3A_17 = arith.addi %mul3A_16, %mul3A_2 : i32
      "tpu.region"() ({
        %run_scoped3A = tpu.sem_alloc : memref<!tpu.dma_semaphore, #tpu.memory_space<semaphore_mem>>
        %dma_start3A = arith.constant 0 : i32
        %dma_start3A_18 = tpu.memref_slice %arg7[%add3A_17, %dma_start3A] : memref<100000x16xf32, #tpu.memory_space<hbm>> -> memref<3080x16xf32, #tpu.memory_space<hbm>>
        %dma_start3A_19 = arith.constant 0 : i32
        %dma_start3A_20 = tpu.memref_slice %arg8[%mul3A_2, %dma_start3A_19] : memref<50048x16xf32, #tpu.memory_space<vmem_shared>> -> memref<3080x16xf32, #tpu.memory_space<vmem_shared>>
        tpu.enqueue_dma source(%dma_start3A_20 : memref<3080x16xf32, #tpu.memory_space<vmem_shared>>) target(%dma_start3A_18 : memref<3080x16xf32, #tpu.memory_space<hbm>>) target_semaphore(%run_scoped3A : memref<!tpu.dma_semaphore, #tpu.memory_space<semaphore_mem>>)
        %dma_wait3A = arith.constant 0 : i32
        %dma_wait3A_21 = tpu.memref_slice %arg7[%add3A_17, %dma_wait3A] : memref<100000x16xf32, #tpu.memory_space<hbm>> -> memref<3080x16xf32, #tpu.memory_space<hbm>>
        %dma_wait3A_22 = arith.constant 0 : i32
        %dma_wait3A_23 = tpu.memref_slice %arg8[%mul3A_2, %dma_wait3A_22] : memref<50048x16xf32, #tpu.memory_space<vmem_shared>> -> memref<3080x16xf32, #tpu.memory_space<vmem_shared>>
        tpu.wait_dma2 semaphore(%run_scoped3A : memref<!tpu.dma_semaphore, #tpu.memory_space<semaphore_mem>>) src(%dma_wait3A_23 : memref<3080x16xf32, #tpu.memory_space<vmem_shared>>) dst(%dma_wait3A_21 : memref<3080x16xf32, #tpu.memory_space<hbm>>)
        tpu.yield
      }) : () -> ()
    } else {
    }
    return
  }
}

#map = affine_map<(d0, d1) -> (0, 0)>
#map1 = affine_map<(d0, d1) -> (0)>
module attributes {stable_mosaic.version = 14 : i64} {
  func.func @kern(%arg0: i32, %arg1: i32, %arg2: memref<6272x128xi32, #tpu.memory_space<hbm>>, %arg3: memref<6272x128xi32, #tpu.memory_space<hbm>>, %arg4: memref<802816xf32, #tpu.memory_space<hbm>>, %arg5: memref<100000x32xf32, #tpu.memory_space<hbm>>, %arg6: memref<50048x32xf32, #tpu.memory_space<hbm>>, %arg7: memref<100000x32xf32, #tpu.memory_space<hbm>>, %arg8: memref<50048x32xf32, #tpu.memory_space<vmem_shared>>, %arg9: memref<4x128xi32, #tpu.memory_space<vmem>>, %arg10: memref<4x128xi32, #tpu.memory_space<vmem>>, %arg11: memref<512xf32, #tpu.memory_space<vmem>>, %arg12: memref<512xi32, #tpu.memory_space<vmem>>, %arg13: memref<512x32xf32, #tpu.memory_space<vmem>>, %arg14: memref<!tpu.dma_semaphore, #tpu.memory_space<semaphore_mem>>, %arg15: memref<!tpu.dma_semaphore, #tpu.memory_space<semaphore_mem>>, %arg16: memref<!tpu.dma_semaphore, #tpu.memory_space<semaphore_mem>>) attributes {dimension_semantics = [#tpu.dimension_semantics<core_parallel>, #tpu.dimension_semantics<subcore_parallel>], iteration_bounds = array<i64: 2, 16>, scalar_prefetch = 0 : i64, scratch_operands = 9 : i64, tpu.core_type = #tpu.core_type<sc_vector_subcore>, window_params = [{transform_indices = #map}, {transform_indices = #map}, {transform_indices = #map1}, {transform_indices = #map}, {transform_indices = #map}, {transform_indices = #map}]} {
    %mul3A = arith.constant 3128 : i32
    %mul3A_0 = arith.muli %arg1, %mul3A : i32
    %mul3A_1 = arith.constant 50000 : i32
    %mul3A_2 = arith.muli %arg0, %mul3A_1 : i32
    "tpu.region"() ({
      %run_scoped3A = tpu.sem_alloc : memref<!tpu.dma_semaphore, #tpu.memory_space<semaphore_mem>>
      %dma_start3A = arith.constant 0 : i32
      %dma_start3A_15 = tpu.memref_slice %arg8[%mul3A_0, %dma_start3A] : memref<50048x32xf32, #tpu.memory_space<vmem_shared>> -> memref<3128x32xf32, #tpu.memory_space<vmem_shared>>
      %dma_start3A_16 = arith.constant 0 : i32
      %dma_start3A_17 = tpu.memref_slice %arg6[%mul3A_0, %dma_start3A_16] : memref<50048x32xf32, #tpu.memory_space<hbm>> -> memref<3128x32xf32, #tpu.memory_space<hbm>>
      tpu.enqueue_dma source(%dma_start3A_17 : memref<3128x32xf32, #tpu.memory_space<hbm>>) target(%dma_start3A_15 : memref<3128x32xf32, #tpu.memory_space<vmem_shared>>) target_semaphore(%run_scoped3A : memref<!tpu.dma_semaphore, #tpu.memory_space<semaphore_mem>>)
      %dma_wait3A = arith.constant 0 : i32
      %dma_wait3A_18 = tpu.memref_slice %arg8[%mul3A_0, %dma_wait3A] : memref<50048x32xf32, #tpu.memory_space<vmem_shared>> -> memref<3128x32xf32, #tpu.memory_space<vmem_shared>>
      %dma_wait3A_19 = arith.constant 0 : i32
      %dma_wait3A_20 = tpu.memref_slice %arg6[%mul3A_0, %dma_wait3A_19] : memref<50048x32xf32, #tpu.memory_space<hbm>> -> memref<3128x32xf32, #tpu.memory_space<hbm>>
      tpu.wait_dma2 semaphore(%run_scoped3A : memref<!tpu.dma_semaphore, #tpu.memory_space<semaphore_mem>>) src(%dma_wait3A_20 : memref<3128x32xf32, #tpu.memory_space<hbm>>) dst(%dma_wait3A_18 : memref<3128x32xf32, #tpu.memory_space<vmem_shared>>)
      tpu.yield
    }) : () -> ()
    %barrier3A = arith.constant 0 : index
    tpu.barrier barrier_id(%barrier3A)
    %scan3A = arith.constant 0 : i32
    %scan3A_3 = arith.constant 0 : i32
    %scan3A_4 = arith.constant 98 : i32
    %scan3A_5 = arith.addi %scan3A_3, %scan3A_4 : i32
    %scan3A_6 = arith.constant 1 : i32
    scf.for %scan3A_15 = %scan3A_3 to %scan3A_5 step %scan3A_6  : i32 {
      %mul3A_16 = arith.constant 98 : i32
      %mul3A_17 = arith.muli %arg1, %mul3A_16 : i32
      %add3A = arith.addi %mul3A_17, %scan3A_15 : i32
      %mul3A_18 = arith.constant 512 : i32
      %mul3A_19 = arith.muli %add3A, %mul3A_18 : i32
      %mul3A_20 = arith.constant 98 : i32
      %mul3A_21 = arith.muli %arg1, %mul3A_20 : i32
      %add3A_22 = arith.addi %mul3A_21, %scan3A_15 : i32
      %mul3A_23 = arith.constant 4 : i32
      %mul3A_24 = arith.muli %add3A_22, %mul3A_23 : i32
      %dma_start3A = arith.constant 0 : i32
      %dma_start3A_25 = tpu.memref_slice %arg2[%mul3A_24, %dma_start3A] : memref<6272x128xi32, #tpu.memory_space<hbm>> -> memref<4x128xi32, #tpu.memory_space<hbm>>
      %dma_start3A_26 = arith.constant 0 : i32
      %dma_start3A_27 = tpu.memref_slice %arg2[%mul3A_24, %dma_start3A_26] : memref<6272x128xi32, #tpu.memory_space<hbm>> -> memref<4x128xi32, #tpu.memory_space<hbm>>
      tpu.enqueue_dma source(%dma_start3A_27 : memref<4x128xi32, #tpu.memory_space<hbm>>) target(%arg9 : memref<4x128xi32, #tpu.memory_space<vmem>>) target_semaphore(%arg14 : memref<!tpu.dma_semaphore, #tpu.memory_space<semaphore_mem>>)
      %dma_start3A_28 = arith.constant 0 : i32
      %dma_start3A_29 = tpu.memref_slice %arg3[%mul3A_24, %dma_start3A_28] : memref<6272x128xi32, #tpu.memory_space<hbm>> -> memref<4x128xi32, #tpu.memory_space<hbm>>
      %dma_start3A_30 = arith.constant 0 : i32
      %dma_start3A_31 = tpu.memref_slice %arg3[%mul3A_24, %dma_start3A_30] : memref<6272x128xi32, #tpu.memory_space<hbm>> -> memref<4x128xi32, #tpu.memory_space<hbm>>
      tpu.enqueue_dma source(%dma_start3A_31 : memref<4x128xi32, #tpu.memory_space<hbm>>) target(%arg10 : memref<4x128xi32, #tpu.memory_space<vmem>>) target_semaphore(%arg14 : memref<!tpu.dma_semaphore, #tpu.memory_space<semaphore_mem>>)
      %dma_start3A_32 = tpu.memref_slice %arg4[%mul3A_19] : memref<802816xf32, #tpu.memory_space<hbm>> -> memref<512xf32, #tpu.memory_space<hbm>>
      %dma_start3A_33 = tpu.memref_slice %arg4[%mul3A_19] : memref<802816xf32, #tpu.memory_space<hbm>> -> memref<512xf32, #tpu.memory_space<hbm>>
      tpu.enqueue_dma source(%dma_start3A_33 : memref<512xf32, #tpu.memory_space<hbm>>) target(%arg11 : memref<512xf32, #tpu.memory_space<vmem>>) target_semaphore(%arg14 : memref<!tpu.dma_semaphore, #tpu.memory_space<semaphore_mem>>)
      %dma_wait3A = arith.constant 0 : i32
      %dma_wait3A_34 = tpu.memref_slice %arg2[%mul3A_24, %dma_wait3A] : memref<6272x128xi32, #tpu.memory_space<hbm>> -> memref<4x128xi32, #tpu.memory_space<hbm>>
      %dma_wait3A_35 = arith.constant 0 : i32
      %dma_wait3A_36 = tpu.memref_slice %arg2[%mul3A_24, %dma_wait3A_35] : memref<6272x128xi32, #tpu.memory_space<hbm>> -> memref<4x128xi32, #tpu.memory_space<hbm>>
      tpu.wait_dma2 semaphore(%arg14 : memref<!tpu.dma_semaphore, #tpu.memory_space<semaphore_mem>>) src(%dma_wait3A_36 : memref<4x128xi32, #tpu.memory_space<hbm>>) dst(%arg9 : memref<4x128xi32, #tpu.memory_space<vmem>>)
      %dma_wait3A_37 = arith.constant 0 : i32
      %dma_wait3A_38 = tpu.memref_slice %arg3[%mul3A_24, %dma_wait3A_37] : memref<6272x128xi32, #tpu.memory_space<hbm>> -> memref<4x128xi32, #tpu.memory_space<hbm>>
      %dma_wait3A_39 = arith.constant 0 : i32
      %dma_wait3A_40 = tpu.memref_slice %arg3[%mul3A_24, %dma_wait3A_39] : memref<6272x128xi32, #tpu.memory_space<hbm>> -> memref<4x128xi32, #tpu.memory_space<hbm>>
      tpu.wait_dma2 semaphore(%arg14 : memref<!tpu.dma_semaphore, #tpu.memory_space<semaphore_mem>>) src(%dma_wait3A_40 : memref<4x128xi32, #tpu.memory_space<hbm>>) dst(%arg10 : memref<4x128xi32, #tpu.memory_space<vmem>>)
      %dma_wait3A_41 = tpu.memref_slice %arg4[%mul3A_19] : memref<802816xf32, #tpu.memory_space<hbm>> -> memref<512xf32, #tpu.memory_space<hbm>>
      %dma_wait3A_42 = tpu.memref_slice %arg4[%mul3A_19] : memref<802816xf32, #tpu.memory_space<hbm>> -> memref<512xf32, #tpu.memory_space<hbm>>
      tpu.wait_dma2 semaphore(%arg14 : memref<!tpu.dma_semaphore, #tpu.memory_space<semaphore_mem>>) src(%dma_wait3A_42 : memref<512xf32, #tpu.memory_space<hbm>>) dst(%arg11 : memref<512xf32, #tpu.memory_space<vmem>>)
      %get3A = arith.constant 0 : i32
      %get3A_43 = arith.index_cast %get3A : i32 to index
      %get3A_44 = arith.constant 0 : index
      %get3A_45 = tpu.vector_load %arg9[%get3A_43, %get3A_44] {strides = array<i32>} : memref<4x128xi32, #tpu.memory_space<vmem>>, vector<1x16xi32>,
      %get3A_46 = vector.shape_cast %get3A_45 : vector<1x16xi32> to vector<16xi32>
      %add3A_47 = vector.broadcast %mul3A_2 : i32 to vector<16xi32>
      %add3A_48 = arith.addi %get3A_46, %add3A_47 : vector<16xi32>
      %swap3A = arith.constant 0 : index
      %swap3A_49 = tpu.vector_load %arg12[%swap3A] {strides = array<i32>} : memref<512xi32, #tpu.memory_space<vmem>>, vector<16xi32>,
      %swap3A_50 = vector.shape_cast %swap3A_49 : vector<16xi32> to vector<16xi32>
      %swap3A_51 = vector.shape_cast %add3A_48 : vector<16xi32> to vector<16xi32>
      tpu.vector_store %arg12[%swap3A], %swap3A_51 {strides = array<i32>} : memref<512xi32, #tpu.memory_space<vmem>>, vector<16xi32>,
      %get3A_52 = arith.constant 0 : i32
      %get3A_53 = arith.index_cast %get3A_52 : i32 to index
      %get3A_54 = arith.constant 16 : index
      %get3A_55 = tpu.vector_load %arg9[%get3A_53, %get3A_54] {strides = array<i32>} : memref<4x128xi32, #tpu.memory_space<vmem>>, vector<1x16xi32>,
      %get3A_56 = vector.shape_cast %get3A_55 : vector<1x16xi32> to vector<16xi32>
      %add3A_57 = vector.broadcast %mul3A_2 : i32 to vector<16xi32>
      %add3A_58 = arith.addi %get3A_56, %add3A_57 : vector<16xi32>
      %swap3A_59 = arith.constant 16 : index
      %swap3A_60 = tpu.vector_load %arg12[%swap3A_59] {strides = array<i32>} : memref<512xi32, #tpu.memory_space<vmem>>, vector<16xi32>,
      %swap3A_61 = vector.shape_cast %swap3A_60 : vector<16xi32> to vector<16xi32>
      %swap3A_62 = vector.shape_cast %add3A_58 : vector<16xi32> to vector<16xi32>
      tpu.vector_store %arg12[%swap3A_59], %swap3A_62 {strides = array<i32>} : memref<512xi32, #tpu.memory_space<vmem>>, vector<16xi32>,
      %get3A_63 = arith.constant 0 : i32
      %get3A_64 = arith.index_cast %get3A_63 : i32 to index
      %get3A_65 = arith.constant 32 : index
      %get3A_66 = tpu.vector_load %arg9[%get3A_64, %get3A_65] {strides = array<i32>} : memref<4x128xi32, #tpu.memory_space<vmem>>, vector<1x16xi32>,
      %get3A_67 = vector.shape_cast %get3A_66 : vector<1x16xi32> to vector<16xi32>
      %add3A_68 = vector.broadcast %mul3A_2 : i32 to vector<16xi32>
      %add3A_69 = arith.addi %get3A_67, %add3A_68 : vector<16xi32>
      %swap3A_70 = arith.constant 32 : index
      %swap3A_71 = tpu.vector_load %arg12[%swap3A_70] {strides = array<i32>} : memref<512xi32, #tpu.memory_space<vmem>>, vector<16xi32>,
      %swap3A_72 = vector.shape_cast %swap3A_71 : vector<16xi32> to vector<16xi32>
      %swap3A_73 = vector.shape_cast %add3A_69 : vector<16xi32> to vector<16xi32>
      tpu.vector_store %arg12[%swap3A_70], %swap3A_73 {strides = array<i32>} : memref<512xi32, #tpu.memory_space<vmem>>, vector<16xi32>,
      %get3A_74 = arith.constant 0 : i32
      %get3A_75 = arith.index_cast %get3A_74 : i32 to index
      %get3A_76 = arith.constant 48 : index
      %get3A_77 = tpu.vector_load %arg9[%get3A_75, %get3A_76] {strides = array<i32>} : memref<4x128xi32, #tpu.memory_space<vmem>>, vector<1x16xi32>,
      %get3A_78 = vector.shape_cast %get3A_77 : vector<1x16xi32> to vector<16xi32>
      %add3A_79 = vector.broadcast %mul3A_2 : i32 to vector<16xi32>
      %add3A_80 = arith.addi %get3A_78, %add3A_79 : vector<16xi32>
      %swap3A_81 = arith.constant 48 : index
      %swap3A_82 = tpu.vector_load %arg12[%swap3A_81] {strides = array<i32>} : memref<512xi32, #tpu.memory_space<vmem>>, vector<16xi32>,
      %swap3A_83 = vector.shape_cast %swap3A_82 : vector<16xi32> to vector<16xi32>
      %swap3A_84 = vector.shape_cast %add3A_80 : vector<16xi32> to vector<16xi32>
      tpu.vector_store %arg12[%swap3A_81], %swap3A_84 {strides = array<i32>} : memref<512xi32, #tpu.memory_space<vmem>>, vector<16xi32>,
      %get3A_85 = arith.constant 0 : i32
      %get3A_86 = arith.index_cast %get3A_85 : i32 to index
      %get3A_87 = arith.constant 64 : index
      %get3A_88 = tpu.vector_load %arg9[%get3A_86, %get3A_87] {strides = array<i32>} : memref<4x128xi32, #tpu.memory_space<vmem>>, vector<1x16xi32>,
      %get3A_89 = vector.shape_cast %get3A_88 : vector<1x16xi32> to vector<16xi32>
      %add3A_90 = vector.broadcast %mul3A_2 : i32 to vector<16xi32>
      %add3A_91 = arith.addi %get3A_89, %add3A_90 : vector<16xi32>
      %swap3A_92 = arith.constant 64 : index
      %swap3A_93 = tpu.vector_load %arg12[%swap3A_92] {strides = array<i32>} : memref<512xi32, #tpu.memory_space<vmem>>, vector<16xi32>,
      %swap3A_94 = vector.shape_cast %swap3A_93 : vector<16xi32> to vector<16xi32>
      %swap3A_95 = vector.shape_cast %add3A_91 : vector<16xi32> to vector<16xi32>
      tpu.vector_store %arg12[%swap3A_92], %swap3A_95 {strides = array<i32>} : memref<512xi32, #tpu.memory_space<vmem>>, vector<16xi32>,
      %get3A_96 = arith.constant 0 : i32
      %get3A_97 = arith.index_cast %get3A_96 : i32 to index
      %get3A_98 = arith.constant 80 : index
      %get3A_99 = tpu.vector_load %arg9[%get3A_97, %get3A_98] {strides = array<i32>} : memref<4x128xi32, #tpu.memory_space<vmem>>, vector<1x16xi32>,
      %get3A_100 = vector.shape_cast %get3A_99 : vector<1x16xi32> to vector<16xi32>
      %add3A_101 = vector.broadcast %mul3A_2 : i32 to vector<16xi32>
      %add3A_102 = arith.addi %get3A_100, %add3A_101 : vector<16xi32>
      %swap3A_103 = arith.constant 80 : index
      %swap3A_104 = tpu.vector_load %arg12[%swap3A_103] {strides = array<i32>} : memref<512xi32, #tpu.memory_space<vmem>>, vector<16xi32>,
      %swap3A_105 = vector.shape_cast %swap3A_104 : vector<16xi32> to vector<16xi32>
      %swap3A_106 = vector.shape_cast %add3A_102 : vector<16xi32> to vector<16xi32>
      tpu.vector_store %arg12[%swap3A_103], %swap3A_106 {strides = array<i32>} : memref<512xi32, #tpu.memory_space<vmem>>, vector<16xi32>,
      %get3A_107 = arith.constant 0 : i32
      %get3A_108 = arith.index_cast %get3A_107 : i32 to index
      %get3A_109 = arith.constant 96 : index
      %get3A_110 = tpu.vector_load %arg9[%get3A_108, %get3A_109] {strides = array<i32>} : memref<4x128xi32, #tpu.memory_space<vmem>>, vector<1x16xi32>,
      %get3A_111 = vector.shape_cast %get3A_110 : vector<1x16xi32> to vector<16xi32>
      %add3A_112 = vector.broadcast %mul3A_2 : i32 to vector<16xi32>
      %add3A_113 = arith.addi %get3A_111, %add3A_112 : vector<16xi32>
      %swap3A_114 = arith.constant 96 : index
      %swap3A_115 = tpu.vector_load %arg12[%swap3A_114] {strides = array<i32>} : memref<512xi32, #tpu.memory_space<vmem>>, vector<16xi32>,
      %swap3A_116 = vector.shape_cast %swap3A_115 : vector<16xi32> to vector<16xi32>
      %swap3A_117 = vector.shape_cast %add3A_113 : vector<16xi32> to vector<16xi32>
      tpu.vector_store %arg12[%swap3A_114], %swap3A_117 {strides = array<i32>} : memref<512xi32, #tpu.memory_space<vmem>>, vector<16xi32>,
      %get3A_118 = arith.constant 0 : i32
      %get3A_119 = arith.index_cast %get3A_118 : i32 to index
      %get3A_120 = arith.constant 112 : index
      %get3A_121 = tpu.vector_load %arg9[%get3A_119, %get3A_120] {strides = array<i32>} : memref<4x128xi32, #tpu.memory_space<vmem>>, vector<1x16xi32>,
      %get3A_122 = vector.shape_cast %get3A_121 : vector<1x16xi32> to vector<16xi32>
      %add3A_123 = vector.broadcast %mul3A_2 : i32 to vector<16xi32>
      %add3A_124 = arith.addi %get3A_122, %add3A_123 : vector<16xi32>
      %swap3A_125 = arith.constant 112 : index
      %swap3A_126 = tpu.vector_load %arg12[%swap3A_125] {strides = array<i32>} : memref<512xi32, #tpu.memory_space<vmem>>, vector<16xi32>,
      %swap3A_127 = vector.shape_cast %swap3A_126 : vector<16xi32> to vector<16xi32>
      %swap3A_128 = vector.shape_cast %add3A_124 : vector<16xi32> to vector<16xi32>
      tpu.vector_store %arg12[%swap3A_125], %swap3A_128 {strides = array<i32>} : memref<512xi32, #tpu.memory_space<vmem>>, vector<16xi32>,
      %get3A_129 = arith.constant 1 : i32
      %get3A_130 = arith.index_cast %get3A_129 : i32 to index
      %get3A_131 = arith.constant 0 : index
      %get3A_132 = tpu.vector_load %arg9[%get3A_130, %get3A_131] {strides = array<i32>} : memref<4x128xi32, #tpu.memory_space<vmem>>, vector<1x16xi32>,
      %get3A_133 = vector.shape_cast %get3A_132 : vector<1x16xi32> to vector<16xi32>
      %add3A_134 = vector.broadcast %mul3A_2 : i32 to vector<16xi32>
      %add3A_135 = arith.addi %get3A_133, %add3A_134 : vector<16xi32>
      %swap3A_136 = arith.constant 128 : index
      %swap3A_137 = tpu.vector_load %arg12[%swap3A_136] {strides = array<i32>} : memref<512xi32, #tpu.memory_space<vmem>>, vector<16xi32>,
      %swap3A_138 = vector.shape_cast %swap3A_137 : vector<16xi32> to vector<16xi32>
      %swap3A_139 = vector.shape_cast %add3A_135 : vector<16xi32> to vector<16xi32>
      tpu.vector_store %arg12[%swap3A_136], %swap3A_139 {strides = array<i32>} : memref<512xi32, #tpu.memory_space<vmem>>, vector<16xi32>,
      %get3A_140 = arith.constant 1 : i32
      %get3A_141 = arith.index_cast %get3A_140 : i32 to index
      %get3A_142 = arith.constant 16 : index
      %get3A_143 = tpu.vector_load %arg9[%get3A_141, %get3A_142] {strides = array<i32>} : memref<4x128xi32, #tpu.memory_space<vmem>>, vector<1x16xi32>,
      %get3A_144 = vector.shape_cast %get3A_143 : vector<1x16xi32> to vector<16xi32>
      %add3A_145 = vector.broadcast %mul3A_2 : i32 to vector<16xi32>
      %add3A_146 = arith.addi %get3A_144, %add3A_145 : vector<16xi32>
      %swap3A_147 = arith.constant 144 : index
      %swap3A_148 = tpu.vector_load %arg12[%swap3A_147] {strides = array<i32>} : memref<512xi32, #tpu.memory_space<vmem>>, vector<16xi32>,
      %swap3A_149 = vector.shape_cast %swap3A_148 : vector<16xi32> to vector<16xi32>
      %swap3A_150 = vector.shape_cast %add3A_146 : vector<16xi32> to vector<16xi32>
      tpu.vector_store %arg12[%swap3A_147], %swap3A_150 {strides = array<i32>} : memref<512xi32, #tpu.memory_space<vmem>>, vector<16xi32>,
      %get3A_151 = arith.constant 1 : i32
      %get3A_152 = arith.index_cast %get3A_151 : i32 to index
      %get3A_153 = arith.constant 32 : index
      %get3A_154 = tpu.vector_load %arg9[%get3A_152, %get3A_153] {strides = array<i32>} : memref<4x128xi32, #tpu.memory_space<vmem>>, vector<1x16xi32>,
      %get3A_155 = vector.shape_cast %get3A_154 : vector<1x16xi32> to vector<16xi32>
      %add3A_156 = vector.broadcast %mul3A_2 : i32 to vector<16xi32>
      %add3A_157 = arith.addi %get3A_155, %add3A_156 : vector<16xi32>
      %swap3A_158 = arith.constant 160 : index
      %swap3A_159 = tpu.vector_load %arg12[%swap3A_158] {strides = array<i32>} : memref<512xi32, #tpu.memory_space<vmem>>, vector<16xi32>,
      %swap3A_160 = vector.shape_cast %swap3A_159 : vector<16xi32> to vector<16xi32>
      %swap3A_161 = vector.shape_cast %add3A_157 : vector<16xi32> to vector<16xi32>
      tpu.vector_store %arg12[%swap3A_158], %swap3A_161 {strides = array<i32>} : memref<512xi32, #tpu.memory_space<vmem>>, vector<16xi32>,
      %get3A_162 = arith.constant 1 : i32
      %get3A_163 = arith.index_cast %get3A_162 : i32 to index
      %get3A_164 = arith.constant 48 : index
      %get3A_165 = tpu.vector_load %arg9[%get3A_163, %get3A_164] {strides = array<i32>} : memref<4x128xi32, #tpu.memory_space<vmem>>, vector<1x16xi32>,
      %get3A_166 = vector.shape_cast %get3A_165 : vector<1x16xi32> to vector<16xi32>
      %add3A_167 = vector.broadcast %mul3A_2 : i32 to vector<16xi32>
      %add3A_168 = arith.addi %get3A_166, %add3A_167 : vector<16xi32>
      %swap3A_169 = arith.constant 176 : index
      %swap3A_170 = tpu.vector_load %arg12[%swap3A_169] {strides = array<i32>} : memref<512xi32, #tpu.memory_space<vmem>>, vector<16xi32>,
      %swap3A_171 = vector.shape_cast %swap3A_170 : vector<16xi32> to vector<16xi32>
      %swap3A_172 = vector.shape_cast %add3A_168 : vector<16xi32> to vector<16xi32>
      tpu.vector_store %arg12[%swap3A_169], %swap3A_172 {strides = array<i32>} : memref<512xi32, #tpu.memory_space<vmem>>, vector<16xi32>,
      %get3A_173 = arith.constant 1 : i32
      %get3A_174 = arith.index_cast %get3A_173 : i32 to index
      %get3A_175 = arith.constant 64 : index
      %get3A_176 = tpu.vector_load %arg9[%get3A_174, %get3A_175] {strides = array<i32>} : memref<4x128xi32, #tpu.memory_space<vmem>>, vector<1x16xi32>,
      %get3A_177 = vector.shape_cast %get3A_176 : vector<1x16xi32> to vector<16xi32>
      %add3A_178 = vector.broadcast %mul3A_2 : i32 to vector<16xi32>
      %add3A_179 = arith.addi %get3A_177, %add3A_178 : vector<16xi32>
      %swap3A_180 = arith.constant 192 : index
      %swap3A_181 = tpu.vector_load %arg12[%swap3A_180] {strides = array<i32>} : memref<512xi32, #tpu.memory_space<vmem>>, vector<16xi32>,
      %swap3A_182 = vector.shape_cast %swap3A_181 : vector<16xi32> to vector<16xi32>
      %swap3A_183 = vector.shape_cast %add3A_179 : vector<16xi32> to vector<16xi32>
      tpu.vector_store %arg12[%swap3A_180], %swap3A_183 {strides = array<i32>} : memref<512xi32, #tpu.memory_space<vmem>>, vector<16xi32>,
      %get3A_184 = arith.constant 1 : i32
      %get3A_185 = arith.index_cast %get3A_184 : i32 to index
      %get3A_186 = arith.constant 80 : index
      %get3A_187 = tpu.vector_load %arg9[%get3A_185, %get3A_186] {strides = array<i32>} : memref<4x128xi32, #tpu.memory_space<vmem>>, vector<1x16xi32>,
      %get3A_188 = vector.shape_cast %get3A_187 : vector<1x16xi32> to vector<16xi32>
      %add3A_189 = vector.broadcast %mul3A_2 : i32 to vector<16xi32>
      %add3A_190 = arith.addi %get3A_188, %add3A_189 : vector<16xi32>
      %swap3A_191 = arith.constant 208 : index
      %swap3A_192 = tpu.vector_load %arg12[%swap3A_191] {strides = array<i32>} : memref<512xi32, #tpu.memory_space<vmem>>, vector<16xi32>,
      %swap3A_193 = vector.shape_cast %swap3A_192 : vector<16xi32> to vector<16xi32>
      %swap3A_194 = vector.shape_cast %add3A_190 : vector<16xi32> to vector<16xi32>
      tpu.vector_store %arg12[%swap3A_191], %swap3A_194 {strides = array<i32>} : memref<512xi32, #tpu.memory_space<vmem>>, vector<16xi32>,
      %get3A_195 = arith.constant 1 : i32
      %get3A_196 = arith.index_cast %get3A_195 : i32 to index
      %get3A_197 = arith.constant 96 : index
      %get3A_198 = tpu.vector_load %arg9[%get3A_196, %get3A_197] {strides = array<i32>} : memref<4x128xi32, #tpu.memory_space<vmem>>, vector<1x16xi32>,
      %get3A_199 = vector.shape_cast %get3A_198 : vector<1x16xi32> to vector<16xi32>
      %add3A_200 = vector.broadcast %mul3A_2 : i32 to vector<16xi32>
      %add3A_201 = arith.addi %get3A_199, %add3A_200 : vector<16xi32>
      %swap3A_202 = arith.constant 224 : index
      %swap3A_203 = tpu.vector_load %arg12[%swap3A_202] {strides = array<i32>} : memref<512xi32, #tpu.memory_space<vmem>>, vector<16xi32>,
      %swap3A_204 = vector.shape_cast %swap3A_203 : vector<16xi32> to vector<16xi32>
      %swap3A_205 = vector.shape_cast %add3A_201 : vector<16xi32> to vector<16xi32>
      tpu.vector_store %arg12[%swap3A_202], %swap3A_205 {strides = array<i32>} : memref<512xi32, #tpu.memory_space<vmem>>, vector<16xi32>,
      %get3A_206 = arith.constant 1 : i32
      %get3A_207 = arith.index_cast %get3A_206 : i32 to index
      %get3A_208 = arith.constant 112 : index
      %get3A_209 = tpu.vector_load %arg9[%get3A_207, %get3A_208] {strides = array<i32>} : memref<4x128xi32, #tpu.memory_space<vmem>>, vector<1x16xi32>,
      %get3A_210 = vector.shape_cast %get3A_209 : vector<1x16xi32> to vector<16xi32>
      %add3A_211 = vector.broadcast %mul3A_2 : i32 to vector<16xi32>
      %add3A_212 = arith.addi %get3A_210, %add3A_211 : vector<16xi32>
      %swap3A_213 = arith.constant 240 : index
      %swap3A_214 = tpu.vector_load %arg12[%swap3A_213] {strides = array<i32>} : memref<512xi32, #tpu.memory_space<vmem>>, vector<16xi32>,
      %swap3A_215 = vector.shape_cast %swap3A_214 : vector<16xi32> to vector<16xi32>
      %swap3A_216 = vector.shape_cast %add3A_212 : vector<16xi32> to vector<16xi32>
      tpu.vector_store %arg12[%swap3A_213], %swap3A_216 {strides = array<i32>} : memref<512xi32, #tpu.memory_space<vmem>>, vector<16xi32>,
      %get3A_217 = arith.constant 2 : i32
      %get3A_218 = arith.index_cast %get3A_217 : i32 to index
      %get3A_219 = arith.constant 0 : index
      %get3A_220 = tpu.vector_load %arg9[%get3A_218, %get3A_219] {strides = array<i32>} : memref<4x128xi32, #tpu.memory_space<vmem>>, vector<1x16xi32>,
      %get3A_221 = vector.shape_cast %get3A_220 : vector<1x16xi32> to vector<16xi32>
      %add3A_222 = vector.broadcast %mul3A_2 : i32 to vector<16xi32>
      %add3A_223 = arith.addi %get3A_221, %add3A_222 : vector<16xi32>
      %swap3A_224 = arith.constant 256 : index
      %swap3A_225 = tpu.vector_load %arg12[%swap3A_224] {strides = array<i32>} : memref<512xi32, #tpu.memory_space<vmem>>, vector<16xi32>,
      %swap3A_226 = vector.shape_cast %swap3A_225 : vector<16xi32> to vector<16xi32>
      %swap3A_227 = vector.shape_cast %add3A_223 : vector<16xi32> to vector<16xi32>
      tpu.vector_store %arg12[%swap3A_224], %swap3A_227 {strides = array<i32>} : memref<512xi32, #tpu.memory_space<vmem>>, vector<16xi32>,
      %get3A_228 = arith.constant 2 : i32
      %get3A_229 = arith.index_cast %get3A_228 : i32 to index
      %get3A_230 = arith.constant 16 : index
      %get3A_231 = tpu.vector_load %arg9[%get3A_229, %get3A_230] {strides = array<i32>} : memref<4x128xi32, #tpu.memory_space<vmem>>, vector<1x16xi32>,
      %get3A_232 = vector.shape_cast %get3A_231 : vector<1x16xi32> to vector<16xi32>
      %add3A_233 = vector.broadcast %mul3A_2 : i32 to vector<16xi32>
      %add3A_234 = arith.addi %get3A_232, %add3A_233 : vector<16xi32>
      %swap3A_235 = arith.constant 272 : index
      %swap3A_236 = tpu.vector_load %arg12[%swap3A_235] {strides = array<i32>} : memref<512xi32, #tpu.memory_space<vmem>>, vector<16xi32>,
      %swap3A_237 = vector.shape_cast %swap3A_236 : vector<16xi32> to vector<16xi32>
      %swap3A_238 = vector.shape_cast %add3A_234 : vector<16xi32> to vector<16xi32>
      tpu.vector_store %arg12[%swap3A_235], %swap3A_238 {strides = array<i32>} : memref<512xi32, #tpu.memory_space<vmem>>, vector<16xi32>,
      %get3A_239 = arith.constant 2 : i32
      %get3A_240 = arith.index_cast %get3A_239 : i32 to index
      %get3A_241 = arith.constant 32 : index
      %get3A_242 = tpu.vector_load %arg9[%get3A_240, %get3A_241] {strides = array<i32>} : memref<4x128xi32, #tpu.memory_space<vmem>>, vector<1x16xi32>,
      %get3A_243 = vector.shape_cast %get3A_242 : vector<1x16xi32> to vector<16xi32>
      %add3A_244 = vector.broadcast %mul3A_2 : i32 to vector<16xi32>
      %add3A_245 = arith.addi %get3A_243, %add3A_244 : vector<16xi32>
      %swap3A_246 = arith.constant 288 : index
      %swap3A_247 = tpu.vector_load %arg12[%swap3A_246] {strides = array<i32>} : memref<512xi32, #tpu.memory_space<vmem>>, vector<16xi32>,
      %swap3A_248 = vector.shape_cast %swap3A_247 : vector<16xi32> to vector<16xi32>
      %swap3A_249 = vector.shape_cast %add3A_245 : vector<16xi32> to vector<16xi32>
      tpu.vector_store %arg12[%swap3A_246], %swap3A_249 {strides = array<i32>} : memref<512xi32, #tpu.memory_space<vmem>>, vector<16xi32>,
      %get3A_250 = arith.constant 2 : i32
      %get3A_251 = arith.index_cast %get3A_250 : i32 to index
      %get3A_252 = arith.constant 48 : index
      %get3A_253 = tpu.vector_load %arg9[%get3A_251, %get3A_252] {strides = array<i32>} : memref<4x128xi32, #tpu.memory_space<vmem>>, vector<1x16xi32>,
      %get3A_254 = vector.shape_cast %get3A_253 : vector<1x16xi32> to vector<16xi32>
      %add3A_255 = vector.broadcast %mul3A_2 : i32 to vector<16xi32>
      %add3A_256 = arith.addi %get3A_254, %add3A_255 : vector<16xi32>
      %swap3A_257 = arith.constant 304 : index
      %swap3A_258 = tpu.vector_load %arg12[%swap3A_257] {strides = array<i32>} : memref<512xi32, #tpu.memory_space<vmem>>, vector<16xi32>,
      %swap3A_259 = vector.shape_cast %swap3A_258 : vector<16xi32> to vector<16xi32>
      %swap3A_260 = vector.shape_cast %add3A_256 : vector<16xi32> to vector<16xi32>
      tpu.vector_store %arg12[%swap3A_257], %swap3A_260 {strides = array<i32>} : memref<512xi32, #tpu.memory_space<vmem>>, vector<16xi32>,
      %get3A_261 = arith.constant 2 : i32
      %get3A_262 = arith.index_cast %get3A_261 : i32 to index
      %get3A_263 = arith.constant 64 : index
      %get3A_264 = tpu.vector_load %arg9[%get3A_262, %get3A_263] {strides = array<i32>} : memref<4x128xi32, #tpu.memory_space<vmem>>, vector<1x16xi32>,
      %get3A_265 = vector.shape_cast %get3A_264 : vector<1x16xi32> to vector<16xi32>
      %add3A_266 = vector.broadcast %mul3A_2 : i32 to vector<16xi32>
      %add3A_267 = arith.addi %get3A_265, %add3A_266 : vector<16xi32>
      %swap3A_268 = arith.constant 320 : index
      %swap3A_269 = tpu.vector_load %arg12[%swap3A_268] {strides = array<i32>} : memref<512xi32, #tpu.memory_space<vmem>>, vector<16xi32>,
      %swap3A_270 = vector.shape_cast %swap3A_269 : vector<16xi32> to vector<16xi32>
      %swap3A_271 = vector.shape_cast %add3A_267 : vector<16xi32> to vector<16xi32>
      tpu.vector_store %arg12[%swap3A_268], %swap3A_271 {strides = array<i32>} : memref<512xi32, #tpu.memory_space<vmem>>, vector<16xi32>,
      %get3A_272 = arith.constant 2 : i32
      %get3A_273 = arith.index_cast %get3A_272 : i32 to index
      %get3A_274 = arith.constant 80 : index
      %get3A_275 = tpu.vector_load %arg9[%get3A_273, %get3A_274] {strides = array<i32>} : memref<4x128xi32, #tpu.memory_space<vmem>>, vector<1x16xi32>,
      %get3A_276 = vector.shape_cast %get3A_275 : vector<1x16xi32> to vector<16xi32>
      %add3A_277 = vector.broadcast %mul3A_2 : i32 to vector<16xi32>
      %add3A_278 = arith.addi %get3A_276, %add3A_277 : vector<16xi32>
      %swap3A_279 = arith.constant 336 : index
      %swap3A_280 = tpu.vector_load %arg12[%swap3A_279] {strides = array<i32>} : memref<512xi32, #tpu.memory_space<vmem>>, vector<16xi32>,
      %swap3A_281 = vector.shape_cast %swap3A_280 : vector<16xi32> to vector<16xi32>
      %swap3A_282 = vector.shape_cast %add3A_278 : vector<16xi32> to vector<16xi32>
      tpu.vector_store %arg12[%swap3A_279], %swap3A_282 {strides = array<i32>} : memref<512xi32, #tpu.memory_space<vmem>>, vector<16xi32>,
      %get3A_283 = arith.constant 2 : i32
      %get3A_284 = arith.index_cast %get3A_283 : i32 to index
      %get3A_285 = arith.constant 96 : index
      %get3A_286 = tpu.vector_load %arg9[%get3A_284, %get3A_285] {strides = array<i32>} : memref<4x128xi32, #tpu.memory_space<vmem>>, vector<1x16xi32>,
      %get3A_287 = vector.shape_cast %get3A_286 : vector<1x16xi32> to vector<16xi32>
      %add3A_288 = vector.broadcast %mul3A_2 : i32 to vector<16xi32>
      %add3A_289 = arith.addi %get3A_287, %add3A_288 : vector<16xi32>
      %swap3A_290 = arith.constant 352 : index
      %swap3A_291 = tpu.vector_load %arg12[%swap3A_290] {strides = array<i32>} : memref<512xi32, #tpu.memory_space<vmem>>, vector<16xi32>,
      %swap3A_292 = vector.shape_cast %swap3A_291 : vector<16xi32> to vector<16xi32>
      %swap3A_293 = vector.shape_cast %add3A_289 : vector<16xi32> to vector<16xi32>
      tpu.vector_store %arg12[%swap3A_290], %swap3A_293 {strides = array<i32>} : memref<512xi32, #tpu.memory_space<vmem>>, vector<16xi32>,
      %get3A_294 = arith.constant 2 : i32
      %get3A_295 = arith.index_cast %get3A_294 : i32 to index
      %get3A_296 = arith.constant 112 : index
      %get3A_297 = tpu.vector_load %arg9[%get3A_295, %get3A_296] {strides = array<i32>} : memref<4x128xi32, #tpu.memory_space<vmem>>, vector<1x16xi32>,
      %get3A_298 = vector.shape_cast %get3A_297 : vector<1x16xi32> to vector<16xi32>
      %add3A_299 = vector.broadcast %mul3A_2 : i32 to vector<16xi32>
      %add3A_300 = arith.addi %get3A_298, %add3A_299 : vector<16xi32>
      %swap3A_301 = arith.constant 368 : index
      %swap3A_302 = tpu.vector_load %arg12[%swap3A_301] {strides = array<i32>} : memref<512xi32, #tpu.memory_space<vmem>>, vector<16xi32>,
      %swap3A_303 = vector.shape_cast %swap3A_302 : vector<16xi32> to vector<16xi32>
      %swap3A_304 = vector.shape_cast %add3A_300 : vector<16xi32> to vector<16xi32>
      tpu.vector_store %arg12[%swap3A_301], %swap3A_304 {strides = array<i32>} : memref<512xi32, #tpu.memory_space<vmem>>, vector<16xi32>,
      %get3A_305 = arith.constant 3 : i32
      %get3A_306 = arith.index_cast %get3A_305 : i32 to index
      %get3A_307 = arith.constant 0 : index
      %get3A_308 = tpu.vector_load %arg9[%get3A_306, %get3A_307] {strides = array<i32>} : memref<4x128xi32, #tpu.memory_space<vmem>>, vector<1x16xi32>,
      %get3A_309 = vector.shape_cast %get3A_308 : vector<1x16xi32> to vector<16xi32>
      %add3A_310 = vector.broadcast %mul3A_2 : i32 to vector<16xi32>
      %add3A_311 = arith.addi %get3A_309, %add3A_310 : vector<16xi32>
      %swap3A_312 = arith.constant 384 : index
      %swap3A_313 = tpu.vector_load %arg12[%swap3A_312] {strides = array<i32>} : memref<512xi32, #tpu.memory_space<vmem>>, vector<16xi32>,
      %swap3A_314 = vector.shape_cast %swap3A_313 : vector<16xi32> to vector<16xi32>
      %swap3A_315 = vector.shape_cast %add3A_311 : vector<16xi32> to vector<16xi32>
      tpu.vector_store %arg12[%swap3A_312], %swap3A_315 {strides = array<i32>} : memref<512xi32, #tpu.memory_space<vmem>>, vector<16xi32>,
      %get3A_316 = arith.constant 3 : i32
      %get3A_317 = arith.index_cast %get3A_316 : i32 to index
      %get3A_318 = arith.constant 16 : index
      %get3A_319 = tpu.vector_load %arg9[%get3A_317, %get3A_318] {strides = array<i32>} : memref<4x128xi32, #tpu.memory_space<vmem>>, vector<1x16xi32>,
      %get3A_320 = vector.shape_cast %get3A_319 : vector<1x16xi32> to vector<16xi32>
      %add3A_321 = vector.broadcast %mul3A_2 : i32 to vector<16xi32>
      %add3A_322 = arith.addi %get3A_320, %add3A_321 : vector<16xi32>
      %swap3A_323 = arith.constant 400 : index
      %swap3A_324 = tpu.vector_load %arg12[%swap3A_323] {strides = array<i32>} : memref<512xi32, #tpu.memory_space<vmem>>, vector<16xi32>,
      %swap3A_325 = vector.shape_cast %swap3A_324 : vector<16xi32> to vector<16xi32>
      %swap3A_326 = vector.shape_cast %add3A_322 : vector<16xi32> to vector<16xi32>
      tpu.vector_store %arg12[%swap3A_323], %swap3A_326 {strides = array<i32>} : memref<512xi32, #tpu.memory_space<vmem>>, vector<16xi32>,
      %get3A_327 = arith.constant 3 : i32
      %get3A_328 = arith.index_cast %get3A_327 : i32 to index
      %get3A_329 = arith.constant 32 : index
      %get3A_330 = tpu.vector_load %arg9[%get3A_328, %get3A_329] {strides = array<i32>} : memref<4x128xi32, #tpu.memory_space<vmem>>, vector<1x16xi32>,
      %get3A_331 = vector.shape_cast %get3A_330 : vector<1x16xi32> to vector<16xi32>
      %add3A_332 = vector.broadcast %mul3A_2 : i32 to vector<16xi32>
      %add3A_333 = arith.addi %get3A_331, %add3A_332 : vector<16xi32>
      %swap3A_334 = arith.constant 416 : index
      %swap3A_335 = tpu.vector_load %arg12[%swap3A_334] {strides = array<i32>} : memref<512xi32, #tpu.memory_space<vmem>>, vector<16xi32>,
      %swap3A_336 = vector.shape_cast %swap3A_335 : vector<16xi32> to vector<16xi32>
      %swap3A_337 = vector.shape_cast %add3A_333 : vector<16xi32> to vector<16xi32>
      tpu.vector_store %arg12[%swap3A_334], %swap3A_337 {strides = array<i32>} : memref<512xi32, #tpu.memory_space<vmem>>, vector<16xi32>,
      %get3A_338 = arith.constant 3 : i32
      %get3A_339 = arith.index_cast %get3A_338 : i32 to index
      %get3A_340 = arith.constant 48 : index
      %get3A_341 = tpu.vector_load %arg9[%get3A_339, %get3A_340] {strides = array<i32>} : memref<4x128xi32, #tpu.memory_space<vmem>>, vector<1x16xi32>,
      %get3A_342 = vector.shape_cast %get3A_341 : vector<1x16xi32> to vector<16xi32>
      %add3A_343 = vector.broadcast %mul3A_2 : i32 to vector<16xi32>
      %add3A_344 = arith.addi %get3A_342, %add3A_343 : vector<16xi32>
      %swap3A_345 = arith.constant 432 : index
      %swap3A_346 = tpu.vector_load %arg12[%swap3A_345] {strides = array<i32>} : memref<512xi32, #tpu.memory_space<vmem>>, vector<16xi32>,
      %swap3A_347 = vector.shape_cast %swap3A_346 : vector<16xi32> to vector<16xi32>
      %swap3A_348 = vector.shape_cast %add3A_344 : vector<16xi32> to vector<16xi32>
      tpu.vector_store %arg12[%swap3A_345], %swap3A_348 {strides = array<i32>} : memref<512xi32, #tpu.memory_space<vmem>>, vector<16xi32>,
      %get3A_349 = arith.constant 3 : i32
      %get3A_350 = arith.index_cast %get3A_349 : i32 to index
      %get3A_351 = arith.constant 64 : index
      %get3A_352 = tpu.vector_load %arg9[%get3A_350, %get3A_351] {strides = array<i32>} : memref<4x128xi32, #tpu.memory_space<vmem>>, vector<1x16xi32>,
      %get3A_353 = vector.shape_cast %get3A_352 : vector<1x16xi32> to vector<16xi32>
      %add3A_354 = vector.broadcast %mul3A_2 : i32 to vector<16xi32>
      %add3A_355 = arith.addi %get3A_353, %add3A_354 : vector<16xi32>
      %swap3A_356 = arith.constant 448 : index
      %swap3A_357 = tpu.vector_load %arg12[%swap3A_356] {strides = array<i32>} : memref<512xi32, #tpu.memory_space<vmem>>, vector<16xi32>,
      %swap3A_358 = vector.shape_cast %swap3A_357 : vector<16xi32> to vector<16xi32>
      %swap3A_359 = vector.shape_cast %add3A_355 : vector<16xi32> to vector<16xi32>
      tpu.vector_store %arg12[%swap3A_356], %swap3A_359 {strides = array<i32>} : memref<512xi32, #tpu.memory_space<vmem>>, vector<16xi32>,
      %get3A_360 = arith.constant 3 : i32
      %get3A_361 = arith.index_cast %get3A_360 : i32 to index
      %get3A_362 = arith.constant 80 : index
      %get3A_363 = tpu.vector_load %arg9[%get3A_361, %get3A_362] {strides = array<i32>} : memref<4x128xi32, #tpu.memory_space<vmem>>, vector<1x16xi32>,
      %get3A_364 = vector.shape_cast %get3A_363 : vector<1x16xi32> to vector<16xi32>
      %add3A_365 = vector.broadcast %mul3A_2 : i32 to vector<16xi32>
      %add3A_366 = arith.addi %get3A_364, %add3A_365 : vector<16xi32>
      %swap3A_367 = arith.constant 464 : index
      %swap3A_368 = tpu.vector_load %arg12[%swap3A_367] {strides = array<i32>} : memref<512xi32, #tpu.memory_space<vmem>>, vector<16xi32>,
      %swap3A_369 = vector.shape_cast %swap3A_368 : vector<16xi32> to vector<16xi32>
      %swap3A_370 = vector.shape_cast %add3A_366 : vector<16xi32> to vector<16xi32>
      tpu.vector_store %arg12[%swap3A_367], %swap3A_370 {strides = array<i32>} : memref<512xi32, #tpu.memory_space<vmem>>, vector<16xi32>,
      %get3A_371 = arith.constant 3 : i32
      %get3A_372 = arith.index_cast %get3A_371 : i32 to index
      %get3A_373 = arith.constant 96 : index
      %get3A_374 = tpu.vector_load %arg9[%get3A_372, %get3A_373] {strides = array<i32>} : memref<4x128xi32, #tpu.memory_space<vmem>>, vector<1x16xi32>,
      %get3A_375 = vector.shape_cast %get3A_374 : vector<1x16xi32> to vector<16xi32>
      %add3A_376 = vector.broadcast %mul3A_2 : i32 to vector<16xi32>
      %add3A_377 = arith.addi %get3A_375, %add3A_376 : vector<16xi32>
      %swap3A_378 = arith.constant 480 : index
      %swap3A_379 = tpu.vector_load %arg12[%swap3A_378] {strides = array<i32>} : memref<512xi32, #tpu.memory_space<vmem>>, vector<16xi32>,
      %swap3A_380 = vector.shape_cast %swap3A_379 : vector<16xi32> to vector<16xi32>
      %swap3A_381 = vector.shape_cast %add3A_377 : vector<16xi32> to vector<16xi32>
      tpu.vector_store %arg12[%swap3A_378], %swap3A_381 {strides = array<i32>} : memref<512xi32, #tpu.memory_space<vmem>>, vector<16xi32>,
      %get3A_382 = arith.constant 3 : i32
      %get3A_383 = arith.index_cast %get3A_382 : i32 to index
      %get3A_384 = arith.constant 112 : index
      %get3A_385 = tpu.vector_load %arg9[%get3A_383, %get3A_384] {strides = array<i32>} : memref<4x128xi32, #tpu.memory_space<vmem>>, vector<1x16xi32>,
      %get3A_386 = vector.shape_cast %get3A_385 : vector<1x16xi32> to vector<16xi32>
      %add3A_387 = vector.broadcast %mul3A_2 : i32 to vector<16xi32>
      %add3A_388 = arith.addi %get3A_386, %add3A_387 : vector<16xi32>
      %swap3A_389 = arith.constant 496 : index
      %swap3A_390 = tpu.vector_load %arg12[%swap3A_389] {strides = array<i32>} : memref<512xi32, #tpu.memory_space<vmem>>, vector<16xi32>,
      %swap3A_391 = vector.shape_cast %swap3A_390 : vector<16xi32> to vector<16xi32>
      %swap3A_392 = vector.shape_cast %add3A_388 : vector<16xi32> to vector<16xi32>
      tpu.vector_store %arg12[%swap3A_389], %swap3A_392 {strides = array<i32>} : memref<512xi32, #tpu.memory_space<vmem>>, vector<16xi32>,
      %dma_start3A_393 = arith.constant 0 : i32
      %dma_start3A_394 = arith.constant 0 : i32
      %dma_start3A_395 = tpu.memref_slice %arg13[%dma_start3A_393, %dma_start3A_394] : memref<512x32xf32, #tpu.memory_space<vmem>> -> memref<128x32xf32, #tpu.memory_space<vmem>>
      %dma_start3A_396 = arith.constant 0 : i32
      %dma_start3A_397 = tpu.memref_slice %arg12[%dma_start3A_396] : memref<512xi32, #tpu.memory_space<vmem>> -> memref<128xi32, #tpu.memory_space<vmem>>
      %dma_start3A_398 = arith.constant 0 : i32
      %dma_start3A_399 = arith.constant 0 : i32
      %dma_start3A_400 = tpu.memref_slice %arg5[%dma_start3A_398, %dma_start3A_399] : memref<100000x32xf32, #tpu.memory_space<hbm>> -> memref<100000x32xf32, #tpu.memory_space<hbm>>
      tpu.enqueue_indirect_dma source(%dma_start3A_400 : memref<100000x32xf32, #tpu.memory_space<hbm>>) target(%dma_start3A_395 : memref<128x32xf32, #tpu.memory_space<vmem>>) offsets(%dma_start3A_397 : memref<128xi32, #tpu.memory_space<vmem>>) semaphore(%arg15 : memref<!tpu.dma_semaphore, #tpu.memory_space<semaphore_mem>>)
      %dma_start3A_401 = arith.constant 128 : i32
      %dma_start3A_402 = arith.constant 0 : i32
      %dma_start3A_403 = tpu.memref_slice %arg13[%dma_start3A_401, %dma_start3A_402] : memref<512x32xf32, #tpu.memory_space<vmem>> -> memref<128x32xf32, #tpu.memory_space<vmem>>
      %dma_start3A_404 = arith.constant 128 : i32
      %dma_start3A_405 = tpu.memref_slice %arg12[%dma_start3A_404] : memref<512xi32, #tpu.memory_space<vmem>> -> memref<128xi32, #tpu.memory_space<vmem>>
      %dma_start3A_406 = arith.constant 0 : i32
      %dma_start3A_407 = arith.constant 0 : i32
      %dma_start3A_408 = tpu.memref_slice %arg5[%dma_start3A_406, %dma_start3A_407] : memref<100000x32xf32, #tpu.memory_space<hbm>> -> memref<100000x32xf32, #tpu.memory_space<hbm>>
      tpu.enqueue_indirect_dma source(%dma_start3A_408 : memref<100000x32xf32, #tpu.memory_space<hbm>>) target(%dma_start3A_403 : memref<128x32xf32, #tpu.memory_space<vmem>>) offsets(%dma_start3A_405 : memref<128xi32, #tpu.memory_space<vmem>>) semaphore(%arg15 : memref<!tpu.dma_semaphore, #tpu.memory_space<semaphore_mem>>)
      %dma_start3A_409 = arith.constant 256 : i32
      %dma_start3A_410 = arith.constant 0 : i32
      %dma_start3A_411 = tpu.memref_slice %arg13[%dma_start3A_409, %dma_start3A_410] : memref<512x32xf32, #tpu.memory_space<vmem>> -> memref<128x32xf32, #tpu.memory_space<vmem>>
      %dma_start3A_412 = arith.constant 256 : i32
      %dma_start3A_413 = tpu.memref_slice %arg12[%dma_start3A_412] : memref<512xi32, #tpu.memory_space<vmem>> -> memref<128xi32, #tpu.memory_space<vmem>>
      %dma_start3A_414 = arith.constant 0 : i32
      %dma_start3A_415 = arith.constant 0 : i32
      %dma_start3A_416 = tpu.memref_slice %arg5[%dma_start3A_414, %dma_start3A_415] : memref<100000x32xf32, #tpu.memory_space<hbm>> -> memref<100000x32xf32, #tpu.memory_space<hbm>>
      tpu.enqueue_indirect_dma source(%dma_start3A_416 : memref<100000x32xf32, #tpu.memory_space<hbm>>) target(%dma_start3A_411 : memref<128x32xf32, #tpu.memory_space<vmem>>) offsets(%dma_start3A_413 : memref<128xi32, #tpu.memory_space<vmem>>) semaphore(%arg15 : memref<!tpu.dma_semaphore, #tpu.memory_space<semaphore_mem>>)
      %dma_start3A_417 = arith.constant 384 : i32
      %dma_start3A_418 = arith.constant 0 : i32
      %dma_start3A_419 = tpu.memref_slice %arg13[%dma_start3A_417, %dma_start3A_418] : memref<512x32xf32, #tpu.memory_space<vmem>> -> memref<128x32xf32, #tpu.memory_space<vmem>>
      %dma_start3A_420 = arith.constant 384 : i32
      %dma_start3A_421 = tpu.memref_slice %arg12[%dma_start3A_420] : memref<512xi32, #tpu.memory_space<vmem>> -> memref<128xi32, #tpu.memory_space<vmem>>
      %dma_start3A_422 = arith.constant 0 : i32
      %dma_start3A_423 = arith.constant 0 : i32
      %dma_start3A_424 = tpu.memref_slice %arg5[%dma_start3A_422, %dma_start3A_423] : memref<100000x32xf32, #tpu.memory_space<hbm>> -> memref<100000x32xf32, #tpu.memory_space<hbm>>
      tpu.enqueue_indirect_dma source(%dma_start3A_424 : memref<100000x32xf32, #tpu.memory_space<hbm>>) target(%dma_start3A_419 : memref<128x32xf32, #tpu.memory_space<vmem>>) offsets(%dma_start3A_421 : memref<128xi32, #tpu.memory_space<vmem>>) semaphore(%arg15 : memref<!tpu.dma_semaphore, #tpu.memory_space<semaphore_mem>>)
      %dma_wait3A_425 = arith.constant 0 : i32
      %dma_wait3A_426 = arith.constant 0 : i32
      %dma_wait3A_427 = tpu.memref_slice %arg13[%dma_wait3A_425, %dma_wait3A_426] : memref<512x32xf32, #tpu.memory_space<vmem>> -> memref<128x32xf32, #tpu.memory_space<vmem>>
      %dma_wait3A_428 = arith.constant 0 : i32
      %dma_wait3A_429 = tpu.memref_slice %arg12[%dma_wait3A_428] : memref<512xi32, #tpu.memory_space<vmem>> -> memref<128xi32, #tpu.memory_space<vmem>>
      %dma_wait3A_430 = arith.constant 0 : i32
      %dma_wait3A_431 = arith.constant 0 : i32
      %dma_wait3A_432 = tpu.memref_slice %arg5[%dma_wait3A_430, %dma_wait3A_431] : memref<100000x32xf32, #tpu.memory_space<hbm>> -> memref<100000x32xf32, #tpu.memory_space<hbm>>
      tpu.wait_indirect_dma semaphore(%arg15 : memref<!tpu.dma_semaphore, #tpu.memory_space<semaphore_mem>>) src(%dma_wait3A_432 : memref<100000x32xf32, #tpu.memory_space<hbm>>) dst(%dma_wait3A_427 : memref<128x32xf32, #tpu.memory_space<vmem>>)
      %dma_wait3A_433 = arith.constant 128 : i32
      %dma_wait3A_434 = arith.constant 0 : i32
      %dma_wait3A_435 = tpu.memref_slice %arg13[%dma_wait3A_433, %dma_wait3A_434] : memref<512x32xf32, #tpu.memory_space<vmem>> -> memref<128x32xf32, #tpu.memory_space<vmem>>
      %dma_wait3A_436 = arith.constant 128 : i32
      %dma_wait3A_437 = tpu.memref_slice %arg12[%dma_wait3A_436] : memref<512xi32, #tpu.memory_space<vmem>> -> memref<128xi32, #tpu.memory_space<vmem>>
      %dma_wait3A_438 = arith.constant 0 : i32
      %dma_wait3A_439 = arith.constant 0 : i32
      %dma_wait3A_440 = tpu.memref_slice %arg5[%dma_wait3A_438, %dma_wait3A_439] : memref<100000x32xf32, #tpu.memory_space<hbm>> -> memref<100000x32xf32, #tpu.memory_space<hbm>>
      tpu.wait_indirect_dma semaphore(%arg15 : memref<!tpu.dma_semaphore, #tpu.memory_space<semaphore_mem>>) src(%dma_wait3A_440 : memref<100000x32xf32, #tpu.memory_space<hbm>>) dst(%dma_wait3A_435 : memref<128x32xf32, #tpu.memory_space<vmem>>)
      %dma_wait3A_441 = arith.constant 256 : i32
      %dma_wait3A_442 = arith.constant 0 : i32
      %dma_wait3A_443 = tpu.memref_slice %arg13[%dma_wait3A_441, %dma_wait3A_442] : memref<512x32xf32, #tpu.memory_space<vmem>> -> memref<128x32xf32, #tpu.memory_space<vmem>>
      %dma_wait3A_444 = arith.constant 256 : i32
      %dma_wait3A_445 = tpu.memref_slice %arg12[%dma_wait3A_444] : memref<512xi32, #tpu.memory_space<vmem>> -> memref<128xi32, #tpu.memory_space<vmem>>
      %dma_wait3A_446 = arith.constant 0 : i32
      %dma_wait3A_447 = arith.constant 0 : i32
      %dma_wait3A_448 = tpu.memref_slice %arg5[%dma_wait3A_446, %dma_wait3A_447] : memref<100000x32xf32, #tpu.memory_space<hbm>> -> memref<100000x32xf32, #tpu.memory_space<hbm>>
      tpu.wait_indirect_dma semaphore(%arg15 : memref<!tpu.dma_semaphore, #tpu.memory_space<semaphore_mem>>) src(%dma_wait3A_448 : memref<100000x32xf32, #tpu.memory_space<hbm>>) dst(%dma_wait3A_443 : memref<128x32xf32, #tpu.memory_space<vmem>>)
      %dma_wait3A_449 = arith.constant 384 : i32
      %dma_wait3A_450 = arith.constant 0 : i32
      %dma_wait3A_451 = tpu.memref_slice %arg13[%dma_wait3A_449, %dma_wait3A_450] : memref<512x32xf32, #tpu.memory_space<vmem>> -> memref<128x32xf32, #tpu.memory_space<vmem>>
      %dma_wait3A_452 = arith.constant 384 : i32
      %dma_wait3A_453 = tpu.memref_slice %arg12[%dma_wait3A_452] : memref<512xi32, #tpu.memory_space<vmem>> -> memref<128xi32, #tpu.memory_space<vmem>>
      %dma_wait3A_454 = arith.constant 0 : i32
      %dma_wait3A_455 = arith.constant 0 : i32
      %dma_wait3A_456 = tpu.memref_slice %arg5[%dma_wait3A_454, %dma_wait3A_455] : memref<100000x32xf32, #tpu.memory_space<hbm>> -> memref<100000x32xf32, #tpu.memory_space<hbm>>
      tpu.wait_indirect_dma semaphore(%arg15 : memref<!tpu.dma_semaphore, #tpu.memory_space<semaphore_mem>>) src(%dma_wait3A_456 : memref<100000x32xf32, #tpu.memory_space<hbm>>) dst(%dma_wait3A_451 : memref<128x32xf32, #tpu.memory_space<vmem>>)
      %scan3A_457 = arith.constant 0 : i32
      %scan3A_458 = arith.constant 0 : i32
      %scan3A_459 = arith.constant 32 : i32
      %scan3A_460 = arith.addi %scan3A_458, %scan3A_459 : i32
      %scan3A_461 = arith.constant 1 : i32
      scf.for %scan3A_543 = %scan3A_458 to %scan3A_460 step %scan3A_461  : i32 {
        %mul3A_544 = arith.constant 16 : i32
        %mul3A_545 = arith.muli %mul3A_544, %scan3A_543 : i32
        %get3A_546 = arith.index_cast %mul3A_545 : i32 to index
        %get3A_547 = tpu.vector_load %arg11[%get3A_546] {strides = array<i32>} : memref<512xf32, #tpu.memory_space<vmem>>, vector<16xf32>,
        %get3A_548 = vector.shape_cast %get3A_547 : vector<16xf32> to vector<16xf32>
        %mul3A_549 = arith.constant 16 : i32
        %mul3A_550 = arith.muli %mul3A_549, %scan3A_543 : i32
        %add3A_551 = arith.constant 0 : i32
        %add3A_552 = arith.addi %mul3A_550, %add3A_551 : i32
        %get3A_553 = arith.index_cast %add3A_552 : i32 to index
        %get3A_554 = arith.constant 0 : index
        %get3A_555 = tpu.vector_load %arg13[%get3A_553, %get3A_554] {strides = array<i32>} : memref<512x32xf32, #tpu.memory_space<vmem>>, vector<1x16xf32>,
        %get3A_556 = vector.shape_cast %get3A_555 : vector<1x16xf32> to vector<16xf32>
        %slice3A = vector.extract_strided_slice %get3A_548 {offsets = [0], sizes = [1], strides = [1]} : vector<16xf32> to vector<1xf32>
        %squeeze3A = vector.extract %slice3A[0] : f32 from vector<1xf32>
        %mul3A_557 = vector.broadcast %squeeze3A : f32 to vector<16xf32>
        %mul3A_558 = arith.mulf %get3A_556, %mul3A_557 : vector<16xf32>
        %swap3A_559 = arith.index_cast %add3A_552 : i32 to index
        %swap3A_560 = arith.constant 0 : index
        %swap3A_561 = tpu.vector_load %arg13[%swap3A_559, %swap3A_560] {strides = array<i32>} : memref<512x32xf32, #tpu.memory_space<vmem>>, vector<1x16xf32>,
        %swap3A_562 = vector.shape_cast %swap3A_561 : vector<1x16xf32> to vector<16xf32>
        %swap3A_563 = vector.shape_cast %mul3A_558 : vector<16xf32> to vector<1x16xf32>
        tpu.vector_store %arg13[%swap3A_559, %swap3A_560], %swap3A_563 {strides = array<i32>} : memref<512x32xf32, #tpu.memory_space<vmem>>, vector<1x16xf32>,
        %get3A_564 = arith.index_cast %add3A_552 : i32 to index
        %get3A_565 = arith.constant 16 : index
        %get3A_566 = tpu.vector_load %arg13[%get3A_564, %get3A_565] {strides = array<i32>} : memref<512x32xf32, #tpu.memory_space<vmem>>, vector<1x16xf32>,
        %get3A_567 = vector.shape_cast %get3A_566 : vector<1x16xf32> to vector<16xf32>
        %slice3A_568 = vector.extract_strided_slice %get3A_548 {offsets = [0], sizes = [1], strides = [1]} : vector<16xf32> to vector<1xf32>
        %squeeze3A_569 = vector.extract %slice3A_568[0] : f32 from vector<1xf32>
        %mul3A_570 = vector.broadcast %squeeze3A_569 : f32 to vector<16xf32>
        %mul3A_571 = arith.mulf %get3A_567, %mul3A_570 : vector<16xf32>
        %swap3A_572 = arith.index_cast %add3A_552 : i32 to index
        %swap3A_573 = arith.constant 16 : index
        %swap3A_574 = tpu.vector_load %arg13[%swap3A_572, %swap3A_573] {strides = array<i32>} : memref<512x32xf32, #tpu.memory_space<vmem>>, vector<1x16xf32>,
        %swap3A_575 = vector.shape_cast %swap3A_574 : vector<1x16xf32> to vector<16xf32>
        %swap3A_576 = vector.shape_cast %mul3A_571 : vector<16xf32> to vector<1x16xf32>
        tpu.vector_store %arg13[%swap3A_572, %swap3A_573], %swap3A_576 {strides = array<i32>} : memref<512x32xf32, #tpu.memory_space<vmem>>, vector<1x16xf32>,
        %mul3A_577 = arith.constant 16 : i32
        %mul3A_578 = arith.muli %mul3A_577, %scan3A_543 : i32
        %add3A_579 = arith.constant 1 : i32
        %add3A_580 = arith.addi %mul3A_578, %add3A_579 : i32
        %get3A_581 = arith.index_cast %add3A_580 : i32 to index
        %get3A_582 = arith.constant 0 : index
        %get3A_583 = tpu.vector_load %arg13[%get3A_581, %get3A_582] {strides = array<i32>} : memref<512x32xf32, #tpu.memory_space<vmem>>, vector<1x16xf32>,
        %get3A_584 = vector.shape_cast %get3A_583 : vector<1x16xf32> to vector<16xf32>
        %slice3A_585 = vector.extract_strided_slice %get3A_548 {offsets = [1], sizes = [1], strides = [1]} : vector<16xf32> to vector<1xf32>
        %squeeze3A_586 = vector.extract %slice3A_585[0] : f32 from vector<1xf32>
        %mul3A_587 = vector.broadcast %squeeze3A_586 : f32 to vector<16xf32>
        %mul3A_588 = arith.mulf %get3A_584, %mul3A_587 : vector<16xf32>
        %swap3A_589 = arith.index_cast %add3A_580 : i32 to index
        %swap3A_590 = arith.constant 0 : index
        %swap3A_591 = tpu.vector_load %arg13[%swap3A_589, %swap3A_590] {strides = array<i32>} : memref<512x32xf32, #tpu.memory_space<vmem>>, vector<1x16xf32>,
        %swap3A_592 = vector.shape_cast %swap3A_591 : vector<1x16xf32> to vector<16xf32>
        %swap3A_593 = vector.shape_cast %mul3A_588 : vector<16xf32> to vector<1x16xf32>
        tpu.vector_store %arg13[%swap3A_589, %swap3A_590], %swap3A_593 {strides = array<i32>} : memref<512x32xf32, #tpu.memory_space<vmem>>, vector<1x16xf32>,
        %get3A_594 = arith.index_cast %add3A_580 : i32 to index
        %get3A_595 = arith.constant 16 : index
        %get3A_596 = tpu.vector_load %arg13[%get3A_594, %get3A_595] {strides = array<i32>} : memref<512x32xf32, #tpu.memory_space<vmem>>, vector<1x16xf32>,
        %get3A_597 = vector.shape_cast %get3A_596 : vector<1x16xf32> to vector<16xf32>
        %slice3A_598 = vector.extract_strided_slice %get3A_548 {offsets = [1], sizes = [1], strides = [1]} : vector<16xf32> to vector<1xf32>
        %squeeze3A_599 = vector.extract %slice3A_598[0] : f32 from vector<1xf32>
        %mul3A_600 = vector.broadcast %squeeze3A_599 : f32 to vector<16xf32>
        %mul3A_601 = arith.mulf %get3A_597, %mul3A_600 : vector<16xf32>
        %swap3A_602 = arith.index_cast %add3A_580 : i32 to index
        %swap3A_603 = arith.constant 16 : index
        %swap3A_604 = tpu.vector_load %arg13[%swap3A_602, %swap3A_603] {strides = array<i32>} : memref<512x32xf32, #tpu.memory_space<vmem>>, vector<1x16xf32>,
        %swap3A_605 = vector.shape_cast %swap3A_604 : vector<1x16xf32> to vector<16xf32>
        %swap3A_606 = vector.shape_cast %mul3A_601 : vector<16xf32> to vector<1x16xf32>
        tpu.vector_store %arg13[%swap3A_602, %swap3A_603], %swap3A_606 {strides = array<i32>} : memref<512x32xf32, #tpu.memory_space<vmem>>, vector<1x16xf32>,
        %mul3A_607 = arith.constant 16 : i32
        %mul3A_608 = arith.muli %mul3A_607, %scan3A_543 : i32
        %add3A_609 = arith.constant 2 : i32
        %add3A_610 = arith.addi %mul3A_608, %add3A_609 : i32
        %get3A_611 = arith.index_cast %add3A_610 : i32 to index
        %get3A_612 = arith.constant 0 : index
        %get3A_613 = tpu.vector_load %arg13[%get3A_611, %get3A_612] {strides = array<i32>} : memref<512x32xf32, #tpu.memory_space<vmem>>, vector<1x16xf32>,
        %get3A_614 = vector.shape_cast %get3A_613 : vector<1x16xf32> to vector<16xf32>
        %slice3A_615 = vector.extract_strided_slice %get3A_548 {offsets = [2], sizes = [1], strides = [1]} : vector<16xf32> to vector<1xf32>
        %squeeze3A_616 = vector.extract %slice3A_615[0] : f32 from vector<1xf32>
        %mul3A_617 = vector.broadcast %squeeze3A_616 : f32 to vector<16xf32>
        %mul3A_618 = arith.mulf %get3A_614, %mul3A_617 : vector<16xf32>
        %swap3A_619 = arith.index_cast %add3A_610 : i32 to index
        %swap3A_620 = arith.constant 0 : index
        %swap3A_621 = tpu.vector_load %arg13[%swap3A_619, %swap3A_620] {strides = array<i32>} : memref<512x32xf32, #tpu.memory_space<vmem>>, vector<1x16xf32>,
        %swap3A_622 = vector.shape_cast %swap3A_621 : vector<1x16xf32> to vector<16xf32>
        %swap3A_623 = vector.shape_cast %mul3A_618 : vector<16xf32> to vector<1x16xf32>
        tpu.vector_store %arg13[%swap3A_619, %swap3A_620], %swap3A_623 {strides = array<i32>} : memref<512x32xf32, #tpu.memory_space<vmem>>, vector<1x16xf32>,
        %get3A_624 = arith.index_cast %add3A_610 : i32 to index
        %get3A_625 = arith.constant 16 : index
        %get3A_626 = tpu.vector_load %arg13[%get3A_624, %get3A_625] {strides = array<i32>} : memref<512x32xf32, #tpu.memory_space<vmem>>, vector<1x16xf32>,
        %get3A_627 = vector.shape_cast %get3A_626 : vector<1x16xf32> to vector<16xf32>
        %slice3A_628 = vector.extract_strided_slice %get3A_548 {offsets = [2], sizes = [1], strides = [1]} : vector<16xf32> to vector<1xf32>
        %squeeze3A_629 = vector.extract %slice3A_628[0] : f32 from vector<1xf32>
        %mul3A_630 = vector.broadcast %squeeze3A_629 : f32 to vector<16xf32>
        %mul3A_631 = arith.mulf %get3A_627, %mul3A_630 : vector<16xf32>
        %swap3A_632 = arith.index_cast %add3A_610 : i32 to index
        %swap3A_633 = arith.constant 16 : index
        %swap3A_634 = tpu.vector_load %arg13[%swap3A_632, %swap3A_633] {strides = array<i32>} : memref<512x32xf32, #tpu.memory_space<vmem>>, vector<1x16xf32>,
        %swap3A_635 = vector.shape_cast %swap3A_634 : vector<1x16xf32> to vector<16xf32>
        %swap3A_636 = vector.shape_cast %mul3A_631 : vector<16xf32> to vector<1x16xf32>
        tpu.vector_store %arg13[%swap3A_632, %swap3A_633], %swap3A_636 {strides = array<i32>} : memref<512x32xf32, #tpu.memory_space<vmem>>, vector<1x16xf32>,
        %mul3A_637 = arith.constant 16 : i32
        %mul3A_638 = arith.muli %mul3A_637, %scan3A_543 : i32
        %add3A_639 = arith.constant 3 : i32
        %add3A_640 = arith.addi %mul3A_638, %add3A_639 : i32
        %get3A_641 = arith.index_cast %add3A_640 : i32 to index
        %get3A_642 = arith.constant 0 : index
        %get3A_643 = tpu.vector_load %arg13[%get3A_641, %get3A_642] {strides = array<i32>} : memref<512x32xf32, #tpu.memory_space<vmem>>, vector<1x16xf32>,
        %get3A_644 = vector.shape_cast %get3A_643 : vector<1x16xf32> to vector<16xf32>
        %slice3A_645 = vector.extract_strided_slice %get3A_548 {offsets = [3], sizes = [1], strides = [1]} : vector<16xf32> to vector<1xf32>
        %squeeze3A_646 = vector.extract %slice3A_645[0] : f32 from vector<1xf32>
        %mul3A_647 = vector.broadcast %squeeze3A_646 : f32 to vector<16xf32>
        %mul3A_648 = arith.mulf %get3A_644, %mul3A_647 : vector<16xf32>
        %swap3A_649 = arith.index_cast %add3A_640 : i32 to index
        %swap3A_650 = arith.constant 0 : index
        %swap3A_651 = tpu.vector_load %arg13[%swap3A_649, %swap3A_650] {strides = array<i32>} : memref<512x32xf32, #tpu.memory_space<vmem>>, vector<1x16xf32>,
        %swap3A_652 = vector.shape_cast %swap3A_651 : vector<1x16xf32> to vector<16xf32>
        %swap3A_653 = vector.shape_cast %mul3A_648 : vector<16xf32> to vector<1x16xf32>
        tpu.vector_store %arg13[%swap3A_649, %swap3A_650], %swap3A_653 {strides = array<i32>} : memref<512x32xf32, #tpu.memory_space<vmem>>, vector<1x16xf32>,
        %get3A_654 = arith.index_cast %add3A_640 : i32 to index
        %get3A_655 = arith.constant 16 : index
        %get3A_656 = tpu.vector_load %arg13[%get3A_654, %get3A_655] {strides = array<i32>} : memref<512x32xf32, #tpu.memory_space<vmem>>, vector<1x16xf32>,
        %get3A_657 = vector.shape_cast %get3A_656 : vector<1x16xf32> to vector<16xf32>
        %slice3A_658 = vector.extract_strided_slice %get3A_548 {offsets = [3], sizes = [1], strides = [1]} : vector<16xf32> to vector<1xf32>
        %squeeze3A_659 = vector.extract %slice3A_658[0] : f32 from vector<1xf32>
        %mul3A_660 = vector.broadcast %squeeze3A_659 : f32 to vector<16xf32>
        %mul3A_661 = arith.mulf %get3A_657, %mul3A_660 : vector<16xf32>
        %swap3A_662 = arith.index_cast %add3A_640 : i32 to index
        %swap3A_663 = arith.constant 16 : index
        %swap3A_664 = tpu.vector_load %arg13[%swap3A_662, %swap3A_663] {strides = array<i32>} : memref<512x32xf32, #tpu.memory_space<vmem>>, vector<1x16xf32>,
        %swap3A_665 = vector.shape_cast %swap3A_664 : vector<1x16xf32> to vector<16xf32>
        %swap3A_666 = vector.shape_cast %mul3A_661 : vector<16xf32> to vector<1x16xf32>
        tpu.vector_store %arg13[%swap3A_662, %swap3A_663], %swap3A_666 {strides = array<i32>} : memref<512x32xf32, #tpu.memory_space<vmem>>, vector<1x16xf32>,
        %mul3A_667 = arith.constant 16 : i32
        %mul3A_668 = arith.muli %mul3A_667, %scan3A_543 : i32
        %add3A_669 = arith.constant 4 : i32
        %add3A_670 = arith.addi %mul3A_668, %add3A_669 : i32
        %get3A_671 = arith.index_cast %add3A_670 : i32 to index
        %get3A_672 = arith.constant 0 : index
        %get3A_673 = tpu.vector_load %arg13[%get3A_671, %get3A_672] {strides = array<i32>} : memref<512x32xf32, #tpu.memory_space<vmem>>, vector<1x16xf32>,
        %get3A_674 = vector.shape_cast %get3A_673 : vector<1x16xf32> to vector<16xf32>
        %slice3A_675 = vector.extract_strided_slice %get3A_548 {offsets = [4], sizes = [1], strides = [1]} : vector<16xf32> to vector<1xf32>
        %squeeze3A_676 = vector.extract %slice3A_675[0] : f32 from vector<1xf32>
        %mul3A_677 = vector.broadcast %squeeze3A_676 : f32 to vector<16xf32>
        %mul3A_678 = arith.mulf %get3A_674, %mul3A_677 : vector<16xf32>
        %swap3A_679 = arith.index_cast %add3A_670 : i32 to index
        %swap3A_680 = arith.constant 0 : index
        %swap3A_681 = tpu.vector_load %arg13[%swap3A_679, %swap3A_680] {strides = array<i32>} : memref<512x32xf32, #tpu.memory_space<vmem>>, vector<1x16xf32>,
        %swap3A_682 = vector.shape_cast %swap3A_681 : vector<1x16xf32> to vector<16xf32>
        %swap3A_683 = vector.shape_cast %mul3A_678 : vector<16xf32> to vector<1x16xf32>
        tpu.vector_store %arg13[%swap3A_679, %swap3A_680], %swap3A_683 {strides = array<i32>} : memref<512x32xf32, #tpu.memory_space<vmem>>, vector<1x16xf32>,
        %get3A_684 = arith.index_cast %add3A_670 : i32 to index
        %get3A_685 = arith.constant 16 : index
        %get3A_686 = tpu.vector_load %arg13[%get3A_684, %get3A_685] {strides = array<i32>} : memref<512x32xf32, #tpu.memory_space<vmem>>, vector<1x16xf32>,
        %get3A_687 = vector.shape_cast %get3A_686 : vector<1x16xf32> to vector<16xf32>
        %slice3A_688 = vector.extract_strided_slice %get3A_548 {offsets = [4], sizes = [1], strides = [1]} : vector<16xf32> to vector<1xf32>
        %squeeze3A_689 = vector.extract %slice3A_688[0] : f32 from vector<1xf32>
        %mul3A_690 = vector.broadcast %squeeze3A_689 : f32 to vector<16xf32>
        %mul3A_691 = arith.mulf %get3A_687, %mul3A_690 : vector<16xf32>
        %swap3A_692 = arith.index_cast %add3A_670 : i32 to index
        %swap3A_693 = arith.constant 16 : index
        %swap3A_694 = tpu.vector_load %arg13[%swap3A_692, %swap3A_693] {strides = array<i32>} : memref<512x32xf32, #tpu.memory_space<vmem>>, vector<1x16xf32>,
        %swap3A_695 = vector.shape_cast %swap3A_694 : vector<1x16xf32> to vector<16xf32>
        %swap3A_696 = vector.shape_cast %mul3A_691 : vector<16xf32> to vector<1x16xf32>
        tpu.vector_store %arg13[%swap3A_692, %swap3A_693], %swap3A_696 {strides = array<i32>} : memref<512x32xf32, #tpu.memory_space<vmem>>, vector<1x16xf32>,
        %mul3A_697 = arith.constant 16 : i32
        %mul3A_698 = arith.muli %mul3A_697, %scan3A_543 : i32
        %add3A_699 = arith.constant 5 : i32
        %add3A_700 = arith.addi %mul3A_698, %add3A_699 : i32
        %get3A_701 = arith.index_cast %add3A_700 : i32 to index
        %get3A_702 = arith.constant 0 : index
        %get3A_703 = tpu.vector_load %arg13[%get3A_701, %get3A_702] {strides = array<i32>} : memref<512x32xf32, #tpu.memory_space<vmem>>, vector<1x16xf32>,
        %get3A_704 = vector.shape_cast %get3A_703 : vector<1x16xf32> to vector<16xf32>
        %slice3A_705 = vector.extract_strided_slice %get3A_548 {offsets = [5], sizes = [1], strides = [1]} : vector<16xf32> to vector<1xf32>
        %squeeze3A_706 = vector.extract %slice3A_705[0] : f32 from vector<1xf32>
        %mul3A_707 = vector.broadcast %squeeze3A_706 : f32 to vector<16xf32>
        %mul3A_708 = arith.mulf %get3A_704, %mul3A_707 : vector<16xf32>
        %swap3A_709 = arith.index_cast %add3A_700 : i32 to index
        %swap3A_710 = arith.constant 0 : index
        %swap3A_711 = tpu.vector_load %arg13[%swap3A_709, %swap3A_710] {strides = array<i32>} : memref<512x32xf32, #tpu.memory_space<vmem>>, vector<1x16xf32>,
        %swap3A_712 = vector.shape_cast %swap3A_711 : vector<1x16xf32> to vector<16xf32>
        %swap3A_713 = vector.shape_cast %mul3A_708 : vector<16xf32> to vector<1x16xf32>
        tpu.vector_store %arg13[%swap3A_709, %swap3A_710], %swap3A_713 {strides = array<i32>} : memref<512x32xf32, #tpu.memory_space<vmem>>, vector<1x16xf32>,
        %get3A_714 = arith.index_cast %add3A_700 : i32 to index
        %get3A_715 = arith.constant 16 : index
        %get3A_716 = tpu.vector_load %arg13[%get3A_714, %get3A_715] {strides = array<i32>} : memref<512x32xf32, #tpu.memory_space<vmem>>, vector<1x16xf32>,
        %get3A_717 = vector.shape_cast %get3A_716 : vector<1x16xf32> to vector<16xf32>
        %slice3A_718 = vector.extract_strided_slice %get3A_548 {offsets = [5], sizes = [1], strides = [1]} : vector<16xf32> to vector<1xf32>
        %squeeze3A_719 = vector.extract %slice3A_718[0] : f32 from vector<1xf32>
        %mul3A_720 = vector.broadcast %squeeze3A_719 : f32 to vector<16xf32>
        %mul3A_721 = arith.mulf %get3A_717, %mul3A_720 : vector<16xf32>
        %swap3A_722 = arith.index_cast %add3A_700 : i32 to index
        %swap3A_723 = arith.constant 16 : index
        %swap3A_724 = tpu.vector_load %arg13[%swap3A_722, %swap3A_723] {strides = array<i32>} : memref<512x32xf32, #tpu.memory_space<vmem>>, vector<1x16xf32>,
        %swap3A_725 = vector.shape_cast %swap3A_724 : vector<1x16xf32> to vector<16xf32>
        %swap3A_726 = vector.shape_cast %mul3A_721 : vector<16xf32> to vector<1x16xf32>
        tpu.vector_store %arg13[%swap3A_722, %swap3A_723], %swap3A_726 {strides = array<i32>} : memref<512x32xf32, #tpu.memory_space<vmem>>, vector<1x16xf32>,
        %mul3A_727 = arith.constant 16 : i32
        %mul3A_728 = arith.muli %mul3A_727, %scan3A_543 : i32
        %add3A_729 = arith.constant 6 : i32
        %add3A_730 = arith.addi %mul3A_728, %add3A_729 : i32
        %get3A_731 = arith.index_cast %add3A_730 : i32 to index
        %get3A_732 = arith.constant 0 : index
        %get3A_733 = tpu.vector_load %arg13[%get3A_731, %get3A_732] {strides = array<i32>} : memref<512x32xf32, #tpu.memory_space<vmem>>, vector<1x16xf32>,
        %get3A_734 = vector.shape_cast %get3A_733 : vector<1x16xf32> to vector<16xf32>
        %slice3A_735 = vector.extract_strided_slice %get3A_548 {offsets = [6], sizes = [1], strides = [1]} : vector<16xf32> to vector<1xf32>
        %squeeze3A_736 = vector.extract %slice3A_735[0] : f32 from vector<1xf32>
        %mul3A_737 = vector.broadcast %squeeze3A_736 : f32 to vector<16xf32>
        %mul3A_738 = arith.mulf %get3A_734, %mul3A_737 : vector<16xf32>
        %swap3A_739 = arith.index_cast %add3A_730 : i32 to index
        %swap3A_740 = arith.constant 0 : index
        %swap3A_741 = tpu.vector_load %arg13[%swap3A_739, %swap3A_740] {strides = array<i32>} : memref<512x32xf32, #tpu.memory_space<vmem>>, vector<1x16xf32>,
        %swap3A_742 = vector.shape_cast %swap3A_741 : vector<1x16xf32> to vector<16xf32>
        %swap3A_743 = vector.shape_cast %mul3A_738 : vector<16xf32> to vector<1x16xf32>
        tpu.vector_store %arg13[%swap3A_739, %swap3A_740], %swap3A_743 {strides = array<i32>} : memref<512x32xf32, #tpu.memory_space<vmem>>, vector<1x16xf32>,
        %get3A_744 = arith.index_cast %add3A_730 : i32 to index
        %get3A_745 = arith.constant 16 : index
        %get3A_746 = tpu.vector_load %arg13[%get3A_744, %get3A_745] {strides = array<i32>} : memref<512x32xf32, #tpu.memory_space<vmem>>, vector<1x16xf32>,
        %get3A_747 = vector.shape_cast %get3A_746 : vector<1x16xf32> to vector<16xf32>
        %slice3A_748 = vector.extract_strided_slice %get3A_548 {offsets = [6], sizes = [1], strides = [1]} : vector<16xf32> to vector<1xf32>
        %squeeze3A_749 = vector.extract %slice3A_748[0] : f32 from vector<1xf32>
        %mul3A_750 = vector.broadcast %squeeze3A_749 : f32 to vector<16xf32>
        %mul3A_751 = arith.mulf %get3A_747, %mul3A_750 : vector<16xf32>
        %swap3A_752 = arith.index_cast %add3A_730 : i32 to index
        %swap3A_753 = arith.constant 16 : index
        %swap3A_754 = tpu.vector_load %arg13[%swap3A_752, %swap3A_753] {strides = array<i32>} : memref<512x32xf32, #tpu.memory_space<vmem>>, vector<1x16xf32>,
        %swap3A_755 = vector.shape_cast %swap3A_754 : vector<1x16xf32> to vector<16xf32>
        %swap3A_756 = vector.shape_cast %mul3A_751 : vector<16xf32> to vector<1x16xf32>
        tpu.vector_store %arg13[%swap3A_752, %swap3A_753], %swap3A_756 {strides = array<i32>} : memref<512x32xf32, #tpu.memory_space<vmem>>, vector<1x16xf32>,
        %mul3A_757 = arith.constant 16 : i32
        %mul3A_758 = arith.muli %mul3A_757, %scan3A_543 : i32
        %add3A_759 = arith.constant 7 : i32
        %add3A_760 = arith.addi %mul3A_758, %add3A_759 : i32
        %get3A_761 = arith.index_cast %add3A_760 : i32 to index
        %get3A_762 = arith.constant 0 : index
        %get3A_763 = tpu.vector_load %arg13[%get3A_761, %get3A_762] {strides = array<i32>} : memref<512x32xf32, #tpu.memory_space<vmem>>, vector<1x16xf32>,
        %get3A_764 = vector.shape_cast %get3A_763 : vector<1x16xf32> to vector<16xf32>
        %slice3A_765 = vector.extract_strided_slice %get3A_548 {offsets = [7], sizes = [1], strides = [1]} : vector<16xf32> to vector<1xf32>
        %squeeze3A_766 = vector.extract %slice3A_765[0] : f32 from vector<1xf32>
        %mul3A_767 = vector.broadcast %squeeze3A_766 : f32 to vector<16xf32>
        %mul3A_768 = arith.mulf %get3A_764, %mul3A_767 : vector<16xf32>
        %swap3A_769 = arith.index_cast %add3A_760 : i32 to index
        %swap3A_770 = arith.constant 0 : index
        %swap3A_771 = tpu.vector_load %arg13[%swap3A_769, %swap3A_770] {strides = array<i32>} : memref<512x32xf32, #tpu.memory_space<vmem>>, vector<1x16xf32>,
        %swap3A_772 = vector.shape_cast %swap3A_771 : vector<1x16xf32> to vector<16xf32>
        %swap3A_773 = vector.shape_cast %mul3A_768 : vector<16xf32> to vector<1x16xf32>
        tpu.vector_store %arg13[%swap3A_769, %swap3A_770], %swap3A_773 {strides = array<i32>} : memref<512x32xf32, #tpu.memory_space<vmem>>, vector<1x16xf32>,
        %get3A_774 = arith.index_cast %add3A_760 : i32 to index
        %get3A_775 = arith.constant 16 : index
        %get3A_776 = tpu.vector_load %arg13[%get3A_774, %get3A_775] {strides = array<i32>} : memref<512x32xf32, #tpu.memory_space<vmem>>, vector<1x16xf32>,
        %get3A_777 = vector.shape_cast %get3A_776 : vector<1x16xf32> to vector<16xf32>
        %slice3A_778 = vector.extract_strided_slice %get3A_548 {offsets = [7], sizes = [1], strides = [1]} : vector<16xf32> to vector<1xf32>
        %squeeze3A_779 = vector.extract %slice3A_778[0] : f32 from vector<1xf32>
        %mul3A_780 = vector.broadcast %squeeze3A_779 : f32 to vector<16xf32>
        %mul3A_781 = arith.mulf %get3A_777, %mul3A_780 : vector<16xf32>
        %swap3A_782 = arith.index_cast %add3A_760 : i32 to index
        %swap3A_783 = arith.constant 16 : index
        %swap3A_784 = tpu.vector_load %arg13[%swap3A_782, %swap3A_783] {strides = array<i32>} : memref<512x32xf32, #tpu.memory_space<vmem>>, vector<1x16xf32>,
        %swap3A_785 = vector.shape_cast %swap3A_784 : vector<1x16xf32> to vector<16xf32>
        %swap3A_786 = vector.shape_cast %mul3A_781 : vector<16xf32> to vector<1x16xf32>
        tpu.vector_store %arg13[%swap3A_782, %swap3A_783], %swap3A_786 {strides = array<i32>} : memref<512x32xf32, #tpu.memory_space<vmem>>, vector<1x16xf32>,
        %mul3A_787 = arith.constant 16 : i32
        %mul3A_788 = arith.muli %mul3A_787, %scan3A_543 : i32
        %add3A_789 = arith.constant 8 : i32
        %add3A_790 = arith.addi %mul3A_788, %add3A_789 : i32
        %get3A_791 = arith.index_cast %add3A_790 : i32 to index
        %get3A_792 = arith.constant 0 : index
        %get3A_793 = tpu.vector_load %arg13[%get3A_791, %get3A_792] {strides = array<i32>} : memref<512x32xf32, #tpu.memory_space<vmem>>, vector<1x16xf32>,
        %get3A_794 = vector.shape_cast %get3A_793 : vector<1x16xf32> to vector<16xf32>
        %slice3A_795 = vector.extract_strided_slice %get3A_548 {offsets = [8], sizes = [1], strides = [1]} : vector<16xf32> to vector<1xf32>
        %squeeze3A_796 = vector.extract %slice3A_795[0] : f32 from vector<1xf32>
        %mul3A_797 = vector.broadcast %squeeze3A_796 : f32 to vector<16xf32>
        %mul3A_798 = arith.mulf %get3A_794, %mul3A_797 : vector<16xf32>
        %swap3A_799 = arith.index_cast %add3A_790 : i32 to index
        %swap3A_800 = arith.constant 0 : index
        %swap3A_801 = tpu.vector_load %arg13[%swap3A_799, %swap3A_800] {strides = array<i32>} : memref<512x32xf32, #tpu.memory_space<vmem>>, vector<1x16xf32>,
        %swap3A_802 = vector.shape_cast %swap3A_801 : vector<1x16xf32> to vector<16xf32>
        %swap3A_803 = vector.shape_cast %mul3A_798 : vector<16xf32> to vector<1x16xf32>
        tpu.vector_store %arg13[%swap3A_799, %swap3A_800], %swap3A_803 {strides = array<i32>} : memref<512x32xf32, #tpu.memory_space<vmem>>, vector<1x16xf32>,
        %get3A_804 = arith.index_cast %add3A_790 : i32 to index
        %get3A_805 = arith.constant 16 : index
        %get3A_806 = tpu.vector_load %arg13[%get3A_804, %get3A_805] {strides = array<i32>} : memref<512x32xf32, #tpu.memory_space<vmem>>, vector<1x16xf32>,
        %get3A_807 = vector.shape_cast %get3A_806 : vector<1x16xf32> to vector<16xf32>
        %slice3A_808 = vector.extract_strided_slice %get3A_548 {offsets = [8], sizes = [1], strides = [1]} : vector<16xf32> to vector<1xf32>
        %squeeze3A_809 = vector.extract %slice3A_808[0] : f32 from vector<1xf32>
        %mul3A_810 = vector.broadcast %squeeze3A_809 : f32 to vector<16xf32>
        %mul3A_811 = arith.mulf %get3A_807, %mul3A_810 : vector<16xf32>
        %swap3A_812 = arith.index_cast %add3A_790 : i32 to index
        %swap3A_813 = arith.constant 16 : index
        %swap3A_814 = tpu.vector_load %arg13[%swap3A_812, %swap3A_813] {strides = array<i32>} : memref<512x32xf32, #tpu.memory_space<vmem>>, vector<1x16xf32>,
        %swap3A_815 = vector.shape_cast %swap3A_814 : vector<1x16xf32> to vector<16xf32>
        %swap3A_816 = vector.shape_cast %mul3A_811 : vector<16xf32> to vector<1x16xf32>
        tpu.vector_store %arg13[%swap3A_812, %swap3A_813], %swap3A_816 {strides = array<i32>} : memref<512x32xf32, #tpu.memory_space<vmem>>, vector<1x16xf32>,
        %mul3A_817 = arith.constant 16 : i32
        %mul3A_818 = arith.muli %mul3A_817, %scan3A_543 : i32
        %add3A_819 = arith.constant 9 : i32
        %add3A_820 = arith.addi %mul3A_818, %add3A_819 : i32
        %get3A_821 = arith.index_cast %add3A_820 : i32 to index
        %get3A_822 = arith.constant 0 : index
        %get3A_823 = tpu.vector_load %arg13[%get3A_821, %get3A_822] {strides = array<i32>} : memref<512x32xf32, #tpu.memory_space<vmem>>, vector<1x16xf32>,
        %get3A_824 = vector.shape_cast %get3A_823 : vector<1x16xf32> to vector<16xf32>
        %slice3A_825 = vector.extract_strided_slice %get3A_548 {offsets = [9], sizes = [1], strides = [1]} : vector<16xf32> to vector<1xf32>
        %squeeze3A_826 = vector.extract %slice3A_825[0] : f32 from vector<1xf32>
        %mul3A_827 = vector.broadcast %squeeze3A_826 : f32 to vector<16xf32>
        %mul3A_828 = arith.mulf %get3A_824, %mul3A_827 : vector<16xf32>
        %swap3A_829 = arith.index_cast %add3A_820 : i32 to index
        %swap3A_830 = arith.constant 0 : index
        %swap3A_831 = tpu.vector_load %arg13[%swap3A_829, %swap3A_830] {strides = array<i32>} : memref<512x32xf32, #tpu.memory_space<vmem>>, vector<1x16xf32>,
        %swap3A_832 = vector.shape_cast %swap3A_831 : vector<1x16xf32> to vector<16xf32>
        %swap3A_833 = vector.shape_cast %mul3A_828 : vector<16xf32> to vector<1x16xf32>
        tpu.vector_store %arg13[%swap3A_829, %swap3A_830], %swap3A_833 {strides = array<i32>} : memref<512x32xf32, #tpu.memory_space<vmem>>, vector<1x16xf32>,
        %get3A_834 = arith.index_cast %add3A_820 : i32 to index
        %get3A_835 = arith.constant 16 : index
        %get3A_836 = tpu.vector_load %arg13[%get3A_834, %get3A_835] {strides = array<i32>} : memref<512x32xf32, #tpu.memory_space<vmem>>, vector<1x16xf32>,
        %get3A_837 = vector.shape_cast %get3A_836 : vector<1x16xf32> to vector<16xf32>
        %slice3A_838 = vector.extract_strided_slice %get3A_548 {offsets = [9], sizes = [1], strides = [1]} : vector<16xf32> to vector<1xf32>
        %squeeze3A_839 = vector.extract %slice3A_838[0] : f32 from vector<1xf32>
        %mul3A_840 = vector.broadcast %squeeze3A_839 : f32 to vector<16xf32>
        %mul3A_841 = arith.mulf %get3A_837, %mul3A_840 : vector<16xf32>
        %swap3A_842 = arith.index_cast %add3A_820 : i32 to index
        %swap3A_843 = arith.constant 16 : index
        %swap3A_844 = tpu.vector_load %arg13[%swap3A_842, %swap3A_843] {strides = array<i32>} : memref<512x32xf32, #tpu.memory_space<vmem>>, vector<1x16xf32>,
        %swap3A_845 = vector.shape_cast %swap3A_844 : vector<1x16xf32> to vector<16xf32>
        %swap3A_846 = vector.shape_cast %mul3A_841 : vector<16xf32> to vector<1x16xf32>
        tpu.vector_store %arg13[%swap3A_842, %swap3A_843], %swap3A_846 {strides = array<i32>} : memref<512x32xf32, #tpu.memory_space<vmem>>, vector<1x16xf32>,
        %mul3A_847 = arith.constant 16 : i32
        %mul3A_848 = arith.muli %mul3A_847, %scan3A_543 : i32
        %add3A_849 = arith.constant 10 : i32
        %add3A_850 = arith.addi %mul3A_848, %add3A_849 : i32
        %get3A_851 = arith.index_cast %add3A_850 : i32 to index
        %get3A_852 = arith.constant 0 : index
        %get3A_853 = tpu.vector_load %arg13[%get3A_851, %get3A_852] {strides = array<i32>} : memref<512x32xf32, #tpu.memory_space<vmem>>, vector<1x16xf32>,
        %get3A_854 = vector.shape_cast %get3A_853 : vector<1x16xf32> to vector<16xf32>
        %slice3A_855 = vector.extract_strided_slice %get3A_548 {offsets = [10], sizes = [1], strides = [1]} : vector<16xf32> to vector<1xf32>
        %squeeze3A_856 = vector.extract %slice3A_855[0] : f32 from vector<1xf32>
        %mul3A_857 = vector.broadcast %squeeze3A_856 : f32 to vector<16xf32>
        %mul3A_858 = arith.mulf %get3A_854, %mul3A_857 : vector<16xf32>
        %swap3A_859 = arith.index_cast %add3A_850 : i32 to index
        %swap3A_860 = arith.constant 0 : index
        %swap3A_861 = tpu.vector_load %arg13[%swap3A_859, %swap3A_860] {strides = array<i32>} : memref<512x32xf32, #tpu.memory_space<vmem>>, vector<1x16xf32>,
        %swap3A_862 = vector.shape_cast %swap3A_861 : vector<1x16xf32> to vector<16xf32>
        %swap3A_863 = vector.shape_cast %mul3A_858 : vector<16xf32> to vector<1x16xf32>
        tpu.vector_store %arg13[%swap3A_859, %swap3A_860], %swap3A_863 {strides = array<i32>} : memref<512x32xf32, #tpu.memory_space<vmem>>, vector<1x16xf32>,
        %get3A_864 = arith.index_cast %add3A_850 : i32 to index
        %get3A_865 = arith.constant 16 : index
        %get3A_866 = tpu.vector_load %arg13[%get3A_864, %get3A_865] {strides = array<i32>} : memref<512x32xf32, #tpu.memory_space<vmem>>, vector<1x16xf32>,
        %get3A_867 = vector.shape_cast %get3A_866 : vector<1x16xf32> to vector<16xf32>
        %slice3A_868 = vector.extract_strided_slice %get3A_548 {offsets = [10], sizes = [1], strides = [1]} : vector<16xf32> to vector<1xf32>
        %squeeze3A_869 = vector.extract %slice3A_868[0] : f32 from vector<1xf32>
        %mul3A_870 = vector.broadcast %squeeze3A_869 : f32 to vector<16xf32>
        %mul3A_871 = arith.mulf %get3A_867, %mul3A_870 : vector<16xf32>
        %swap3A_872 = arith.index_cast %add3A_850 : i32 to index
        %swap3A_873 = arith.constant 16 : index
        %swap3A_874 = tpu.vector_load %arg13[%swap3A_872, %swap3A_873] {strides = array<i32>} : memref<512x32xf32, #tpu.memory_space<vmem>>, vector<1x16xf32>,
        %swap3A_875 = vector.shape_cast %swap3A_874 : vector<1x16xf32> to vector<16xf32>
        %swap3A_876 = vector.shape_cast %mul3A_871 : vector<16xf32> to vector<1x16xf32>
        tpu.vector_store %arg13[%swap3A_872, %swap3A_873], %swap3A_876 {strides = array<i32>} : memref<512x32xf32, #tpu.memory_space<vmem>>, vector<1x16xf32>,
        %mul3A_877 = arith.constant 16 : i32
        %mul3A_878 = arith.muli %mul3A_877, %scan3A_543 : i32
        %add3A_879 = arith.constant 11 : i32
        %add3A_880 = arith.addi %mul3A_878, %add3A_879 : i32
        %get3A_881 = arith.index_cast %add3A_880 : i32 to index
        %get3A_882 = arith.constant 0 : index
        %get3A_883 = tpu.vector_load %arg13[%get3A_881, %get3A_882] {strides = array<i32>} : memref<512x32xf32, #tpu.memory_space<vmem>>, vector<1x16xf32>,
        %get3A_884 = vector.shape_cast %get3A_883 : vector<1x16xf32> to vector<16xf32>
        %slice3A_885 = vector.extract_strided_slice %get3A_548 {offsets = [11], sizes = [1], strides = [1]} : vector<16xf32> to vector<1xf32>
        %squeeze3A_886 = vector.extract %slice3A_885[0] : f32 from vector<1xf32>
        %mul3A_887 = vector.broadcast %squeeze3A_886 : f32 to vector<16xf32>
        %mul3A_888 = arith.mulf %get3A_884, %mul3A_887 : vector<16xf32>
        %swap3A_889 = arith.index_cast %add3A_880 : i32 to index
        %swap3A_890 = arith.constant 0 : index
        %swap3A_891 = tpu.vector_load %arg13[%swap3A_889, %swap3A_890] {strides = array<i32>} : memref<512x32xf32, #tpu.memory_space<vmem>>, vector<1x16xf32>,
        %swap3A_892 = vector.shape_cast %swap3A_891 : vector<1x16xf32> to vector<16xf32>
        %swap3A_893 = vector.shape_cast %mul3A_888 : vector<16xf32> to vector<1x16xf32>
        tpu.vector_store %arg13[%swap3A_889, %swap3A_890], %swap3A_893 {strides = array<i32>} : memref<512x32xf32, #tpu.memory_space<vmem>>, vector<1x16xf32>,
        %get3A_894 = arith.index_cast %add3A_880 : i32 to index
        %get3A_895 = arith.constant 16 : index
        %get3A_896 = tpu.vector_load %arg13[%get3A_894, %get3A_895] {strides = array<i32>} : memref<512x32xf32, #tpu.memory_space<vmem>>, vector<1x16xf32>,
        %get3A_897 = vector.shape_cast %get3A_896 : vector<1x16xf32> to vector<16xf32>
        %slice3A_898 = vector.extract_strided_slice %get3A_548 {offsets = [11], sizes = [1], strides = [1]} : vector<16xf32> to vector<1xf32>
        %squeeze3A_899 = vector.extract %slice3A_898[0] : f32 from vector<1xf32>
        %mul3A_900 = vector.broadcast %squeeze3A_899 : f32 to vector<16xf32>
        %mul3A_901 = arith.mulf %get3A_897, %mul3A_900 : vector<16xf32>
        %swap3A_902 = arith.index_cast %add3A_880 : i32 to index
        %swap3A_903 = arith.constant 16 : index
        %swap3A_904 = tpu.vector_load %arg13[%swap3A_902, %swap3A_903] {strides = array<i32>} : memref<512x32xf32, #tpu.memory_space<vmem>>, vector<1x16xf32>,
        %swap3A_905 = vector.shape_cast %swap3A_904 : vector<1x16xf32> to vector<16xf32>
        %swap3A_906 = vector.shape_cast %mul3A_901 : vector<16xf32> to vector<1x16xf32>
        tpu.vector_store %arg13[%swap3A_902, %swap3A_903], %swap3A_906 {strides = array<i32>} : memref<512x32xf32, #tpu.memory_space<vmem>>, vector<1x16xf32>,
        %mul3A_907 = arith.constant 16 : i32
        %mul3A_908 = arith.muli %mul3A_907, %scan3A_543 : i32
        %add3A_909 = arith.constant 12 : i32
        %add3A_910 = arith.addi %mul3A_908, %add3A_909 : i32
        %get3A_911 = arith.index_cast %add3A_910 : i32 to index
        %get3A_912 = arith.constant 0 : index
        %get3A_913 = tpu.vector_load %arg13[%get3A_911, %get3A_912] {strides = array<i32>} : memref<512x32xf32, #tpu.memory_space<vmem>>, vector<1x16xf32>,
        %get3A_914 = vector.shape_cast %get3A_913 : vector<1x16xf32> to vector<16xf32>
        %slice3A_915 = vector.extract_strided_slice %get3A_548 {offsets = [12], sizes = [1], strides = [1]} : vector<16xf32> to vector<1xf32>
        %squeeze3A_916 = vector.extract %slice3A_915[0] : f32 from vector<1xf32>
        %mul3A_917 = vector.broadcast %squeeze3A_916 : f32 to vector<16xf32>
        %mul3A_918 = arith.mulf %get3A_914, %mul3A_917 : vector<16xf32>
        %swap3A_919 = arith.index_cast %add3A_910 : i32 to index
        %swap3A_920 = arith.constant 0 : index
        %swap3A_921 = tpu.vector_load %arg13[%swap3A_919, %swap3A_920] {strides = array<i32>} : memref<512x32xf32, #tpu.memory_space<vmem>>, vector<1x16xf32>,
        %swap3A_922 = vector.shape_cast %swap3A_921 : vector<1x16xf32> to vector<16xf32>
        %swap3A_923 = vector.shape_cast %mul3A_918 : vector<16xf32> to vector<1x16xf32>
        tpu.vector_store %arg13[%swap3A_919, %swap3A_920], %swap3A_923 {strides = array<i32>} : memref<512x32xf32, #tpu.memory_space<vmem>>, vector<1x16xf32>,
        %get3A_924 = arith.index_cast %add3A_910 : i32 to index
        %get3A_925 = arith.constant 16 : index
        %get3A_926 = tpu.vector_load %arg13[%get3A_924, %get3A_925] {strides = array<i32>} : memref<512x32xf32, #tpu.memory_space<vmem>>, vector<1x16xf32>,
        %get3A_927 = vector.shape_cast %get3A_926 : vector<1x16xf32> to vector<16xf32>
        %slice3A_928 = vector.extract_strided_slice %get3A_548 {offsets = [12], sizes = [1], strides = [1]} : vector<16xf32> to vector<1xf32>
        %squeeze3A_929 = vector.extract %slice3A_928[0] : f32 from vector<1xf32>
        %mul3A_930 = vector.broadcast %squeeze3A_929 : f32 to vector<16xf32>
        %mul3A_931 = arith.mulf %get3A_927, %mul3A_930 : vector<16xf32>
        %swap3A_932 = arith.index_cast %add3A_910 : i32 to index
        %swap3A_933 = arith.constant 16 : index
        %swap3A_934 = tpu.vector_load %arg13[%swap3A_932, %swap3A_933] {strides = array<i32>} : memref<512x32xf32, #tpu.memory_space<vmem>>, vector<1x16xf32>,
        %swap3A_935 = vector.shape_cast %swap3A_934 : vector<1x16xf32> to vector<16xf32>
        %swap3A_936 = vector.shape_cast %mul3A_931 : vector<16xf32> to vector<1x16xf32>
        tpu.vector_store %arg13[%swap3A_932, %swap3A_933], %swap3A_936 {strides = array<i32>} : memref<512x32xf32, #tpu.memory_space<vmem>>, vector<1x16xf32>,
        %mul3A_937 = arith.constant 16 : i32
        %mul3A_938 = arith.muli %mul3A_937, %scan3A_543 : i32
        %add3A_939 = arith.constant 13 : i32
        %add3A_940 = arith.addi %mul3A_938, %add3A_939 : i32
        %get3A_941 = arith.index_cast %add3A_940 : i32 to index
        %get3A_942 = arith.constant 0 : index
        %get3A_943 = tpu.vector_load %arg13[%get3A_941, %get3A_942] {strides = array<i32>} : memref<512x32xf32, #tpu.memory_space<vmem>>, vector<1x16xf32>,
        %get3A_944 = vector.shape_cast %get3A_943 : vector<1x16xf32> to vector<16xf32>
        %slice3A_945 = vector.extract_strided_slice %get3A_548 {offsets = [13], sizes = [1], strides = [1]} : vector<16xf32> to vector<1xf32>
        %squeeze3A_946 = vector.extract %slice3A_945[0] : f32 from vector<1xf32>
        %mul3A_947 = vector.broadcast %squeeze3A_946 : f32 to vector<16xf32>
        %mul3A_948 = arith.mulf %get3A_944, %mul3A_947 : vector<16xf32>
        %swap3A_949 = arith.index_cast %add3A_940 : i32 to index
        %swap3A_950 = arith.constant 0 : index
        %swap3A_951 = tpu.vector_load %arg13[%swap3A_949, %swap3A_950] {strides = array<i32>} : memref<512x32xf32, #tpu.memory_space<vmem>>, vector<1x16xf32>,
        %swap3A_952 = vector.shape_cast %swap3A_951 : vector<1x16xf32> to vector<16xf32>
        %swap3A_953 = vector.shape_cast %mul3A_948 : vector<16xf32> to vector<1x16xf32>
        tpu.vector_store %arg13[%swap3A_949, %swap3A_950], %swap3A_953 {strides = array<i32>} : memref<512x32xf32, #tpu.memory_space<vmem>>, vector<1x16xf32>,
        %get3A_954 = arith.index_cast %add3A_940 : i32 to index
        %get3A_955 = arith.constant 16 : index
        %get3A_956 = tpu.vector_load %arg13[%get3A_954, %get3A_955] {strides = array<i32>} : memref<512x32xf32, #tpu.memory_space<vmem>>, vector<1x16xf32>,
        %get3A_957 = vector.shape_cast %get3A_956 : vector<1x16xf32> to vector<16xf32>
        %slice3A_958 = vector.extract_strided_slice %get3A_548 {offsets = [13], sizes = [1], strides = [1]} : vector<16xf32> to vector<1xf32>
        %squeeze3A_959 = vector.extract %slice3A_958[0] : f32 from vector<1xf32>
        %mul3A_960 = vector.broadcast %squeeze3A_959 : f32 to vector<16xf32>
        %mul3A_961 = arith.mulf %get3A_957, %mul3A_960 : vector<16xf32>
        %swap3A_962 = arith.index_cast %add3A_940 : i32 to index
        %swap3A_963 = arith.constant 16 : index
        %swap3A_964 = tpu.vector_load %arg13[%swap3A_962, %swap3A_963] {strides = array<i32>} : memref<512x32xf32, #tpu.memory_space<vmem>>, vector<1x16xf32>,
        %swap3A_965 = vector.shape_cast %swap3A_964 : vector<1x16xf32> to vector<16xf32>
        %swap3A_966 = vector.shape_cast %mul3A_961 : vector<16xf32> to vector<1x16xf32>
        tpu.vector_store %arg13[%swap3A_962, %swap3A_963], %swap3A_966 {strides = array<i32>} : memref<512x32xf32, #tpu.memory_space<vmem>>, vector<1x16xf32>,
        %mul3A_967 = arith.constant 16 : i32
        %mul3A_968 = arith.muli %mul3A_967, %scan3A_543 : i32
        %add3A_969 = arith.constant 14 : i32
        %add3A_970 = arith.addi %mul3A_968, %add3A_969 : i32
        %get3A_971 = arith.index_cast %add3A_970 : i32 to index
        %get3A_972 = arith.constant 0 : index
        %get3A_973 = tpu.vector_load %arg13[%get3A_971, %get3A_972] {strides = array<i32>} : memref<512x32xf32, #tpu.memory_space<vmem>>, vector<1x16xf32>,
        %get3A_974 = vector.shape_cast %get3A_973 : vector<1x16xf32> to vector<16xf32>
        %slice3A_975 = vector.extract_strided_slice %get3A_548 {offsets = [14], sizes = [1], strides = [1]} : vector<16xf32> to vector<1xf32>
        %squeeze3A_976 = vector.extract %slice3A_975[0] : f32 from vector<1xf32>
        %mul3A_977 = vector.broadcast %squeeze3A_976 : f32 to vector<16xf32>
        %mul3A_978 = arith.mulf %get3A_974, %mul3A_977 : vector<16xf32>
        %swap3A_979 = arith.index_cast %add3A_970 : i32 to index
        %swap3A_980 = arith.constant 0 : index
        %swap3A_981 = tpu.vector_load %arg13[%swap3A_979, %swap3A_980] {strides = array<i32>} : memref<512x32xf32, #tpu.memory_space<vmem>>, vector<1x16xf32>,
        %swap3A_982 = vector.shape_cast %swap3A_981 : vector<1x16xf32> to vector<16xf32>
        %swap3A_983 = vector.shape_cast %mul3A_978 : vector<16xf32> to vector<1x16xf32>
        tpu.vector_store %arg13[%swap3A_979, %swap3A_980], %swap3A_983 {strides = array<i32>} : memref<512x32xf32, #tpu.memory_space<vmem>>, vector<1x16xf32>,
        %get3A_984 = arith.index_cast %add3A_970 : i32 to index
        %get3A_985 = arith.constant 16 : index
        %get3A_986 = tpu.vector_load %arg13[%get3A_984, %get3A_985] {strides = array<i32>} : memref<512x32xf32, #tpu.memory_space<vmem>>, vector<1x16xf32>,
        %get3A_987 = vector.shape_cast %get3A_986 : vector<1x16xf32> to vector<16xf32>
        %slice3A_988 = vector.extract_strided_slice %get3A_548 {offsets = [14], sizes = [1], strides = [1]} : vector<16xf32> to vector<1xf32>
        %squeeze3A_989 = vector.extract %slice3A_988[0] : f32 from vector<1xf32>
        %mul3A_990 = vector.broadcast %squeeze3A_989 : f32 to vector<16xf32>
        %mul3A_991 = arith.mulf %get3A_987, %mul3A_990 : vector<16xf32>
        %swap3A_992 = arith.index_cast %add3A_970 : i32 to index
        %swap3A_993 = arith.constant 16 : index
        %swap3A_994 = tpu.vector_load %arg13[%swap3A_992, %swap3A_993] {strides = array<i32>} : memref<512x32xf32, #tpu.memory_space<vmem>>, vector<1x16xf32>,
        %swap3A_995 = vector.shape_cast %swap3A_994 : vector<1x16xf32> to vector<16xf32>
        %swap3A_996 = vector.shape_cast %mul3A_991 : vector<16xf32> to vector<1x16xf32>
        tpu.vector_store %arg13[%swap3A_992, %swap3A_993], %swap3A_996 {strides = array<i32>} : memref<512x32xf32, #tpu.memory_space<vmem>>, vector<1x16xf32>,
        %mul3A_997 = arith.constant 16 : i32
        %mul3A_998 = arith.muli %mul3A_997, %scan3A_543 : i32
        %add3A_999 = arith.constant 15 : i32
        %add3A_1000 = arith.addi %mul3A_998, %add3A_999 : i32
        %get3A_1001 = arith.index_cast %add3A_1000 : i32 to index
        %get3A_1002 = arith.constant 0 : index
        %get3A_1003 = tpu.vector_load %arg13[%get3A_1001, %get3A_1002] {strides = array<i32>} : memref<512x32xf32, #tpu.memory_space<vmem>>, vector<1x16xf32>,
        %get3A_1004 = vector.shape_cast %get3A_1003 : vector<1x16xf32> to vector<16xf32>
        %slice3A_1005 = vector.extract_strided_slice %get3A_548 {offsets = [15], sizes = [1], strides = [1]} : vector<16xf32> to vector<1xf32>
        %squeeze3A_1006 = vector.extract %slice3A_1005[0] : f32 from vector<1xf32>
        %mul3A_1007 = vector.broadcast %squeeze3A_1006 : f32 to vector<16xf32>
        %mul3A_1008 = arith.mulf %get3A_1004, %mul3A_1007 : vector<16xf32>
        %swap3A_1009 = arith.index_cast %add3A_1000 : i32 to index
        %swap3A_1010 = arith.constant 0 : index
        %swap3A_1011 = tpu.vector_load %arg13[%swap3A_1009, %swap3A_1010] {strides = array<i32>} : memref<512x32xf32, #tpu.memory_space<vmem>>, vector<1x16xf32>,
        %swap3A_1012 = vector.shape_cast %swap3A_1011 : vector<1x16xf32> to vector<16xf32>
        %swap3A_1013 = vector.shape_cast %mul3A_1008 : vector<16xf32> to vector<1x16xf32>
        tpu.vector_store %arg13[%swap3A_1009, %swap3A_1010], %swap3A_1013 {strides = array<i32>} : memref<512x32xf32, #tpu.memory_space<vmem>>, vector<1x16xf32>,
        %get3A_1014 = arith.index_cast %add3A_1000 : i32 to index
        %get3A_1015 = arith.constant 16 : index
        %get3A_1016 = tpu.vector_load %arg13[%get3A_1014, %get3A_1015] {strides = array<i32>} : memref<512x32xf32, #tpu.memory_space<vmem>>, vector<1x16xf32>,
        %get3A_1017 = vector.shape_cast %get3A_1016 : vector<1x16xf32> to vector<16xf32>
        %slice3A_1018 = vector.extract_strided_slice %get3A_548 {offsets = [15], sizes = [1], strides = [1]} : vector<16xf32> to vector<1xf32>
        %squeeze3A_1019 = vector.extract %slice3A_1018[0] : f32 from vector<1xf32>
        %mul3A_1020 = vector.broadcast %squeeze3A_1019 : f32 to vector<16xf32>
        %mul3A_1021 = arith.mulf %get3A_1017, %mul3A_1020 : vector<16xf32>
        %swap3A_1022 = arith.index_cast %add3A_1000 : i32 to index
        %swap3A_1023 = arith.constant 16 : index
        %swap3A_1024 = tpu.vector_load %arg13[%swap3A_1022, %swap3A_1023] {strides = array<i32>} : memref<512x32xf32, #tpu.memory_space<vmem>>, vector<1x16xf32>,
        %swap3A_1025 = vector.shape_cast %swap3A_1024 : vector<1x16xf32> to vector<16xf32>
        %swap3A_1026 = vector.shape_cast %mul3A_1021 : vector<16xf32> to vector<1x16xf32>
        tpu.vector_store %arg13[%swap3A_1022, %swap3A_1023], %swap3A_1026 {strides = array<i32>} : memref<512x32xf32, #tpu.memory_space<vmem>>, vector<1x16xf32>,
      }
      %scan3A_462 = arith.constant 32 : i32
      %dma_start3A_463 = arith.constant 0 : i32
      %dma_start3A_464 = arith.constant 0 : i32
      %dma_start3A_465 = arith.constant 0 : i32
      %dma_start3A_466 = tpu.memref_slice %arg13[%dma_start3A_464, %dma_start3A_465] : memref<512x32xf32, #tpu.memory_space<vmem>> -> memref<128x32xf32, #tpu.memory_space<vmem>>
      %dma_start3A_467 = arith.constant 0 : i32
      %dma_start3A_468 = tpu.memref_slice %arg10[%dma_start3A_463, %dma_start3A_467] : memref<4x128xi32, #tpu.memory_space<vmem>> -> memref<1x128xi32, #tpu.memory_space<vmem>>
      %dma_start3A_469 = tpu.memref_squeeze %dma_start3A_468 : memref<1x128xi32, #tpu.memory_space<vmem>> -> memref<128xi32, #tpu.memory_space<vmem>>
      %dma_start3A_470 = arith.constant 0 : i32
      %dma_start3A_471 = arith.constant 0 : i32
      %dma_start3A_472 = tpu.memref_slice %arg8[%dma_start3A_470, %dma_start3A_471] : memref<50048x32xf32, #tpu.memory_space<vmem_shared>> -> memref<50048x32xf32, #tpu.memory_space<vmem_shared>>
      tpu.enqueue_indirect_dma source(%dma_start3A_466 : memref<128x32xf32, #tpu.memory_space<vmem>>) target(%dma_start3A_472 : memref<50048x32xf32, #tpu.memory_space<vmem_shared>>) offsets(%dma_start3A_469 : memref<128xi32, #tpu.memory_space<vmem>>) semaphore(%arg16 : memref<!tpu.dma_semaphore, #tpu.memory_space<semaphore_mem>>) {add = true}
      %dma_start3A_473 = arith.constant 1 : i32
      %dma_start3A_474 = arith.constant 128 : i32
      %dma_start3A_475 = arith.constant 0 : i32
      %dma_start3A_476 = tpu.memref_slice %arg13[%dma_start3A_474, %dma_start3A_475] : memref<512x32xf32, #tpu.memory_space<vmem>> -> memref<128x32xf32, #tpu.memory_space<vmem>>
      %dma_start3A_477 = arith.constant 0 : i32
      %dma_start3A_478 = tpu.memref_slice %arg10[%dma_start3A_473, %dma_start3A_477] : memref<4x128xi32, #tpu.memory_space<vmem>> -> memref<1x128xi32, #tpu.memory_space<vmem>>
      %dma_start3A_479 = tpu.memref_squeeze %dma_start3A_478 : memref<1x128xi32, #tpu.memory_space<vmem>> -> memref<128xi32, #tpu.memory_space<vmem>>
      %dma_start3A_480 = arith.constant 0 : i32
      %dma_start3A_481 = arith.constant 0 : i32
      %dma_start3A_482 = tpu.memref_slice %arg8[%dma_start3A_480, %dma_start3A_481] : memref<50048x32xf32, #tpu.memory_space<vmem_shared>> -> memref<50048x32xf32, #tpu.memory_space<vmem_shared>>
      tpu.enqueue_indirect_dma source(%dma_start3A_476 : memref<128x32xf32, #tpu.memory_space<vmem>>) target(%dma_start3A_482 : memref<50048x32xf32, #tpu.memory_space<vmem_shared>>) offsets(%dma_start3A_479 : memref<128xi32, #tpu.memory_space<vmem>>) semaphore(%arg16 : memref<!tpu.dma_semaphore, #tpu.memory_space<semaphore_mem>>) {add = true}
      %dma_start3A_483 = arith.constant 2 : i32
      %dma_start3A_484 = arith.constant 256 : i32
      %dma_start3A_485 = arith.constant 0 : i32
      %dma_start3A_486 = tpu.memref_slice %arg13[%dma_start3A_484, %dma_start3A_485] : memref<512x32xf32, #tpu.memory_space<vmem>> -> memref<128x32xf32, #tpu.memory_space<vmem>>
      %dma_start3A_487 = arith.constant 0 : i32
      %dma_start3A_488 = tpu.memref_slice %arg10[%dma_start3A_483, %dma_start3A_487] : memref<4x128xi32, #tpu.memory_space<vmem>> -> memref<1x128xi32, #tpu.memory_space<vmem>>
      %dma_start3A_489 = tpu.memref_squeeze %dma_start3A_488 : memref<1x128xi32, #tpu.memory_space<vmem>> -> memref<128xi32, #tpu.memory_space<vmem>>
      %dma_start3A_490 = arith.constant 0 : i32
      %dma_start3A_491 = arith.constant 0 : i32
      %dma_start3A_492 = tpu.memref_slice %arg8[%dma_start3A_490, %dma_start3A_491] : memref<50048x32xf32, #tpu.memory_space<vmem_shared>> -> memref<50048x32xf32, #tpu.memory_space<vmem_shared>>
      tpu.enqueue_indirect_dma source(%dma_start3A_486 : memref<128x32xf32, #tpu.memory_space<vmem>>) target(%dma_start3A_492 : memref<50048x32xf32, #tpu.memory_space<vmem_shared>>) offsets(%dma_start3A_489 : memref<128xi32, #tpu.memory_space<vmem>>) semaphore(%arg16 : memref<!tpu.dma_semaphore, #tpu.memory_space<semaphore_mem>>) {add = true}
      %dma_start3A_493 = arith.constant 3 : i32
      %dma_start3A_494 = arith.constant 384 : i32
      %dma_start3A_495 = arith.constant 0 : i32
      %dma_start3A_496 = tpu.memref_slice %arg13[%dma_start3A_494, %dma_start3A_495] : memref<512x32xf32, #tpu.memory_space<vmem>> -> memref<128x32xf32, #tpu.memory_space<vmem>>
      %dma_start3A_497 = arith.constant 0 : i32
      %dma_start3A_498 = tpu.memref_slice %arg10[%dma_start3A_493, %dma_start3A_497] : memref<4x128xi32, #tpu.memory_space<vmem>> -> memref<1x128xi32, #tpu.memory_space<vmem>>
      %dma_start3A_499 = tpu.memref_squeeze %dma_start3A_498 : memref<1x128xi32, #tpu.memory_space<vmem>> -> memref<128xi32, #tpu.memory_space<vmem>>
      %dma_start3A_500 = arith.constant 0 : i32
      %dma_start3A_501 = arith.constant 0 : i32
      %dma_start3A_502 = tpu.memref_slice %arg8[%dma_start3A_500, %dma_start3A_501] : memref<50048x32xf32, #tpu.memory_space<vmem_shared>> -> memref<50048x32xf32, #tpu.memory_space<vmem_shared>>
      tpu.enqueue_indirect_dma source(%dma_start3A_496 : memref<128x32xf32, #tpu.memory_space<vmem>>) target(%dma_start3A_502 : memref<50048x32xf32, #tpu.memory_space<vmem_shared>>) offsets(%dma_start3A_499 : memref<128xi32, #tpu.memory_space<vmem>>) semaphore(%arg16 : memref<!tpu.dma_semaphore, #tpu.memory_space<semaphore_mem>>) {add = true}
      %dma_wait3A_503 = arith.constant 0 : i32
      %dma_wait3A_504 = arith.constant 0 : i32
      %dma_wait3A_505 = arith.constant 0 : i32
      %dma_wait3A_506 = tpu.memref_slice %arg13[%dma_wait3A_504, %dma_wait3A_505] : memref<512x32xf32, #tpu.memory_space<vmem>> -> memref<128x32xf32, #tpu.memory_space<vmem>>
      %dma_wait3A_507 = arith.constant 0 : i32
      %dma_wait3A_508 = tpu.memref_slice %arg10[%dma_wait3A_503, %dma_wait3A_507] : memref<4x128xi32, #tpu.memory_space<vmem>> -> memref<1x128xi32, #tpu.memory_space<vmem>>
      %dma_wait3A_509 = tpu.memref_squeeze %dma_wait3A_508 : memref<1x128xi32, #tpu.memory_space<vmem>> -> memref<128xi32, #tpu.memory_space<vmem>>
      %dma_wait3A_510 = arith.constant 0 : i32
      %dma_wait3A_511 = arith.constant 0 : i32
      %dma_wait3A_512 = tpu.memref_slice %arg8[%dma_wait3A_510, %dma_wait3A_511] : memref<50048x32xf32, #tpu.memory_space<vmem_shared>> -> memref<50048x32xf32, #tpu.memory_space<vmem_shared>>
      tpu.wait_indirect_dma semaphore(%arg16 : memref<!tpu.dma_semaphore, #tpu.memory_space<semaphore_mem>>) src(%dma_wait3A_506 : memref<128x32xf32, #tpu.memory_space<vmem>>) dst(%dma_wait3A_512 : memref<50048x32xf32, #tpu.memory_space<vmem_shared>>)
      %dma_wait3A_513 = arith.constant 1 : i32
      %dma_wait3A_514 = arith.constant 128 : i32
      %dma_wait3A_515 = arith.constant 0 : i32
      %dma_wait3A_516 = tpu.memref_slice %arg13[%dma_wait3A_514, %dma_wait3A_515] : memref<512x32xf32, #tpu.memory_space<vmem>> -> memref<128x32xf32, #tpu.memory_space<vmem>>
      %dma_wait3A_517 = arith.constant 0 : i32
      %dma_wait3A_518 = tpu.memref_slice %arg10[%dma_wait3A_513, %dma_wait3A_517] : memref<4x128xi32, #tpu.memory_space<vmem>> -> memref<1x128xi32, #tpu.memory_space<vmem>>
      %dma_wait3A_519 = tpu.memref_squeeze %dma_wait3A_518 : memref<1x128xi32, #tpu.memory_space<vmem>> -> memref<128xi32, #tpu.memory_space<vmem>>
      %dma_wait3A_520 = arith.constant 0 : i32
      %dma_wait3A_521 = arith.constant 0 : i32
      %dma_wait3A_522 = tpu.memref_slice %arg8[%dma_wait3A_520, %dma_wait3A_521] : memref<50048x32xf32, #tpu.memory_space<vmem_shared>> -> memref<50048x32xf32, #tpu.memory_space<vmem_shared>>
      tpu.wait_indirect_dma semaphore(%arg16 : memref<!tpu.dma_semaphore, #tpu.memory_space<semaphore_mem>>) src(%dma_wait3A_516 : memref<128x32xf32, #tpu.memory_space<vmem>>) dst(%dma_wait3A_522 : memref<50048x32xf32, #tpu.memory_space<vmem_shared>>)
      %dma_wait3A_523 = arith.constant 2 : i32
      %dma_wait3A_524 = arith.constant 256 : i32
      %dma_wait3A_525 = arith.constant 0 : i32
      %dma_wait3A_526 = tpu.memref_slice %arg13[%dma_wait3A_524, %dma_wait3A_525] : memref<512x32xf32, #tpu.memory_space<vmem>> -> memref<128x32xf32, #tpu.memory_space<vmem>>
      %dma_wait3A_527 = arith.constant 0 : i32
      %dma_wait3A_528 = tpu.memref_slice %arg10[%dma_wait3A_523, %dma_wait3A_527] : memref<4x128xi32, #tpu.memory_space<vmem>> -> memref<1x128xi32, #tpu.memory_space<vmem>>
      %dma_wait3A_529 = tpu.memref_squeeze %dma_wait3A_528 : memref<1x128xi32, #tpu.memory_space<vmem>> -> memref<128xi32, #tpu.memory_space<vmem>>
      %dma_wait3A_530 = arith.constant 0 : i32
      %dma_wait3A_531 = arith.constant 0 : i32
      %dma_wait3A_532 = tpu.memref_slice %arg8[%dma_wait3A_530, %dma_wait3A_531] : memref<50048x32xf32, #tpu.memory_space<vmem_shared>> -> memref<50048x32xf32, #tpu.memory_space<vmem_shared>>
      tpu.wait_indirect_dma semaphore(%arg16 : memref<!tpu.dma_semaphore, #tpu.memory_space<semaphore_mem>>) src(%dma_wait3A_526 : memref<128x32xf32, #tpu.memory_space<vmem>>) dst(%dma_wait3A_532 : memref<50048x32xf32, #tpu.memory_space<vmem_shared>>)
      %dma_wait3A_533 = arith.constant 3 : i32
      %dma_wait3A_534 = arith.constant 384 : i32
      %dma_wait3A_535 = arith.constant 0 : i32
      %dma_wait3A_536 = tpu.memref_slice %arg13[%dma_wait3A_534, %dma_wait3A_535] : memref<512x32xf32, #tpu.memory_space<vmem>> -> memref<128x32xf32, #tpu.memory_space<vmem>>
      %dma_wait3A_537 = arith.constant 0 : i32
      %dma_wait3A_538 = tpu.memref_slice %arg10[%dma_wait3A_533, %dma_wait3A_537] : memref<4x128xi32, #tpu.memory_space<vmem>> -> memref<1x128xi32, #tpu.memory_space<vmem>>
      %dma_wait3A_539 = tpu.memref_squeeze %dma_wait3A_538 : memref<1x128xi32, #tpu.memory_space<vmem>> -> memref<128xi32, #tpu.memory_space<vmem>>
      %dma_wait3A_540 = arith.constant 0 : i32
      %dma_wait3A_541 = arith.constant 0 : i32
      %dma_wait3A_542 = tpu.memref_slice %arg8[%dma_wait3A_540, %dma_wait3A_541] : memref<50048x32xf32, #tpu.memory_space<vmem_shared>> -> memref<50048x32xf32, #tpu.memory_space<vmem_shared>>
      tpu.wait_indirect_dma semaphore(%arg16 : memref<!tpu.dma_semaphore, #tpu.memory_space<semaphore_mem>>) src(%dma_wait3A_536 : memref<128x32xf32, #tpu.memory_space<vmem>>) dst(%dma_wait3A_542 : memref<50048x32xf32, #tpu.memory_space<vmem_shared>>)
    }
    %scan3A_7 = arith.constant 98 : i32
    %barrier3A_8 = arith.constant 0 : index
    tpu.barrier barrier_id(%barrier3A_8)
    %lt3A = arith.constant 15 : i32
    %lt3A_9 = arith.cmpi slt, %arg1, %lt3A : i32
    %convert_element_type3A = arith.extui %lt3A_9 : i1 to i32
    %cond3A = arith.constant 0 : i32
    %cond3A_10 = arith.cmpi ne, %convert_element_type3A, %cond3A : i32
    scf.if %cond3A_10 {
      %add3A = arith.addi %mul3A_2, %mul3A_0 : i32
      "tpu.region"() ({
        %run_scoped3A = tpu.sem_alloc : memref<!tpu.dma_semaphore, #tpu.memory_space<semaphore_mem>>
        %dma_start3A = arith.constant 0 : i32
        %dma_start3A_15 = tpu.memref_slice %arg7[%add3A, %dma_start3A] : memref<100000x32xf32, #tpu.memory_space<hbm>> -> memref<3128x32xf32, #tpu.memory_space<hbm>>
        %dma_start3A_16 = arith.constant 0 : i32
        %dma_start3A_17 = tpu.memref_slice %arg8[%mul3A_0, %dma_start3A_16] : memref<50048x32xf32, #tpu.memory_space<vmem_shared>> -> memref<3128x32xf32, #tpu.memory_space<vmem_shared>>
        tpu.enqueue_dma source(%dma_start3A_17 : memref<3128x32xf32, #tpu.memory_space<vmem_shared>>) target(%dma_start3A_15 : memref<3128x32xf32, #tpu.memory_space<hbm>>) target_semaphore(%run_scoped3A : memref<!tpu.dma_semaphore, #tpu.memory_space<semaphore_mem>>)
        %dma_wait3A = arith.constant 0 : i32
        %dma_wait3A_18 = tpu.memref_slice %arg7[%add3A, %dma_wait3A] : memref<100000x32xf32, #tpu.memory_space<hbm>> -> memref<3128x32xf32, #tpu.memory_space<hbm>>
        %dma_wait3A_19 = arith.constant 0 : i32
        %dma_wait3A_20 = tpu.memref_slice %arg8[%mul3A_0, %dma_wait3A_19] : memref<50048x32xf32, #tpu.memory_space<vmem_shared>> -> memref<3128x32xf32, #tpu.memory_space<vmem_shared>>
        tpu.wait_dma2 semaphore(%run_scoped3A : memref<!tpu.dma_semaphore, #tpu.memory_space<semaphore_mem>>) src(%dma_wait3A_20 : memref<3128x32xf32, #tpu.memory_space<vmem_shared>>) dst(%dma_wait3A_18 : memref<3128x32xf32, #tpu.memory_space<hbm>>)
        tpu.yield
      }) : () -> ()
    } else {
    }
    %eq3A = arith.constant 15 : i32
    %eq3A_11 = arith.cmpi eq, %arg1, %eq3A : i32
    %convert_element_type3A_12 = arith.extui %eq3A_11 : i1 to i32
    %cond3A_13 = arith.constant 0 : i32
    %cond3A_14 = arith.cmpi ne, %convert_element_type3A_12, %cond3A_13 : i32
    scf.if %cond3A_14 {
      %add3A = arith.addi %mul3A_2, %mul3A_0 : i32
      "tpu.region"() ({
        %run_scoped3A = tpu.sem_alloc : memref<!tpu.dma_semaphore, #tpu.memory_space<semaphore_mem>>
        %dma_start3A = arith.constant 0 : i32
        %dma_start3A_15 = tpu.memref_slice %arg7[%add3A, %dma_start3A] : memref<100000x32xf32, #tpu.memory_space<hbm>> -> memref<3080x32xf32, #tpu.memory_space<hbm>>
        %dma_start3A_16 = arith.constant 0 : i32
        %dma_start3A_17 = tpu.memref_slice %arg8[%mul3A_0, %dma_start3A_16] : memref<50048x32xf32, #tpu.memory_space<vmem_shared>> -> memref<3080x32xf32, #tpu.memory_space<vmem_shared>>
        tpu.enqueue_dma source(%dma_start3A_17 : memref<3080x32xf32, #tpu.memory_space<vmem_shared>>) target(%dma_start3A_15 : memref<3080x32xf32, #tpu.memory_space<hbm>>) target_semaphore(%run_scoped3A : memref<!tpu.dma_semaphore, #tpu.memory_space<semaphore_mem>>)
        %dma_wait3A = arith.constant 0 : i32
        %dma_wait3A_18 = tpu.memref_slice %arg7[%add3A, %dma_wait3A] : memref<100000x32xf32, #tpu.memory_space<hbm>> -> memref<3080x32xf32, #tpu.memory_space<hbm>>
        %dma_wait3A_19 = arith.constant 0 : i32
        %dma_wait3A_20 = tpu.memref_slice %arg8[%mul3A_0, %dma_wait3A_19] : memref<50048x32xf32, #tpu.memory_space<vmem_shared>> -> memref<3080x32xf32, #tpu.memory_space<vmem_shared>>
        tpu.wait_dma2 semaphore(%run_scoped3A : memref<!tpu.dma_semaphore, #tpu.memory_space<semaphore_mem>>) src(%dma_wait3A_20 : memref<3080x32xf32, #tpu.memory_space<vmem_shared>>) dst(%dma_wait3A_18 : memref<3080x32xf32, #tpu.memory_space<hbm>>)
        tpu.yield
      }) : () -> ()
    } else {
    }
    return
  }
}

module attributes {stable_mosaic.version = 14 : i64} {
  func.func @body(%arg0: i32, %arg1: memref<2x1000x16xf32, #tpu.memory_space<vmem>>, %arg2: memref<1000x4xf32, #tpu.memory_space<vmem>>, %arg3: memref<4x128xf32, #tpu.memory_space<vmem>>, %arg4: memref<4x128xf32, #tpu.memory_space<vmem>>, %arg5: memref<1x128xf32, #tpu.memory_space<vmem>>, %arg6: memref<128x64xf32, #tpu.memory_space<vmem>>, %arg7: memref<128x64xf32, #tpu.memory_space<vmem>>, %arg8: memref<2x1000x32xf32, #tpu.memory_space<vmem>>, %arg9: memref<1000x64xf32, #tpu.memory_space<vmem>>) attributes {dimension_semantics = [#tpu.dimension_semantics<arbitrary>], iteration_bounds = array<i64: 50>, scalar_prefetch = 0 : i64, scratch_operands = 0 : i64, tpu.core_type = #tpu.core_type<tc>, window_params = [{transform_indices = @transform_0, window_bounds = array<i64: 2, 1000, 16>}, {transform_indices = @transform_1, window_bounds = array<i64: 1000, 4>}, {pipeline_mode = #tpu.pipeline_mode<synchronous>, transform_indices = @transform_2, window_bounds = array<i64: 4, 128>}, {pipeline_mode = #tpu.pipeline_mode<synchronous>, transform_indices = @transform_3, window_bounds = array<i64: 4, 128>}, {pipeline_mode = #tpu.pipeline_mode<synchronous>, transform_indices = @transform_4, window_bounds = array<i64: 1, 128>}, {pipeline_mode = #tpu.pipeline_mode<synchronous>, transform_indices = @transform_5, window_bounds = array<i64: 128, 64>}, {pipeline_mode = #tpu.pipeline_mode<synchronous>, transform_indices = @transform_6, window_bounds = array<i64: 128, 64>}, {transform_indices = @transform_7, window_bounds = array<i64: 2, 1000, 32>}, {transform_indices = @transform_8, window_bounds = array<i64: 1000, 64>}]} {
    %get3A = arith.constant 0 : index
    %get3A_0 = arith.constant 0 : index
    %get3A_1 = arith.constant 0 : index
    %get3A_2 = vector.load %arg1[%get3A, %get3A_0, %get3A_1] : memref<2x1000x16xf32, #tpu.memory_space<vmem>>, vector<1x1000x4xf32>
    %get3A_3 = vector.shape_cast %get3A_2 : vector<1x1000x4xf32> to vector<1000x4xf32>
    %get3A_4 = arith.constant 1 : index
    %get3A_5 = arith.constant 0 : index
    %get3A_6 = arith.constant 0 : index
    %get3A_7 = vector.load %arg1[%get3A_4, %get3A_5, %get3A_6] : memref<2x1000x16xf32, #tpu.memory_space<vmem>>, vector<1x1000x4xf32>
    %get3A_8 = vector.shape_cast %get3A_7 : vector<1x1000x4xf32> to vector<1000x4xf32>
    %add3A = arith.addf %get3A_3, %get3A_8 : vector<1000x4xf32>
    %get3A_9 = arith.constant 0 : index
    %get3A_10 = arith.constant 0 : index
    %get3A_11 = vector.load %arg3[%get3A_9, %get3A_10] : memref<4x128xf32, #tpu.memory_space<vmem>>, vector<4x128xf32>
    %dot_general3A = arith.constant dense<0.000000e+00> : vector<1000x128xf32>
    %dot_general3A_12 = tpu.matmul %add3A, %get3A_11, %dot_general3A {dimension_numbers = #tpu.dot_dimension_numbers<[1], [0], [0], [1], [0, 0, 1, 1], [], []>, transpose_lhs_hint = false} : vector<1000x4xf32>, vector<4x128xf32>, vector<1000x128xf32> -> vector<1000x128xf32>
    %get3A_13 = arith.constant 0 : index
    %get3A_14 = arith.constant 0 : index
    %get3A_15 = vector.load %arg2[%get3A_13, %get3A_14] : memref<1000x4xf32, #tpu.memory_space<vmem>>, vector<1000x4xf32>
    %get3A_16 = arith.constant 0 : index
    %get3A_17 = arith.constant 0 : index
    %get3A_18 = vector.load %arg4[%get3A_16, %get3A_17] : memref<4x128xf32, #tpu.memory_space<vmem>>, vector<4x128xf32>
    %dot_general3A_19 = arith.constant dense<0.000000e+00> : vector<1000x128xf32>
    %dot_general3A_20 = tpu.matmul %get3A_15, %get3A_18, %dot_general3A_19 {dimension_numbers = #tpu.dot_dimension_numbers<[1], [0], [0], [1], [0, 0, 1, 1], [], []>, transpose_lhs_hint = false} : vector<1000x4xf32>, vector<4x128xf32>, vector<1000x128xf32> -> vector<1000x128xf32>
    %add3A_21 = arith.addf %dot_general3A_12, %dot_general3A_20 : vector<1000x128xf32>
    %get3A_22 = arith.constant 0 : index
    %get3A_23 = arith.constant 0 : index
    %get3A_24 = vector.load %arg5[%get3A_22, %get3A_23] : memref<1x128xf32, #tpu.memory_space<vmem>>, vector<1x128xf32>
    %add3A_25 = vector.broadcast %get3A_24 : vector<1x128xf32> to vector<1000x128xf32>
    %add3A_26 = arith.addf %add3A_21, %add3A_25 : vector<1000x128xf32>
    %max3A = arith.constant 0.000000e+00 : f32
    %max3A_27 = vector.broadcast %max3A : f32 to vector<1000x128xf32>
    %max3A_28 = arith.maximumf %add3A_26, %max3A_27 : vector<1000x128xf32>
    %get3A_29 = arith.constant 0 : index
    %get3A_30 = arith.constant 0 : index
    %get3A_31 = vector.load %arg6[%get3A_29, %get3A_30] : memref<128x64xf32, #tpu.memory_space<vmem>>, vector<128x64xf32>
    %dot_general3A_32 = arith.constant dense<0.000000e+00> : vector<1000x64xf32>
    %dot_general3A_33 = tpu.matmul %max3A_28, %get3A_31, %dot_general3A_32 {dimension_numbers = #tpu.dot_dimension_numbers<[1], [0], [0], [1], [0, 0, 1, 1], [], []>, transpose_lhs_hint = false} : vector<1000x128xf32>, vector<128x64xf32>, vector<1000x64xf32> -> vector<1000x64xf32>
    %get3A_34 = arith.constant 0 : index
    %get3A_35 = arith.constant 0 : index
    %get3A_36 = vector.load %arg7[%get3A_34, %get3A_35] : memref<128x64xf32, #tpu.memory_space<vmem>>, vector<128x64xf32>
    %dot_general3A_37 = arith.constant dense<0.000000e+00> : vector<1000x64xf32>
    %dot_general3A_38 = tpu.matmul %max3A_28, %get3A_36, %dot_general3A_37 {dimension_numbers = #tpu.dot_dimension_numbers<[1], [0], [0], [1], [0, 0, 1, 1], [], []>, transpose_lhs_hint = false} : vector<1000x128xf32>, vector<128x64xf32>, vector<1000x64xf32> -> vector<1000x64xf32>
    %swap3A = arith.constant 0 : index
    %swap3A_39 = arith.constant 0 : index
    %swap3A_40 = vector.load %arg9[%swap3A, %swap3A_39] : memref<1000x64xf32, #tpu.memory_space<vmem>>, vector<1000x64xf32>
    tpu.vector_store %arg9[%swap3A, %swap3A_39], %dot_general3A_38 {strides = array<i32>} : memref<1000x64xf32, #tpu.memory_space<vmem>>, vector<1000x64xf32>,
    %slice3A = vector.extract_strided_slice %dot_general3A_33 {offsets = [0, 0], sizes = [1000, 32], strides = [1, 1]} : vector<1000x64xf32> to vector<1000x32xf32>
    %swap3A_41 = arith.constant 0 : index
    %swap3A_42 = arith.constant 0 : index
    %swap3A_43 = arith.constant 0 : index
    %swap3A_44 = vector.load %arg8[%swap3A_41, %swap3A_42, %swap3A_43] : memref<2x1000x32xf32, #tpu.memory_space<vmem>>, vector<1x1000x32xf32>
    %swap3A_45 = vector.shape_cast %swap3A_44 : vector<1x1000x32xf32> to vector<1000x32xf32>
    %swap3A_46 = vector.shape_cast %slice3A : vector<1000x32xf32> to vector<1x1000x32xf32>
    tpu.vector_store %arg8[%swap3A_41, %swap3A_42, %swap3A_43], %swap3A_46 {strides = array<i32>} : memref<2x1000x32xf32, #tpu.memory_space<vmem>>, vector<1x1000x32xf32>,
    %slice3A_47 = vector.extract_strided_slice %dot_general3A_33 {offsets = [0, 32], sizes = [1000, 32], strides = [1, 1]} : vector<1000x64xf32> to vector<1000x32xf32>
    %swap3A_48 = arith.constant 1 : index
    %swap3A_49 = arith.constant 0 : index
    %swap3A_50 = arith.constant 0 : index
    %swap3A_51 = vector.load %arg8[%swap3A_48, %swap3A_49, %swap3A_50] : memref<2x1000x32xf32, #tpu.memory_space<vmem>>, vector<1x1000x32xf32>
    %swap3A_52 = vector.shape_cast %swap3A_51 : vector<1x1000x32xf32> to vector<1000x32xf32>
    %swap3A_53 = vector.shape_cast %slice3A_47 : vector<1000x32xf32> to vector<1x1000x32xf32>
    tpu.vector_store %arg8[%swap3A_48, %swap3A_49, %swap3A_50], %swap3A_53 {strides = array<i32>} : memref<2x1000x32xf32, #tpu.memory_space<vmem>>, vector<1x1000x32xf32>,
    return
  }
  func.func @transform_0(%arg0: i32) -> (i32, i32, i32) {
    %c0_i32 = arith.constant 0 : i32
    %c0_i32_0 = arith.constant 0 : i32
    %c0_i32_1 = arith.constant 0 : i32
    return %c0_i32, %arg0, %c0_i32_0 : i32, i32, i32
  }
  func.func @transform_1(%arg0: i32) -> (i32, i32) {
    %c0_i32 = arith.constant 0 : i32
    %c0_i32_0 = arith.constant 0 : i32
    return %arg0, %c0_i32 : i32, i32
  }
  func.func @transform_2(%arg0: i32) -> (i32, i32) {
    %c0_i32 = arith.constant 0 : i32
    %c0_i32_0 = arith.constant 0 : i32
    %c0_i32_1 = arith.constant 0 : i32
    return %c0_i32, %c0_i32_0 : i32, i32
  }
  func.func @transform_3(%arg0: i32) -> (i32, i32) {
    %c0_i32 = arith.constant 0 : i32
    %c0_i32_0 = arith.constant 0 : i32
    %c0_i32_1 = arith.constant 0 : i32
    return %c0_i32, %c0_i32_0 : i32, i32
  }
  func.func @transform_4(%arg0: i32) -> (i32, i32) {
    %c0_i32 = arith.constant 0 : i32
    %c0_i32_0 = arith.constant 0 : i32
    %c0_i32_1 = arith.constant 0 : i32
    return %c0_i32, %c0_i32_0 : i32, i32
  }
  func.func @transform_5(%arg0: i32) -> (i32, i32) {
    %c0_i32 = arith.constant 0 : i32
    %c0_i32_0 = arith.constant 0 : i32
    %c0_i32_1 = arith.constant 0 : i32
    return %c0_i32, %c0_i32_0 : i32, i32
  }
  func.func @transform_6(%arg0: i32) -> (i32, i32) {
    %c0_i32 = arith.constant 0 : i32
    %c0_i32_0 = arith.constant 0 : i32
    %c0_i32_1 = arith.constant 0 : i32
    return %c0_i32, %c0_i32_0 : i32, i32
  }
  func.func @transform_7(%arg0: i32) -> (i32, i32, i32) {
    %c0_i32 = arith.constant 0 : i32
    %c0_i32_0 = arith.constant 0 : i32
    %c0_i32_1 = arith.constant 0 : i32
    return %c0_i32, %arg0, %c0_i32_0 : i32, i32, i32
  }
  func.func @transform_8(%arg0: i32) -> (i32, i32) {
    %c0_i32 = arith.constant 0 : i32
    %c0_i32_0 = arith.constant 0 : i32
    return %arg0, %c0_i32 : i32, i32
  }
}

module attributes {stable_mosaic.version = 14 : i64} {
  func.func @body(%arg0: i32, %arg1: memref<2x1000x32xf32, #tpu.memory_space<vmem>>, %arg2: memref<1000x64xf32, #tpu.memory_space<vmem>>, %arg3: memref<1x1000x1xf32, #tpu.memory_space<vmem>>, %arg4: memref<1x64xf32, #tpu.memory_space<vmem>>, %arg5: memref<64x32xf32, #tpu.memory_space<vmem>>, %arg6: memref<1x32xf32, #tpu.memory_space<vmem>>, %arg7: memref<32x3xf32, #tpu.memory_space<vmem>>, %arg8: memref<1x3xf32, #tpu.memory_space<vmem>>, %arg9: memref<32x3xf32, #tpu.memory_space<vmem>>, %arg10: memref<32x64xf32, #tpu.memory_space<vmem>>, %arg11: memref<32x64xf32, #tpu.memory_space<vmem>>) attributes {dimension_semantics = [#tpu.dimension_semantics<arbitrary>], iteration_bounds = array<i64: 50>, scalar_prefetch = 0 : i64, scratch_operands = 2 : i64, tpu.core_type = #tpu.core_type<tc>, window_params = [{transform_indices = @transform_0, window_bounds = array<i64: 2, 1000, 32>}, {transform_indices = @transform_1, window_bounds = array<i64: 1000, 64>}, {transform_indices = @transform_2, window_bounds = array<i64: 1, 1000, 1>}, {pipeline_mode = #tpu.pipeline_mode<synchronous>, transform_indices = @transform_3, window_bounds = array<i64: 1, 64>}, {pipeline_mode = #tpu.pipeline_mode<synchronous>, transform_indices = @transform_4, window_bounds = array<i64: 64, 32>}, {pipeline_mode = #tpu.pipeline_mode<synchronous>, transform_indices = @transform_5, window_bounds = array<i64: 1, 32>}, {pipeline_mode = #tpu.pipeline_mode<synchronous>, transform_indices = @transform_6, window_bounds = array<i64: 32, 3>}, {pipeline_mode = #tpu.pipeline_mode<synchronous>, transform_indices = @transform_7, window_bounds = array<i64: 1, 3>}, {pipeline_mode = #tpu.pipeline_mode<synchronous>, transform_indices = @transform_8, window_bounds = array<i64: 32, 3>}]} {
    %eq3A = arith.constant 0 : i32
    %eq3A_0 = arith.cmpi eq, %arg0, %eq3A : i32
    %convert_element_type3A = arith.extui %eq3A_0 : i1 to i32
    %cond3A = arith.constant 0 : i32
    %cond3A_1 = arith.cmpi ne, %convert_element_type3A, %cond3A : i32
    scf.if %cond3A_1 {
      %broadcast_in_dim3A_53 = arith.constant 0.000000e+00 : f32
      %broadcast_in_dim3A_54 = vector.broadcast %broadcast_in_dim3A_53 : f32 to vector<32x64xf32>
      %swap3A_55 = arith.constant 0 : index
      %swap3A_56 = arith.constant 0 : index
      %swap3A_57 = vector.load %arg10[%swap3A_55, %swap3A_56] : memref<32x64xf32, #tpu.memory_space<vmem>>, vector<32x64xf32>
      tpu.vector_store %arg10[%swap3A_55, %swap3A_56], %broadcast_in_dim3A_54 {strides = array<i32>} : memref<32x64xf32, #tpu.memory_space<vmem>>, vector<32x64xf32>,
      %broadcast_in_dim3A_58 = arith.constant 0.000000e+00 : f32
      %broadcast_in_dim3A_59 = vector.broadcast %broadcast_in_dim3A_58 : f32 to vector<32x64xf32>
      %swap3A_60 = arith.constant 0 : index
      %swap3A_61 = arith.constant 0 : index
      %swap3A_62 = vector.load %arg11[%swap3A_60, %swap3A_61] : memref<32x64xf32, #tpu.memory_space<vmem>>, vector<32x64xf32>
      tpu.vector_store %arg11[%swap3A_60, %swap3A_61], %broadcast_in_dim3A_59 {strides = array<i32>} : memref<32x64xf32, #tpu.memory_space<vmem>>, vector<32x64xf32>,
    } else {
    }
    %get3A = arith.constant 0 : index
    %get3A_2 = arith.constant 0 : index
    %get3A_3 = arith.constant 0 : index
    %get3A_4 = vector.load %arg1[%get3A, %get3A_2, %get3A_3] : memref<2x1000x32xf32, #tpu.memory_space<vmem>>, vector<1x1000x32xf32>
    %get3A_5 = vector.shape_cast %get3A_4 : vector<1x1000x32xf32> to vector<1000x32xf32>
    %get3A_6 = arith.constant 1 : index
    %get3A_7 = arith.constant 0 : index
    %get3A_8 = arith.constant 0 : index
    %get3A_9 = vector.load %arg1[%get3A_6, %get3A_7, %get3A_8] : memref<2x1000x32xf32, #tpu.memory_space<vmem>>, vector<1x1000x32xf32>
    %get3A_10 = vector.shape_cast %get3A_9 : vector<1x1000x32xf32> to vector<1000x32xf32>
    %concatenate3A = tpu.concatenate %get3A_5, %get3A_10 in 1 : vector<1000x32xf32>, vector<1000x32xf32> -> vector<1000x64xf32>
    %get3A_11 = arith.constant 0 : index
    %get3A_12 = arith.constant 0 : index
    %get3A_13 = vector.load %arg2[%get3A_11, %get3A_12] : memref<1000x64xf32, #tpu.memory_space<vmem>>, vector<1000x64xf32>
    %add3A = arith.addf %concatenate3A, %get3A_13 : vector<1000x64xf32>
    %get3A_14 = arith.constant 0 : index
    %get3A_15 = arith.constant 0 : index
    %get3A_16 = vector.load %arg4[%get3A_14, %get3A_15] : memref<1x64xf32, #tpu.memory_space<vmem>>, vector<1x64xf32>
    %add3A_17 = vector.broadcast %get3A_16 : vector<1x64xf32> to vector<1000x64xf32>
    %add3A_18 = arith.addf %add3A, %add3A_17 : vector<1000x64xf32>
    %max3A = arith.constant 0.000000e+00 : f32
    %max3A_19 = vector.broadcast %max3A : f32 to vector<1000x64xf32>
    %max3A_20 = arith.maximumf %add3A_18, %max3A_19 : vector<1000x64xf32>
    %get3A_21 = arith.constant 0 : index
    %get3A_22 = arith.constant 0 : index
    %get3A_23 = arith.constant 0 : index
    %get3A_24 = vector.load %arg3[%get3A_21, %get3A_22, %get3A_23] : memref<1x1000x1xf32, #tpu.memory_space<vmem>>, vector<1x1000x1xf32>
    %get3A_25 = vector.shape_cast %get3A_24 : vector<1x1000x1xf32> to vector<1000x1xf32>
    %iota3A = tpu.iota {dimensions = array<i32: 1>} : vector<1000x32xi32>
    %convert_element_type3A_26 = arith.sitofp %iota3A : vector<1000x32xi32> to vector<1000x32xf32>
    %eq3A_27 = vector.broadcast %get3A_25 : vector<1000x1xf32> to vector<1000x32xf32>
    %eq3A_28 = arith.cmpf oeq, %eq3A_27, %convert_element_type3A_26 : vector<1000x32xf32>
    %convert_element_type3A_29 = arith.extui %eq3A_28 : vector<1000x32xi1> to vector<1000x32xi32>
    %convert_element_type3A_30 = arith.sitofp %convert_element_type3A_29 : vector<1000x32xi32> to vector<1000x32xf32>
    %get3A_31 = arith.constant 0 : index
    %get3A_32 = arith.constant 0 : index
    %get3A_33 = vector.load %arg10[%get3A_31, %get3A_32] : memref<32x64xf32, #tpu.memory_space<vmem>>, vector<32x64xf32>
    %dot_general3A = arith.constant dense<0.000000e+00> : vector<32x64xf32>
    %dot_general3A_34 = tpu.matmul %convert_element_type3A_30, %max3A_20, %dot_general3A {dimension_numbers = #tpu.dot_dimension_numbers<[0], [0], [1], [1], [0, 1, 1, 1], [], []>, transpose_lhs_hint = false} : vector<1000x32xf32>, vector<1000x64xf32>, vector<32x64xf32> -> vector<32x64xf32>
    %add3A_35 = arith.addf %get3A_33, %dot_general3A_34 : vector<32x64xf32>
    %swap3A = arith.constant 0 : index
    %swap3A_36 = arith.constant 0 : index
    %swap3A_37 = vector.load %arg10[%swap3A, %swap3A_36] : memref<32x64xf32, #tpu.memory_space<vmem>>, vector<32x64xf32>
    tpu.vector_store %arg10[%swap3A, %swap3A_36], %add3A_35 {strides = array<i32>} : memref<32x64xf32, #tpu.memory_space<vmem>>, vector<32x64xf32>,
    %get3A_38 = arith.constant 0 : index
    %get3A_39 = arith.constant 0 : index
    %get3A_40 = vector.load %arg11[%get3A_38, %get3A_39] : memref<32x64xf32, #tpu.memory_space<vmem>>, vector<32x64xf32>
    %broadcast_in_dim3A = arith.constant 1.000000e+00 : f32
    %broadcast_in_dim3A_41 = vector.broadcast %broadcast_in_dim3A : f32 to vector<1000x64xf32>
    %dot_general3A_42 = arith.constant dense<0.000000e+00> : vector<32x64xf32>
    %dot_general3A_43 = tpu.matmul %convert_element_type3A_30, %broadcast_in_dim3A_41, %dot_general3A_42 {dimension_numbers = #tpu.dot_dimension_numbers<[0], [0], [1], [1], [0, 1, 1, 1], [], []>, transpose_lhs_hint = false} : vector<1000x32xf32>, vector<1000x64xf32>, vector<32x64xf32> -> vector<32x64xf32>
    %add3A_44 = arith.addf %get3A_40, %dot_general3A_43 : vector<32x64xf32>
    %swap3A_45 = arith.constant 0 : index
    %swap3A_46 = arith.constant 0 : index
    %swap3A_47 = vector.load %arg11[%swap3A_45, %swap3A_46] : memref<32x64xf32, #tpu.memory_space<vmem>>, vector<32x64xf32>
    tpu.vector_store %arg11[%swap3A_45, %swap3A_46], %add3A_44 {strides = array<i32>} : memref<32x64xf32, #tpu.memory_space<vmem>>, vector<32x64xf32>,
    %eq3A_48 = arith.constant 49 : i32
    %eq3A_49 = arith.cmpi eq, %arg0, %eq3A_48 : i32
    %convert_element_type3A_50 = arith.extui %eq3A_49 : i1 to i32
    %cond3A_51 = arith.constant 0 : i32
    %cond3A_52 = arith.cmpi ne, %convert_element_type3A_50, %cond3A_51 : i32
    scf.if %cond3A_52 {
      %get3A_53 = arith.constant 0 : index
      %get3A_54 = arith.constant 0 : index
      %get3A_55 = vector.load %arg10[%get3A_53, %get3A_54] : memref<32x64xf32, #tpu.memory_space<vmem>>, vector<32x64xf32>
      %get3A_56 = arith.constant 0 : index
      %get3A_57 = arith.constant 0 : index
      %get3A_58 = vector.load %arg11[%get3A_56, %get3A_57] : memref<32x64xf32, #tpu.memory_space<vmem>>, vector<32x64xf32>
      %max3A_59 = arith.constant 1.000000e+00 : f32
      %max3A_60 = vector.broadcast %max3A_59 : f32 to vector<32x64xf32>
      %max3A_61 = arith.maximumf %get3A_58, %max3A_60 : vector<32x64xf32>
      %div3A = arith.divf %get3A_55, %max3A_61 : vector<32x64xf32>
      %get3A_62 = arith.constant 0 : index
      %get3A_63 = arith.constant 0 : index
      %get3A_64 = vector.load %arg5[%get3A_62, %get3A_63] : memref<64x32xf32, #tpu.memory_space<vmem>>, vector<64x32xf32>
      %dot_general3A_65 = arith.constant dense<0.000000e+00> : vector<32x32xf32>
      %dot_general3A_66 = tpu.matmul %div3A, %get3A_64, %dot_general3A_65 {dimension_numbers = #tpu.dot_dimension_numbers<[1], [0], [0], [1], [0, 0, 1, 1], [], []>, transpose_lhs_hint = false} : vector<32x64xf32>, vector<64x32xf32>, vector<32x32xf32> -> vector<32x32xf32>
      %get3A_67 = arith.constant 0 : index
      %get3A_68 = arith.constant 0 : index
      %get3A_69 = vector.load %arg6[%get3A_67, %get3A_68] : memref<1x32xf32, #tpu.memory_space<vmem>>, vector<1x32xf32>
      %add3A_70 = vector.broadcast %get3A_69 : vector<1x32xf32> to vector<32x32xf32>
      %add3A_71 = arith.addf %dot_general3A_66, %add3A_70 : vector<32x32xf32>
      %max3A_72 = arith.constant 0.000000e+00 : f32
      %max3A_73 = vector.broadcast %max3A_72 : f32 to vector<32x32xf32>
      %max3A_74 = arith.maximumf %add3A_71, %max3A_73 : vector<32x32xf32>
      %get3A_75 = arith.constant 0 : index
      %get3A_76 = arith.constant 0 : index
      %get3A_77 = vector.load %arg7[%get3A_75, %get3A_76] : memref<32x3xf32, #tpu.memory_space<vmem>>, vector<32x3xf32>
      %dot_general3A_78 = arith.constant dense<0.000000e+00> : vector<32x3xf32>
      %dot_general3A_79 = tpu.matmul %max3A_74, %get3A_77, %dot_general3A_78 {dimension_numbers = #tpu.dot_dimension_numbers<[1], [0], [0], [1], [0, 0, 1, 1], [], []>, transpose_lhs_hint = false} : vector<32x32xf32>, vector<32x3xf32>, vector<32x3xf32> -> vector<32x3xf32>
      %get3A_80 = arith.constant 0 : index
      %get3A_81 = arith.constant 0 : index
      %get3A_82 = vector.load %arg8[%get3A_80, %get3A_81] : memref<1x3xf32, #tpu.memory_space<vmem>>, vector<1x3xf32>
      %add3A_83 = vector.broadcast %get3A_82 : vector<1x3xf32> to vector<32x3xf32>
      %add3A_84 = arith.addf %dot_general3A_79, %add3A_83 : vector<32x3xf32>
      %swap3A_85 = arith.constant 0 : index
      %swap3A_86 = arith.constant 0 : index
      %swap3A_87 = vector.load %arg9[%swap3A_85, %swap3A_86] : memref<32x3xf32, #tpu.memory_space<vmem>>, vector<32x3xf32>
      tpu.vector_store %arg9[%swap3A_85, %swap3A_86], %add3A_84 {strides = array<i32>} : memref<32x3xf32, #tpu.memory_space<vmem>>, vector<32x3xf32>,
    } else {
    }
    return
  }
  func.func @transform_0(%arg0: i32) -> (i32, i32, i32) {
    %c0_i32 = arith.constant 0 : i32
    %c0_i32_0 = arith.constant 0 : i32
    %c0_i32_1 = arith.constant 0 : i32
    return %c0_i32, %arg0, %c0_i32_0 : i32, i32, i32
  }
  func.func @transform_1(%arg0: i32) -> (i32, i32) {
    %c0_i32 = arith.constant 0 : i32
    %c0_i32_0 = arith.constant 0 : i32
    return %arg0, %c0_i32 : i32, i32
  }
  func.func @transform_2(%arg0: i32) -> (i32, i32, i32) {
    %c0_i32 = arith.constant 0 : i32
    %c0_i32_0 = arith.constant 0 : i32
    %c0_i32_1 = arith.constant 0 : i32
    return %arg0, %c0_i32, %c0_i32_0 : i32, i32, i32
  }
  func.func @transform_3(%arg0: i32) -> (i32, i32) {
    %c0_i32 = arith.constant 0 : i32
    %c0_i32_0 = arith.constant 0 : i32
    %c0_i32_1 = arith.constant 0 : i32
    return %c0_i32, %c0_i32_0 : i32, i32
  }
  func.func @transform_4(%arg0: i32) -> (i32, i32) {
    %c0_i32 = arith.constant 0 : i32
    %c0_i32_0 = arith.constant 0 : i32
    %c0_i32_1 = arith.constant 0 : i32
    return %c0_i32, %c0_i32_0 : i32, i32
  }
  func.func @transform_5(%arg0: i32) -> (i32, i32) {
    %c0_i32 = arith.constant 0 : i32
    %c0_i32_0 = arith.constant 0 : i32
    %c0_i32_1 = arith.constant 0 : i32
    return %c0_i32, %c0_i32_0 : i32, i32
  }
  func.func @transform_6(%arg0: i32) -> (i32, i32) {
    %c0_i32 = arith.constant 0 : i32
    %c0_i32_0 = arith.constant 0 : i32
    %c0_i32_1 = arith.constant 0 : i32
    return %c0_i32, %c0_i32_0 : i32, i32
  }
  func.func @transform_7(%arg0: i32) -> (i32, i32) {
    %c0_i32 = arith.constant 0 : i32
    %c0_i32_0 = arith.constant 0 : i32
    %c0_i32_1 = arith.constant 0 : i32
    return %c0_i32, %c0_i32_0 : i32, i32
  }
  func.func @transform_8(%arg0: i32) -> (i32, i32) {
    %c0_i32 = arith.constant 0 : i32
    %c0_i32_0 = arith.constant 0 : i32
    %c0_i32_1 = arith.constant 0 : i32
    return %c0_i32, %c0_i32_0 : i32, i32
  }
}

</mosaic_0001>

<sc_bundles>
// kernel: kernel.6.cloned.1.call-start
scs
__scs_entry_jumppad:
0x0: {  	(pc) =	sbr.rel $0x88, $3  }
0x1: {  	(tag) =	ssettag $0x0;
	lr =	simm.s32 $0x1  }
0x2: {  	[smem:$0x3F92] =	sst lr;
	_ =	strace $0xD0000000  }
0x3: {  	_ = 	snop  }
0x4: {  	_ = 	snop  }
0x5: {  	_ = 	snop  }
0x6: {  	_ = 	snop  }
0x7: {  	_ = 	snop  }
__scs_overlays_trampoline_lowered:
0x8: {  	[smem:$0x3FA1] =	sst s0  }
0x9: {  	[smem:$0x3FA2] =	sst s1  }
0xa: {  	[smem:$0x3FA3] =	sst s2  }
0xb: {  	[smem:$0x3FA4] =	sst s3  }
0xc: {  	[smem:$0x3FA5] =	sst s4  }
0xd: {  	[smem:$0x3FA6] =	sst s5  }
0xe: {  	[smem:$0x3FA7] =	sst s6  }
0xf: {  	[smem:$0x3FA8] =	sst s7  }
0x10: {  	[smem:$0x3FA9] =	sst s8  }
0x11: {  	[smem:$0x3FAA] =	sst s9;
	s0 =	simm.s32 @!p0 $0x0  }
0x12: {  	s1 =	sld [smem:$0x3F90];
	s0 =	simm.s32 @p0 $0x1  }
0x13: {  	[smem:$0x3FAB] =	sst s0;
	s0 =	simm.s32 @!p1 $0x0  }
0x14: {  	s2 =	sld [smem:$0x3F8F];
	s0 =	simm.s32 @p1 $0x1  }
0x15: {  	[smem:$0x3FAC] =	sst s0;
	s0 =	simm.s32 @!p2 $0x0  }
0x16: {  	s3 =	sld [smem:$0x3FDB];
	s0 =	simm.s32 @p2 $0x1  }
0x17: {  	s4 =	simm.s32 $0x1BF5;
	[smem:$0x3FAE] =	sst s0  }
0x18: {  	s0 =	sld [smem:$0x3F91];
	_ =	swait.ge [sflag:s4], $0x0  }
0x19: {  	s7 =	sld [smem:$0x3F92]  }
0x1a: {  	s8 =	sadd.s32 $0xFFFFE003, lr  }
0x1b: {  	s9 =	sadd.s32 $0xFFFFFEF7, lr;
	s5 =	simm.s32 $0xFFFFFFFF;
	p2 =	slt.u32 s8, $0xFFFFF086  }
0x1c: {  	p1 =	slt.u32 s9, $0xF7A;
	s5 =	simm.s32 @!p2 $0x0  }
0x1d: {  	s5 =	simm.s32 @p1 $0x1;
	p0 =	seq.s32 s7, s2  }
0x1e: {  	s7 =	smul.u32 @!p0 $0xF7A, s2;
	p2 =	seq.s32 @!p0 s5, $0x0  }
0x1f: {  	s9 =	smul.u32 $0xF7A, s1;
	s8 =	simm.s32 @!p0 $0x1BF5;
	p2 =	por !p2, p0  }
0x20: {  	[sflag:s8] =	ssyncset.s32 @!p0 $0xFFFFF086;
	s6 =	sadd.s32 @!p0 s3, s7;
	s7 =	simm.s32 @!p0 $0x108  }
0x21: {  	s3 =	sadd.s32 s3, s9;
	s6 =	sadd.s32 @!p0 $0x88, s6;
	s7 =	simm.s32 @p2 $0x1082  }
0x22: {  	[simem:s7], [sflag:s8] =	dma.local @!p0 [hbm:s6], $0xF7A  }
0x23: {  	s9 =	sor.u32 $0xD0000000, s2;
	s6 =	simm.s32 $0x108;
	_ =	swait.ge @!p0 [sflag:s8], $0x0  }
0x24: {  	s3 =	sadd.s32 $0x88, s3;
	s6 =	simm.s32 @!p1 $0x1082;
	[sflag:s4] =	ssyncset.s32 $0xFFFFF086  }
0x25: {  	[simem:s6], [sflag:s4] =	dma.local [hbm:s3], $0xF7A  }
0x26: {  	[smem:$0x3F92] =	sst s1;
	(tag) =	ssettag s2;
	_ =	strace s9  }
0x27: {  	s1 =	sld [smem:$0x3FA2]  }
0x28: {  	s2 =	sld [smem:$0x3FA3]  }
0x29: {  	s4 =	sld [smem:$0x3FA5]  }
0x2a: {  	p0 =	seq.s32 s5, $0x0;
	s5 =	sld [smem:$0x3FA6]  }
0x2b: {  	s6 =	sld [smem:$0x3FA7]  }
0x2c: {  	s7 =	sld [smem:$0x3FA8]  }
0x2d: {  	s3 =	simm.s32 $0x108;
	s8 =	sld [smem:$0x3FA9]  }
0x2e: {  	s3 =	simm.s32 @!p0 $0x1082;
	s9 =	sld [smem:$0x3FAA]  }
0x2f: {  	lr =	sadd.s32 s0, s3;
	s0 =	sld [smem:$0x3FA1]  }
0x30: {  	s3 =	sld [smem:$0x3FA4]  }
0x31: {  	[smem:$0x3FAD] =	sst s10  }
0x32: {  	s10 =	sld [smem:$0x3FAB];
	_ =	sdelay $0x3  }
0x33: {  	p0 =	seq.s32 s10, $0x1;
	s10 =	sld [smem:$0x3FAD];
	_ =	sdelay $0x3  }
0x34: {  	[smem:$0x3FAD] =	sst s10  }
0x35: {  	s10 =	sld [smem:$0x3FAC];
	_ =	sdelay $0x3  }
0x36: {  	p1 =	seq.s32 s10, $0x1;
	s10 =	sld [smem:$0x3FAD];
	_ =	sdelay $0x3  }
0x37: {  	[smem:$0x3FAD] =	sst s10  }
0x38: {  	s10 =	sld [smem:$0x3FAE]  }
0x39: {  	_ = 	snop;
	(pc) =	sbr.ind lr, $3  }
0x3a: {  	_ = 	snop  }
0x3b: {  	_ = 	snop  }
0x3c: {  	p2 =	seq.s32 s10, $0x1;
	s10 =	sld [smem:$0x3FAD]  }
0x3d: {  	_ =	shalt  }
0x3e: {  	_ =	shalt  }
0x3f: {  	_ =	shalt  }
0x40: {  	_ =	shalt  }
0x41: {  	_ =	shalt  }
0x42: {  	_ =	shalt  }
0x43: {  	_ =	shalt  }
0x44: {  	_ =	shalt  }
0x45: {  	_ =	shalt  }
0x46: {  	_ =	shalt  }
0x47: {  	_ =	shalt  }
0x48: {  	_ =	shalt  }
0x49: {  	_ =	shalt  }
0x4a: {  	_ =	shalt  }
0x4b: {  	_ =	shalt  }
0x4c: {  	_ =	shalt  }
0x4d: {  	_ =	shalt  }
0x4e: {  	_ =	shalt  }
0x4f: {  	_ =	shalt  }
0x50: {  	_ =	shalt  }
0x51: {  	_ =	shalt  }
0x52: {  	_ =	shalt  }
0x53: {  	_ =	shalt  }
0x54: {  	_ =	shalt  }
0x55: {  	_ =	shalt  }
0x56: {  	_ =	shalt  }
0x57: {  	_ =	shalt  }
0x58: {  	_ =	shalt  }
0x59: {  	_ =	shalt  }
0x5a: {  	_ =	shalt  }
0x5b: {  	_ =	shalt  }
0x5c: {  	_ =	shalt  }
0x5d: {  	_ =	shalt  }
0x5e: {  	_ =	shalt  }
0x5f: {  	_ =	shalt  }
0x60: {  	_ =	shalt  }
0x61: {  	_ =	shalt  }
0x62: {  	_ =	shalt  }
0x63: {  	_ =	shalt  }
0x64: {  	_ =	shalt  }
0x65: {  	_ =	shalt  }
0x66: {  	_ =	shalt  }
0x67: {  	_ =	shalt  }
0x68: {  	_ =	shalt  }
0x69: {  	_ =	shalt  }
0x6a: {  	_ =	shalt  }
0x6b: {  	_ =	shalt  }
0x6c: {  	_ =	shalt  }
0x6d: {  	_ =	shalt  }
0x6e: {  	_ =	shalt  }
0x6f: {  	_ =	shalt  }
0x70: {  	_ =	shalt  }
0x71: {  	_ =	shalt  }
0x72: {  	_ =	shalt  }
0x73: {  	_ =	shalt  }
0x74: {  	_ =	shalt  }
0x75: {  	_ =	shalt  }
0x76: {  	_ =	shalt  }
0x77: {  	_ =	shalt  }
0x78: {  	_ =	shalt  }
0x79: {  	_ =	shalt  }
0x7a: {  	_ =	shalt  }
0x7b: {  	_ =	shalt  }
0x7c: {  	_ =	shalt  }
0x7d: {  	_ =	shalt  }
0x7e: {  	_ =	shalt  }
0x7f: {  	_ =	shalt  }
0x80: {  	_ =	shalt  }
0x81: {  	_ =	shalt  }
0x82: {  	_ =	shalt  }
0x83: {  	_ =	shalt  }
0x84: {  	_ =	shalt  }
0x85: {  	_ =	shalt  }
0x86: {  	_ =	shalt  }
0x87: {  	_ =	shalt  }
.Lfunc_end0:
.L_simem_size_0:
called_computation_lowered:
.L_overlay_start_0:
0x88: {  	s2 =	sld [smem:$0x3FD9]  }
0x89: {  	s3 =	sld [smem:$0x3FFE];
	_ =	sdelay $0x1  }
0x8a: {  	s1 =	srdreg.scid  }
0x8b: {  	s0 =	sand.u32 $0x1, s1  }
0x8c: {  	s16 =	sshll.u32 s0, $0xA;
	s2 =	sadd.s32 s3, s2  }
0x8d: {  	s2 =	sadd.s32 s2, s16  }
0x8e: {  	[smem:$0x3FB9] =	sst s2  }
0x8f: {  	_ = 	snop  }
0x90: {  	(tm) =	ssettm $0x1  }
0x91: {  	s17 =	sld [smem:$0x3FFB];
	_ =	sdelay $0x3  }
0x92: {  	_ =	strace s17  }
0x93: {  	s2 =	sld [smem:$0x3FFC];
	_ =	sdelay $0x3  }
0x94: {  	_ =	strace s2  }
0x95: {  	s2 =	sld [smem:$0x3FFD];
	_ =	sdelay $0x3  }
0x96: {  	_ =	strace s2  }
0x97: {  	_ =	strace $0x8FFFFFFF  }
0x98: {  	s18 =	sld [smem:$0x3FDB];
	_ =	sdelay $0x1  }
0x99: {  	s19 =	simm.s32 $_scs_section_size  }
0x9a: {  	s4 =	simm.s32 $_size__tile_overlayer_lowered;
	s5 =	simm.s32 $_tile_overlayer_lowered  }
0x9b: {  	s22 =	simm.s32 $0x1BFF;
	s21 =	sshll.u32 s5, $0x1;
	s2 =	sadd.s32 s19, s18  }
0x9c: {  	s6 =	simm.s32 $0x0;
	s20 =	sshll.u32 s4, $0x1;
	s4 =	sadd.s32 s21, s2  }
0x9d: {  	[timem:s6], [sflag:s22] =	dma.local [hbm:s4], s20  }
0x9e: {  	_ =	swait.ge [sflag:s22], s20  }
0x9f: {  	s3 =	ssub.s32 $0x0, s20;
	[sflag:s22] =	ssyncset.done $0x0  }
0xa0: {  	[sflag:s22] =	ssyncadd.s32 s3;
	_ =	sdelay $0x1  }
0xa1: {  	s23 =	simm.s32 $0x1B8B  }
0xa2: {  	_ =	swait.ge [sflag:s23], $0x1  }
0xa3: {  	[sflag:s23] =	ssyncset.done $0x0  }
0xa4: {  	s25 =	simm.s32 $0x1B8E;
	s24 =	sld [smem:$0x3FFE];
	[sflag:s23] =	ssyncadd.s32 $0xFFFFFFFF  }
0xa5: {  	s26 =	simm.s32 $execute0_lowered;
	[smem:$0x3FD2] =	sst s25  }
0xa6: {  	s4 =	sshll.u32 s26, $0x1;
	_ =	strace $0x80000046;
	[dreg:$0x1] =	wrdreg $0xFFFFFFFF  }
0xa7: {  	s28 =	simm.s32 $_size_execute0_lowered;
	s2 =	sadd.s32 s2, s4;
	[dreg:$0x0] =	wrdreg $0x0  }
0xa8: {  	s4 =	sshll.u32 s28, $0x1;
	[dreg:$0x2] =	wrdreg s2  }
0xa9: {  	[dreg:$0x3] =	wrdreg s4  }
0xaa: {  	[dreg:$0x4] =	wrdreg $0xC0  }
0xab: {  	_ =	task [dreg:s6], $0x5FFFF  }
0xac: {  	[dreg:$0x1] =	wrdreg $0xFFFFFFFF  }
0xad: {  	[dreg:$0x0] =	wrdreg $0x60  }
0xae: {  	[dreg:$0x2] =	wrdreg s24  }
0xaf: {  	[dreg:$0x3] =	wrdreg $0x0  }
0xb0: {  	[dreg:$0x4] =	wrdreg $0x9  }
0xb1: {  	_ =	task.clear_ibuf [dreg:s6], $0x5FFFF;
	_ =	strace $0x90000046  }
0xb2: {  	s29 =	simm.s32 $0x9;
	_ =	strace $0x80000048  }
0xb3: {  	_ =	swait.ge [sflag:s29], $0x1  }
0xb4: {  	[sflag:s29] =	ssyncadd.s32 $0xFFFFFFFF  }
0xb5: {  	_ =	strace $0x90000048  }
0xb6: {  	_ =	sfence  }
0xb7: {  	s30 =	sld [smem:$0x0];
	_ =	sdelay $0x2  }
0xb8: {  	s31 =	sshll.u32 s1, $0xD;
	s1 =	sshrl.u32 s1, $0x2  }
0xb9: {  	s3 =	sand.u32 $0x4000, s31;
	s1 =	sadd.s32 s1, s30  }
0xba: {  	s0 =	sor.u32 s3, s0;
	s1 =	sshll.u32 s1, $0x11  }
0xbb: {  	s0 =	sor.u32 s1, s0  }
0xbc: {  	s0 =	sadd.s32 $0x8F2B, s0  }
0xbd: {  	[sflag:s0] =	ssyncadd.remote.s32 $0x1  }
0xbe: {  	_ =	sfence.sel $0xFFFF  }
0xbf: {  	[dreg:$0x0] =	wrdreg $0xFFFFFFFF;
	(pc) =	sbr.abs _section_cstart, $3  }
0xc0: {  	[dreg:$0x1] =	wrdreg $0xFFFFFFFF  }
0xc1: {  	_ =	task.clear_ibuf [dreg:s6], $0x2FFFF;
	_ =	strace $0x9FFFFFFF  }
0xc2: {  	(tm) =	ssettm $0x7FFFFFFF  }
0xc3: {  	_ =	shalt  }
tec
execute0_lowered:
.L_overlay_start_1:
0x0: {  	(tag) =	ssettag $0x1  }
0x1: {  	s0 =	rddreg [dreg:$0x0]  }
0x2: {  	s2 =	rddreg [dreg:$0x1]  }
0x3: {  	s3 =	simm.s32 $0x0;
	s15 =	stileid.u32;
	s7 =	srdreg.scid  }
0x4: {  	s28 =	simm.s32 $0xC500;
	s29 =	simm.s32 $0xE180;
	s30 =	simm.s32 $0x2  }
0x5: {  	s31 =	simm.s32 $0xC600;
	[smem:$0x7FF] =	sst s3;
	s1 =	smul.u32 $0xC380, s15  }
0x6: {  	s4 =	sadd.s32 $0x1A600, s0;
	s5 =	sadd.s32 $0x1E00, s0;
	s6 =	sadd.s32 $0x4B600, s0  }
0x7: {  	s9 =	sand.u32 $0x1, s7;
	s7 =	sadd.s32 $0x32E00, s0;
	s12 =	smul.u32 $0x1870, s15  }
0x8: {  	s18 =	sshll.u32 s15, $0x1;
	s22 =	sshll.u32 s15, $0x6;
	p0 =	seq.s32 s15, $0xF  }
0x9: {  	_ =	strace $0x80000047;
	s17 =	ssub.s32 $0x2, s9;
	s19 =	smul.u32 $0xC3500, s9  }
0xa: {  	s14 =	sor.u32 s9, s18;
	s20 =	smul.u32 $0x186A0, s9;
	s18 =	simm.s32 $0xC580  }
0xb: {  	s9 =	simm.s32 $0x3;
	s8 =	sshrl.u32 s1, $0x3;
	s11 =	sshrl.u32 s17, $0x1  }
0xc: {  	s10 =	sadd.s32 s8, s0;
	s0 =	sadd.s32 $0x7C600, s0;
	s13 =	ssub.s32 s17, s11  }
0xd: {  	s8 =	sadd.s32 s1, s2;
	s11 =	sshrl.u32 s19, $0x3;
	s1 =	sadd.s32 s12, s20  }
0xe: {  	s17 =	simm.s32 $0xC380;
	s19 =	simm.s32 $0xC780;
	s20 =	simm.s32 $0x1  }
0xf: {  	s21 =	sadd.s32 $0x63E00, s10;
	s10 =	sor.u32 $0x1C04, s22;
	s23 =	sadd.s32 s0, s11  }
0x10: {  	s11 =	smul.u32 $0x31, s14;
	s0 =	sadd.s32 s0, s1;
	[dreg:$0x3] =	wrdreg s21  }
0x11: {  	s25 =	smax.u32 s13, $0x1;
	s26 =	sshrl.u32 s8, $0x3;
	[dreg:$0x4] =	wrdreg s0  }
0x12: {  	s22 =	simm.s32 $0xC980;
	s1 =	simm.s32 $0xC700;
	[dreg:$0x6] =	wrdreg s25  }
0x13: {  	s24 =	sadd.s32 $0x16E90, s23;
	[dreg:$0x7] =	wrdreg s26;
	s21 =	simm.s32 $0x80  }
0x14: {  	s23 =	simm.s32 $0xC400;
	s25 =	simm.s32 $0xC480;
	s26 =	simm.s32 $0xD980  }
0x15: {  	s0 =	simm.s32 $0xC680;
	[dreg:$0x5] =	wrdreg s24;
	s24 =	simm.s32 $0xD180  }
.LBB2_1:
0x16: {  	s12 =	rddreg [dreg:$0x3]  }
0x17: {  	s13 =	rddreg [dreg:$0x7];
	s16 =	simm.s32 $0x4  }
0x18: {  	[spmem:s13], [sflag:s10] =	dma.local [hbm:s12], $0x1870  }
0x19: {  	_ =	swait.ge [sflag:s16], $0x1870  }
0x1a: {  	[sflag:s16] =	ssyncset.done $0x0  }
0x1b: {  	[sflag:s16] =	ssyncadd.s32 $0xFFFFE790  }
0x1c: {  	s12 =	simm.s32 $0x0;
	[bflag:$0x0] =	sbarrier.arrive $0xFFFF  }
.LBB2_2:
0x1d: {  	s13 =	sadd.s32 s11, s12  }
0x1e: {  	s13 =	sshll.u32 s13, $0x6  }
0x1f: {  	s15 =	simm.s32 $0x0;
	s14 =	sadd.s32 s4, s13  }
0x20: {  	[tilespmem:s17], [sflag:$0x1] =	stream.linear.gather [hbm4b:s14+s15], $0x200, $0x38;
	[tilespmem:$0xE980] =	vst v63  }
0x21: {  	s16 =	sadd.s32 s5, s13  }
0x22: {  	[tilespmem:s18], [sflag:$0x1] =	stream.linear.gather [hbm4b:s16+s15], $0x200, $0x38;
	[tilespmem:$0xE980] =	vst v63  }
0x23: {  	s13 =	sadd.s32 s6, s13  }
0x24: {  	[tilespmem:s19], [sflag:$0x1] =	stream.linear.gather [hbm4b:s13+s15], $0x200, $0x38;
	[tilespmem:$0xE980] =	vst v63  }
0x25: {  	_ =	swait.ge [sflag:s20], $0x200  }
0x26: {  	[sflag:s20] =	ssyncset.done $0x0  }
0x27: {  	[sflag:s20] =	ssyncadd.s32 $0xFFFFFE00  }
0x28: {  	_ =	swait.ge [sflag:s20], $0x200  }
0x29: {  	[sflag:s20] =	ssyncset.done $0x0  }
0x2a: {  	[sflag:s20] =	ssyncadd.s32 $0xFFFFFE00  }
0x2b: {  	_ =	swait.ge [sflag:s20], $0x200  }
0x2c: {  	[sflag:s20] =	ssyncset.done $0x0  }
0x2d: {  	[sflag:s20] =	ssyncadd.s32 $0xFFFFFE00  }
0x2e: {  	[tilespmem:s22], [sflag:$0x2] =	stream.indirect.gather [hbm4b:s7+s21], $0x10, s17, s21, $0xb8;
	[tilespmem:$0xE980] =	vst v63  }
0x2f: {  	_ = 	snop  }
0x30: {  	[tilespmem:s24], [sflag:$0x2] =	stream.indirect.gather [hbm4b:s7+s21], $0x10, s23, s21, $0xb8;
	[tilespmem:$0xE980] =	vst v63  }
0x31: {  	_ = 	snop  }
0x32: {  	[tilespmem:s26], [sflag:$0x2] =	stream.indirect.gather [hbm4b:s7+s21], $0x10, s25, s21, $0xb8;
	[tilespmem:$0xE980] =	vst v63  }
0x33: {  	_ = 	snop  }
0x34: {  	[tilespmem:s29], [sflag:$0x2] =	stream.indirect.gather [hbm4b:s7+s21], $0x10, s28, s21, $0xb8;
	[tilespmem:$0xE980] =	vst v63  }
0x35: {  	_ =	swait.ge [sflag:s30], $0x800  }
0x36: {  	[sflag:s30] =	ssyncset.done $0x0  }
0x37: {  	[sflag:s30] =	ssyncadd.s32 $0xFFFFF800  }
0x38: {  	_ =	swait.ge [sflag:s30], $0x800  }
0x39: {  	[sflag:s30] =	ssyncset.done $0x0  }
0x3a: {  	[sflag:s30] =	ssyncadd.s32 $0xFFFFF800  }
0x3b: {  	_ =	swait.ge [sflag:s30], $0x800  }
0x3c: {  	[sflag:s30] =	ssyncset.done $0x0  }
0x3d: {  	[sflag:s30] =	ssyncadd.s32 $0xFFFFF800  }
0x3e: {  	_ =	swait.ge [sflag:s30], $0x800  }
0x3f: {  	[sflag:s30] =	ssyncset.done $0x0  }
0x40: {  	s13 =	simm.s32 $0xCA00;
	[sflag:s30] =	ssyncadd.s32 $0xFFFFF800  }
0x41: {  	s14 =	simm.s32 $0xCA00;
	s16 =	simm.s32 $0x0;
	s15 =	simm.s32 $0x40;
	v0 =	vld [tilespmem:s13+$0xFFFFFFB0]  }
.LBB2_3:
0x42: {  	p1 =	sne.s32 s15, $0x7C0;
	v1 =	vld [tilespmem:s16+$0xC780]  }
0x43: {  	v2 =	vld [tilespmem:s13+$0xFFFFFF90]  }
0x44: {  	v3 =	vld [tilespmem:s13+$0xFFFFFF80]  }
0x45: {  	v4 =	vld [tilespmem:s13+$0xFFFFFFA0]  }
0x46: {  	v5 =	vld [tilespmem:s13+$0xFFFFFFF0]  }
0x47: {  	v6 =	vbroadcast v1, $0x0;
	v7 =	vbroadcast v1, $0x1;
	v8 =	vld [tilespmem:s13+$0xFFFFFFD0]  }
0x48: {  	v9 =	vbroadcast v1, $0x2;
	v10 =	vbroadcast v1, $0x3;
	v11 =	vld [tilespmem:s13+$0xFFFFFFC0]  }
0x49: {  	v3 =	vmul.f32 v6, v3;
	v2 =	vmul.f32 v2, v7;
	v6 =	vld [tilespmem:s13+$0xFFFFFFE0]  }
0x4a: {  	v0 =	vmul.f32 v0, v10;
	v4 =	vmul.f32 v4, v9;
	v7 =	vld [tilespmem:s13+$0x30]  }
0x4b: {  	v9 =	vbroadcast v1, $0x5;
	[tilespmem:s13+$0xFFFFFF80] =	vst v3;
	v3 =	vbroadcast v1, $0x4;
	v10 =	vld [tilespmem:s13+$0x10]  }
0x4c: {  	v12 =	vbroadcast v1, $0x7;
	[tilespmem:s13+$0xFFFFFF90] =	vst v2;
	v2 =	vbroadcast v1, $0x6;
	v13 =	vld [tilespmem:s13+$0x0]  }
0x4d: {  	[tilespmem:s13+$0xFFFFFFA0] =	vst v4;
	v3 =	vmul.f32 v11, v3;
	v4 =	vmul.f32 v8, v9;
	v8 =	vld [tilespmem:s13+$0x20]  }
0x4e: {  	[tilespmem:s13+$0xFFFFFFB0] =	vst v0;
	v0 =	vmul.f32 v6, v2;
	v2 =	vmul.f32 v5, v12;
	v5 =	vld [tilespmem:s13+$0x70]  }
0x4f: {  	v6 =	vbroadcast v1, $0x9;
	[tilespmem:s13+$0xFFFFFFC0] =	vst v3;
	v3 =	vbroadcast v1, $0x8;
	v9 =	vld [tilespmem:s13+$0x50]  }
0x50: {  	v11 =	vbroadcast v1, $0xB;
	[tilespmem:s13+$0xFFFFFFD0] =	vst v4;
	v4 =	vbroadcast v1, $0xA;
	v12 =	vld [tilespmem:s13+$0x40]  }
0x51: {  	[tilespmem:s13+$0xFFFFFFE0] =	vst v0;
	v0 =	vmul.f32 v13, v3;
	v3 =	vmul.f32 v10, v6;
	v6 =	vld [tilespmem:s13+$0x60]  }
0x52: {  	[tilespmem:s13+$0xFFFFFFF0] =	vst v2;
	v2 =	vmul.f32 v8, v4;
	v4 =	vmul.f32 v7, v11  }
0x53: {  	v7 =	vbroadcast v1, $0xD;
	[tilespmem:s13+$0x0] =	vst v0;
	v0 =	vbroadcast v1, $0xC  }
0x54: {  	[tilespmem:s13+$0x10] =	vst v3;
	v3 =	vbroadcast v1, $0xE;
	v1 =	vbroadcast v1, $0xF  }
0x55: {  	[tilespmem:s13+$0x20] =	vst v2;
	v0 =	vmul.f32 v12, v0;
	v2 =	vmul.f32 v9, v7  }
.Ltmp0:
0x56: {  	[tilespmem:s13+$0x30] =	vst v4;
	v3 =	vmul.f32 v6, v3;
	v1 =	vmul.f32 v5, v1;
	(pc) =	sbr.rel @p1 .LBB2_3-.Ltmp0, $4  }
0x57: {  	[tilespmem:s13+$0x40] =	vst v0  }
0x58: {  	[tilespmem:s13+$0x50] =	vst v2  }
0x59: {  	s13 =	sadd.s32 $0x100, s13;
	[tilespmem:s14+$0x60] =	vst v3  }
0x5a: {  	s16 =	sshra.s32 s15, $0x2;
	s15 =	sadd.s32 $0x40, s15;
	v0 =	vld [tilespmem:s13+$0xFFFFFFB0];
	[tilespmem:s14+$0x70] =	vst v1;
	s14 =	smov.u32 s13  }
0x5b: {  	v1 =	vld [tilespmem:s16+$0xC780];
	_ =	sdelay $0x1  }
0x5c: {  	v2 =	vld [tilespmem:s13+$0xFFFFFF80]  }
0x5d: {  	v3 =	vld [tilespmem:s13+$0xFFFFFF90]  }
0x5e: {  	v4 =	vld [tilespmem:s13+$0xFFFFFFA0]  }
0x5f: {  	v5 =	vbroadcast v1, $0x0  }
0x60: {  	v8 =	vld [tilespmem:s13+$0xFFFFFFD0];
	v6 =	vbroadcast v1, $0x1  }
0x61: {  	v43 =	vld [tilespmem:s13+$0xFFFFFFE0];
	v9 =	vbroadcast v1, $0x2;
	v2 =	vmul.f32 v5, v2  }
0x62: {  	v47 =	vld [tilespmem:s13+$0x10];
	v42 =	vbroadcast v1, $0x3;
	v3 =	vmul.f32 v3, v6  }
0x63: {  	v7 =	vld [tilespmem:s13+$0xFFFFFFC0];
	v45 =	vbroadcast v1, $0x5;
	v4 =	vmul.f32 v4, v9;
	[tilespmem:s13+$0xFFFFFF80] =	vst v2  }
0x64: {  	v10 =	vld [tilespmem:s13+$0xFFFFFFF0];
	v11 =	vbroadcast v1, $0x6;
	v0 =	vmul.f32 v0, v42;
	[tilespmem:s13+$0xFFFFFF90] =	vst v3  }
0x65: {  	v49 =	vld [tilespmem:s13+$0x20];
	v52 =	vbroadcast v1, $0x9;
	v5 =	vmul.f32 v8, v45;
	[tilespmem:s13+$0xFFFFFFA0] =	vst v4  }
0x66: {  	v50 =	vld [tilespmem:s13+$0x30];
	v44 =	vbroadcast v1, $0x4;
	v6 =	vmul.f32 v43, v11;
	[tilespmem:s13+$0xFFFFFFB0] =	vst v0  }
0x67: {  	v46 =	vld [tilespmem:s13+$0x0];
	v48 =	vbroadcast v1, $0x7;
	v57 =	vmul.f32 v47, v52;
	[tilespmem:s13+$0xFFFFFFD0] =	vst v5  }
0x68: {  	v54 =	vld [tilespmem:s13+$0x50];
	v55 =	vbroadcast v1, $0xA;
	v2 =	vmul.f32 v7, v44;
	[tilespmem:s13+$0xFFFFFFE0] =	vst v6  }
0x69: {  	v53 =	vld [tilespmem:s13+$0x40];
	v56 =	vbroadcast v1, $0xB;
	v4 =	vmul.f32 v10, v48;
	[tilespmem:s13+$0x10] =	vst v57  }
0x6a: {  	v58 =	vld [tilespmem:s13+$0x60];
	v51 =	vbroadcast v1, $0x8;
	v7 =	vmul.f32 v49, v55;
	[tilespmem:s13+$0xFFFFFFC0] =	vst v2  }
0x6b: {  	v59 =	vld [tilespmem:s13+$0x70];
	v61 =	vbroadcast v1, $0xD;
	v0 =	vmul.f32 v50, v56;
	[tilespmem:s13+$0xFFFFFFF0] =	vst v4  }
0x6c: {  	v60 =	vbroadcast v1, $0xC;
	v2 =	vmul.f32 v46, v51;
	[tilespmem:s13+$0x20] =	vst v7  }
0x6d: {  	v62 =	vbroadcast v1, $0xE;
	v3 =	vmul.f32 v54, v61;
	[tilespmem:s13+$0x30] =	vst v0  }
0x6e: {  	v1 =	vbroadcast v1, $0xF;
	[tilespmem:s13+$0x0] =	vst v2;
	v2 =	vmul.f32 v53, v60  }
0x6f: {  	v63 =	vmul.f32 v58, v62;
	[tilespmem:s13+$0x50] =	vst v3  }
0x70: {  	v1 =	vmul.f32 v59, v1;
	[tilespmem:s13+$0x40] =	vst v2  }
0x71: {  	[tilespmem:s14+$0x60] =	vst v63  }
0x72: {  	[tilespmem:s14+$0x70] =	vst v1  }
0x73: {  	[spmem:s2] =	stream.indirect.scatter.add.f32 [tilespmem:s22], [sflag:$0x3], $0x10, s18, s21, $0xb8;
	[tilespmem:$0xE980] =	vst v63  }
0x74: {  	_ = 	snop  }
0x75: {  	[spmem:s2] =	stream.indirect.scatter.add.f32 [tilespmem:s24], [sflag:$0x3], $0x10, s31, s21, $0xb8;
	[tilespmem:$0xE980] =	vst v63  }
0x76: {  	_ = 	snop  }
0x77: {  	[spmem:s2] =	stream.indirect.scatter.add.f32 [tilespmem:s26], [sflag:$0x3], $0x10, s0, s21, $0xb8;
	[tilespmem:$0xE980] =	vst v63  }
0x78: {  	_ = 	snop  }
0x79: {  	[spmem:s2] =	stream.indirect.scatter.add.f32 [tilespmem:s29], [sflag:$0x3], $0x10, s1, s21, $0xb8;
	[tilespmem:$0xE980] =	vst v63  }
0x7a: {  	_ =	swait.ge [sflag:s9], $0x800  }
0x7b: {  	[sflag:s9] =	ssyncset.done $0x0  }
0x7c: {  	[sflag:s9] =	ssyncadd.s32 $0xFFFFF800  }
0x7d: {  	_ =	swait.ge [sflag:s9], $0x800  }
0x7e: {  	[sflag:s9] =	ssyncset.done $0x0  }
0x7f: {  	s12 =	sadd.s32 $0x1, s12;
	[sflag:s9] =	ssyncadd.s32 $0xFFFFF800  }
0x80: {  	p1 =	sne.s32 s12, $0x31;
	_ =	swait.ge [sflag:s9], $0x800  }
.Ltmp1:
0x81: {  	[sflag:s9] =	ssyncset.done $0x0;
	(pc) =	sbr.rel @p1 .LBB2_2-.Ltmp1, $4  }
0x82: {  	[sflag:s9] =	ssyncadd.s32 $0xFFFFF800  }
0x83: {  	_ =	swait.ge [sflag:s9], $0x800  }
0x84: {  	[sflag:s9] =	ssyncset.done $0x0  }
0x85: {  	[sflag:s9] =	ssyncadd.s32 $0xFFFFF800  }
0x86: {  	[bflag:$0x0] =	sbarrier.arrive $0xFFFF  }
0x87: {  	s12 =	sshrl.u32 @p0 s8, $0x3;
	s13 =	rddreg [dreg:$0x5]  }
0x88: {  	[hbm:s13], [sflag:s10] =	dma.local @p0 [spmem:s12], $0x1810  }
0x89: {  	s12 =	simm.s32 @p0 $0x4  }
0x8a: {  	_ =	swait.ge @p0 [sflag:s12], $0x1810  }
0x8b: {  	[sflag:s12] =	ssyncset.done @p0 $0x0  }
0x8c: {  	s13 =	rddreg [dreg:$0x4];
	[sflag:s12] =	ssyncadd.s32 @p0 $0xFFFFE7F0;
	s12 =	sshrl.u32 @!p0 s8, $0x3  }
0x8d: {  	[hbm:s13], [sflag:s10] =	dma.local @!p0 [spmem:s12], $0x1870  }
0x8e: {  	s12 =	simm.s32 @!p0 $0x4  }
0x8f: {  	_ =	swait.ge @!p0 [sflag:s12], $0x1870  }
0x90: {  	s3 =	sadd.s32 $0x1, s3;
	s16 =	rddreg [dreg:$0x6]  }
0x91: {  	p1 =	sne.s32 s3, s16  }
.Ltmp2:
0x92: {  	_ = 	snop;
	(pc) =	sbr.rel @p1 .LBB2_1-.Ltmp2, $3  }
0x93: {  	_ =	sdelay $0x1  }
0x94: {  	[sflag:s12] =	ssyncset.done @!p0 $0x0  }
0x95: {  	[sflag:s12] =	ssyncadd.s32 @!p0 $0xFFFFE790  }
0x96: {  	_ =	sfence.sel $0x180000  }
0x97: {  	[bflag:$0x0] =	sbarrier.arrive $0xFFFF  }
0x98: {  	_ =	strace $0x90000047  }
0x99: {  	s0 =	stileid.u32;
	[bflag:$0x2] =	sbarrier.arrive $0xFFFF  }
0x9a: {  	p0 =	sne.s32 s0, $0x0;
	s0 =	rddreg [dreg:$0x2]  }
0x9b: {  	s0 =	sadd.s32 @!p0 $0x100000, s0  }
0x9c: {  	[sflag:s0] =	ssyncadd.tile.s32 @!p0 $0x1;
	_ =	shalt  }
.Lfunc_end2:
_tile_overlayer_lowered:
.L_overlay_start_2:
0x9d: {  	(tag) =	ssettag $0x2  }
0x9e: {  	s0 =	rddreg [dreg:$0x0];
	s2 =	stileid.u32  }
0x9f: {  	s1 =	rddreg [dreg:$0x1];
	p0 =	sne.s32 s2, $0x0  }
0xa0: {  	s3 =	rddreg [dreg:$0x2];
	[bflag:$0x3] =	sbarrier.arrive $0xFFFF;
	s2 =	simm.s32 @!p0 $0x1C04  }
0xa1: {  	[timem:s3], [sflag:s2] =	dma.local @!p0 [hbm:s0], s1  }
0xa2: {  	s0 =	simm.s32 @!p0 $0x4  }
0xa3: {  	_ =	swait.ge @!p0 [sflag:s0], s1  }
0xa4: {  	s1 =	ssub.s32 @!p0 $0x0, s1;
	[sflag:s0] =	ssyncset.done @!p0 $0x0  }
0xa5: {  	[sflag:s0] =	ssyncadd.s32 @!p0 s1  }
0xa6: {  	[bflag:$0x3] =	sbarrier.arrive $0xFFFF  }
0xa7: {  	_ =	shalt  }

// kernel: kernel.9.cloned.1.call-start
scs
__scs_entry_jumppad:
0x0: {  	(pc) =	sbr.rel $0x88, $3  }
0x1: {  	(tag) =	ssettag $0x0;
	lr =	simm.s32 $0x1  }
0x2: {  	[smem:$0x3F92] =	sst lr;
	_ =	strace $0xD0000000  }
0x3: {  	_ = 	snop  }
0x4: {  	_ = 	snop  }
0x5: {  	_ = 	snop  }
0x6: {  	_ = 	snop  }
0x7: {  	_ = 	snop  }
__scs_overlays_trampoline_lowered:
0x8: {  	[smem:$0x3FA1] =	sst s0  }
0x9: {  	[smem:$0x3FA2] =	sst s1  }
0xa: {  	[smem:$0x3FA3] =	sst s2  }
0xb: {  	[smem:$0x3FA4] =	sst s3  }
0xc: {  	[smem:$0x3FA5] =	sst s4  }
0xd: {  	[smem:$0x3FA6] =	sst s5  }
0xe: {  	[smem:$0x3FA7] =	sst s6  }
0xf: {  	[smem:$0x3FA8] =	sst s7  }
0x10: {  	[smem:$0x3FA9] =	sst s8  }
0x11: {  	[smem:$0x3FAA] =	sst s9;
	s0 =	simm.s32 @!p0 $0x0  }
0x12: {  	s1 =	sld [smem:$0x3F90];
	s0 =	simm.s32 @p0 $0x1  }
0x13: {  	[smem:$0x3FAB] =	sst s0;
	s0 =	simm.s32 @!p1 $0x0  }
0x14: {  	s2 =	sld [smem:$0x3F8F];
	s0 =	simm.s32 @p1 $0x1  }
0x15: {  	[smem:$0x3FAC] =	sst s0;
	s0 =	simm.s32 @!p2 $0x0  }
0x16: {  	s3 =	sld [smem:$0x3FDB];
	s0 =	simm.s32 @p2 $0x1  }
0x17: {  	s4 =	simm.s32 $0x1BF5;
	[smem:$0x3FAE] =	sst s0  }
0x18: {  	s0 =	sld [smem:$0x3F91];
	_ =	swait.ge [sflag:s4], $0x0  }
0x19: {  	s7 =	sld [smem:$0x3F92]  }
0x1a: {  	s8 =	sadd.s32 $0xFFFFE003, lr  }
0x1b: {  	s9 =	sadd.s32 $0xFFFFFEF7, lr;
	s5 =	simm.s32 $0xFFFFFFFF;
	p2 =	slt.u32 s8, $0xFFFFF086  }
0x1c: {  	p1 =	slt.u32 s9, $0xF7A;
	s5 =	simm.s32 @!p2 $0x0  }
0x1d: {  	s5 =	simm.s32 @p1 $0x1;
	p0 =	seq.s32 s7, s2  }
0x1e: {  	s7 =	smul.u32 @!p0 $0xF7A, s2;
	p2 =	seq.s32 @!p0 s5, $0x0  }
0x1f: {  	s9 =	smul.u32 $0xF7A, s1;
	s8 =	simm.s32 @!p0 $0x1BF5;
	p2 =	por !p2, p0  }
0x20: {  	[sflag:s8] =	ssyncset.s32 @!p0 $0xFFFFF086;
	s6 =	sadd.s32 @!p0 s3, s7;
	s7 =	simm.s32 @!p0 $0x108  }
0x21: {  	s3 =	sadd.s32 s3, s9;
	s6 =	sadd.s32 @!p0 $0x88, s6;
	s7 =	simm.s32 @p2 $0x1082  }
0x22: {  	[simem:s7], [sflag:s8] =	dma.local @!p0 [hbm:s6], $0xF7A  }
0x23: {  	s9 =	sor.u32 $0xD0000000, s2;
	s6 =	simm.s32 $0x108;
	_ =	swait.ge @!p0 [sflag:s8], $0x0  }
0x24: {  	s3 =	sadd.s32 $0x88, s3;
	s6 =	simm.s32 @!p1 $0x1082;
	[sflag:s4] =	ssyncset.s32 $0xFFFFF086  }
0x25: {  	[simem:s6], [sflag:s4] =	dma.local [hbm:s3], $0xF7A  }
0x26: {  	[smem:$0x3F92] =	sst s1;
	(tag) =	ssettag s2;
	_ =	strace s9  }
0x27: {  	s1 =	sld [smem:$0x3FA2]  }
0x28: {  	s2 =	sld [smem:$0x3FA3]  }
0x29: {  	s4 =	sld [smem:$0x3FA5]  }
0x2a: {  	p0 =	seq.s32 s5, $0x0;
	s5 =	sld [smem:$0x3FA6]  }
0x2b: {  	s6 =	sld [smem:$0x3FA7]  }
0x2c: {  	s7 =	sld [smem:$0x3FA8]  }
0x2d: {  	s3 =	simm.s32 $0x108;
	s8 =	sld [smem:$0x3FA9]  }
0x2e: {  	s3 =	simm.s32 @!p0 $0x1082;
	s9 =	sld [smem:$0x3FAA]  }
0x2f: {  	lr =	sadd.s32 s0, s3;
	s0 =	sld [smem:$0x3FA1]  }
0x30: {  	s3 =	sld [smem:$0x3FA4]  }
0x31: {  	[smem:$0x3FAD] =	sst s10  }
0x32: {  	s10 =	sld [smem:$0x3FAB];
	_ =	sdelay $0x3  }
0x33: {  	p0 =	seq.s32 s10, $0x1;
	s10 =	sld [smem:$0x3FAD];
	_ =	sdelay $0x3  }
0x34: {  	[smem:$0x3FAD] =	sst s10  }
0x35: {  	s10 =	sld [smem:$0x3FAC];
	_ =	sdelay $0x3  }
0x36: {  	p1 =	seq.s32 s10, $0x1;
	s10 =	sld [smem:$0x3FAD];
	_ =	sdelay $0x3  }
0x37: {  	[smem:$0x3FAD] =	sst s10  }
0x38: {  	s10 =	sld [smem:$0x3FAE]  }
0x39: {  	_ = 	snop;
	(pc) =	sbr.ind lr, $3  }
0x3a: {  	_ = 	snop  }
0x3b: {  	_ = 	snop  }
0x3c: {  	p2 =	seq.s32 s10, $0x1;
	s10 =	sld [smem:$0x3FAD]  }
0x3d: {  	_ =	shalt  }
0x3e: {  	_ =	shalt  }
0x3f: {  	_ =	shalt  }
0x40: {  	_ =	shalt  }
0x41: {  	_ =	shalt  }
0x42: {  	_ =	shalt  }
0x43: {  	_ =	shalt  }
0x44: {  	_ =	shalt  }
0x45: {  	_ =	shalt  }
0x46: {  	_ =	shalt  }
0x47: {  	_ =	shalt  }
0x48: {  	_ =	shalt  }
0x49: {  	_ =	shalt  }
0x4a: {  	_ =	shalt  }
0x4b: {  	_ =	shalt  }
0x4c: {  	_ =	shalt  }
0x4d: {  	_ =	shalt  }
0x4e: {  	_ =	shalt  }
0x4f: {  	_ =	shalt  }
0x50: {  	_ =	shalt  }
0x51: {  	_ =	shalt  }
0x52: {  	_ =	shalt  }
0x53: {  	_ =	shalt  }
0x54: {  	_ =	shalt  }
0x55: {  	_ =	shalt  }
0x56: {  	_ =	shalt  }
0x57: {  	_ =	shalt  }
0x58: {  	_ =	shalt  }
0x59: {  	_ =	shalt  }
0x5a: {  	_ =	shalt  }
0x5b: {  	_ =	shalt  }
0x5c: {  	_ =	shalt  }
0x5d: {  	_ =	shalt  }
0x5e: {  	_ =	shalt  }
0x5f: {  	_ =	shalt  }
0x60: {  	_ =	shalt  }
0x61: {  	_ =	shalt  }
0x62: {  	_ =	shalt  }
0x63: {  	_ =	shalt  }
0x64: {  	_ =	shalt  }
0x65: {  	_ =	shalt  }
0x66: {  	_ =	shalt  }
0x67: {  	_ =	shalt  }
0x68: {  	_ =	shalt  }
0x69: {  	_ =	shalt  }
0x6a: {  	_ =	shalt  }
0x6b: {  	_ =	shalt  }
0x6c: {  	_ =	shalt  }
0x6d: {  	_ =	shalt  }
0x6e: {  	_ =	shalt  }
0x6f: {  	_ =	shalt  }
0x70: {  	_ =	shalt  }
0x71: {  	_ =	shalt  }
0x72: {  	_ =	shalt  }
0x73: {  	_ =	shalt  }
0x74: {  	_ =	shalt  }
0x75: {  	_ =	shalt  }
0x76: {  	_ =	shalt  }
0x77: {  	_ =	shalt  }
0x78: {  	_ =	shalt  }
0x79: {  	_ =	shalt  }
0x7a: {  	_ =	shalt  }
0x7b: {  	_ =	shalt  }
0x7c: {  	_ =	shalt  }
0x7d: {  	_ =	shalt  }
0x7e: {  	_ =	shalt  }
0x7f: {  	_ =	shalt  }
0x80: {  	_ =	shalt  }
0x81: {  	_ =	shalt  }
0x82: {  	_ =	shalt  }
0x83: {  	_ =	shalt  }
0x84: {  	_ =	shalt  }
0x85: {  	_ =	shalt  }
0x86: {  	_ =	shalt  }
0x87: {  	_ =	shalt  }
.Lfunc_end0:
.L_simem_size_0:
called_computation.1_lowered:
.L_overlay_start_0:
0x88: {  	s2 =	sld [smem:$0x3FD9]  }
0x89: {  	s3 =	sld [smem:$0x3FFE];
	_ =	sdelay $0x1  }
0x8a: {  	s1 =	srdreg.scid  }
0x8b: {  	s0 =	sand.u32 $0x1, s1  }
0x8c: {  	s16 =	sshll.u32 s0, $0xA;
	s2 =	sadd.s32 s3, s2  }
0x8d: {  	s2 =	sadd.s32 s2, s16  }
0x8e: {  	[smem:$0x3FB9] =	sst s2  }
0x8f: {  	_ = 	snop  }
0x90: {  	(tm) =	ssettm $0x1  }
0x91: {  	s17 =	sld [smem:$0x3FFB];
	_ =	sdelay $0x3  }
0x92: {  	_ =	strace s17  }
0x93: {  	s2 =	sld [smem:$0x3FFC];
	_ =	sdelay $0x3  }
0x94: {  	_ =	strace s2  }
0x95: {  	s2 =	sld [smem:$0x3FFD];
	_ =	sdelay $0x3  }
0x96: {  	_ =	strace s2  }
0x97: {  	_ =	strace $0x8FFFFFFF  }
0x98: {  	s18 =	sld [smem:$0x3FDB];
	_ =	sdelay $0x1  }
0x99: {  	s19 =	simm.s32 $_scs_section_size  }
0x9a: {  	s4 =	simm.s32 $_size__tile_overlayer_lowered;
	s5 =	simm.s32 $_tile_overlayer_lowered  }
0x9b: {  	s22 =	simm.s32 $0x1BFF;
	s21 =	sshll.u32 s5, $0x1;
	s2 =	sadd.s32 s19, s18  }
0x9c: {  	s6 =	simm.s32 $0x0;
	s20 =	sshll.u32 s4, $0x1;
	s4 =	sadd.s32 s21, s2  }
0x9d: {  	[timem:s6], [sflag:s22] =	dma.local [hbm:s4], s20  }
0x9e: {  	_ =	swait.ge [sflag:s22], s20  }
0x9f: {  	s3 =	ssub.s32 $0x0, s20;
	[sflag:s22] =	ssyncset.done $0x0  }
0xa0: {  	[sflag:s22] =	ssyncadd.s32 s3;
	_ =	sdelay $0x1  }
0xa1: {  	s23 =	simm.s32 $0x1B8B  }
0xa2: {  	_ =	swait.ge [sflag:s23], $0x1  }
0xa3: {  	[sflag:s23] =	ssyncset.done $0x0  }
0xa4: {  	s25 =	simm.s32 $0x1B8E;
	s24 =	sld [smem:$0x3FFE];
	[sflag:s23] =	ssyncadd.s32 $0xFFFFFFFF  }
0xa5: {  	s26 =	simm.s32 $execute0_lowered;
	[smem:$0x3FD2] =	sst s25  }
0xa6: {  	s4 =	sshll.u32 s26, $0x1;
	_ =	strace $0x80000049;
	[dreg:$0x1] =	wrdreg $0xFFFFFFFF  }
0xa7: {  	s28 =	simm.s32 $_size_execute0_lowered;
	s2 =	sadd.s32 s2, s4;
	[dreg:$0x0] =	wrdreg $0x0  }
0xa8: {  	s4 =	sshll.u32 s28, $0x1;
	[dreg:$0x2] =	wrdreg s2  }
0xa9: {  	[dreg:$0x3] =	wrdreg s4  }
0xaa: {  	[dreg:$0x4] =	wrdreg $0xC0  }
0xab: {  	_ =	task [dreg:s6], $0x5FFFF  }
0xac: {  	[dreg:$0x1] =	wrdreg $0xFFFFFFFF  }
0xad: {  	[dreg:$0x0] =	wrdreg $0x60  }
0xae: {  	[dreg:$0x2] =	wrdreg s24  }
0xaf: {  	[dreg:$0x3] =	wrdreg $0x0  }
0xb0: {  	[dreg:$0x4] =	wrdreg $0x9  }
0xb1: {  	_ =	task.clear_ibuf [dreg:s6], $0x5FFFF;
	_ =	strace $0x90000049  }
0xb2: {  	s29 =	simm.s32 $0x9;
	_ =	strace $0x8000004B  }
0xb3: {  	_ =	swait.ge [sflag:s29], $0x1  }
0xb4: {  	[sflag:s29] =	ssyncadd.s32 $0xFFFFFFFF  }
0xb5: {  	_ =	strace $0x9000004B  }
0xb6: {  	_ =	sfence  }
0xb7: {  	s30 =	sld [smem:$0x0];
	_ =	sdelay $0x2  }
0xb8: {  	s31 =	sshll.u32 s1, $0xD;
	s1 =	sshrl.u32 s1, $0x2  }
0xb9: {  	s3 =	sand.u32 $0x4000, s31;
	s1 =	sadd.s32 s1, s30  }
0xba: {  	s0 =	sor.u32 s3, s0;
	s1 =	sshll.u32 s1, $0x11  }
0xbb: {  	s0 =	sor.u32 s1, s0  }
0xbc: {  	s0 =	sadd.s32 $0x8F2B, s0  }
0xbd: {  	[sflag:s0] =	ssyncadd.remote.s32 $0x1  }
0xbe: {  	_ =	sfence.sel $0xFFFF  }
0xbf: {  	[dreg:$0x0] =	wrdreg $0xFFFFFFFF;
	(pc) =	sbr.abs _section_cstart, $3  }
0xc0: {  	[dreg:$0x1] =	wrdreg $0xFFFFFFFF  }
0xc1: {  	_ =	task.clear_ibuf [dreg:s6], $0x2FFFF;
	_ =	strace $0x9FFFFFFF  }
0xc2: {  	(tm) =	ssettm $0x7FFFFFFF  }
0xc3: {  	_ =	shalt  }
tec
execute0_lowered:
.L_overlay_start_1:
0x0: {  	(tag) =	ssettag $0x1  }
0x1: {  	s0 =	rddreg [dreg:$0x0]  }
0x2: {  	s1 =	rddreg [dreg:$0x1];
	s3 =	simm.s32 $0x0  }
0x3: {  	s14 =	stileid.u32;
	s8 =	srdreg.scid;
	s17 =	simm.s32 $0x18700  }
0x4: {  	s18 =	simm.s32 $0x18900;
	s19 =	simm.s32 $0x18B00;
	s20 =	simm.s32 $0x1  }
0x5: {  	s28 =	simm.s32 $0x1AF00;
	s29 =	simm.s32 $0x18E80;
	s30 =	simm.s32 $0x1BF00  }
0x6: {  	s31 =	simm.s32 $0x2;
	[smem:$0x7FF] =	sst s3;
	s4 =	sadd.s32 $0x1A600, s0  }
0x7: {  	s5 =	sadd.s32 $0x1E00, s0;
	s2 =	smul.u32 $0x18700, s14;
	s6 =	sadd.s32 $0x4B600, s0  }
0x8: {  	s7 =	sadd.s32 $0x63E00, s0;
	s8 =	sand.u32 $0x1, s8;
	s11 =	smul.u32 $0xC38, s14  }
0x9: {  	s22 =	sshll.u32 s14, $0x6;
	p0 =	seq.s32 s14, $0xF;
	s13 =	smul.u32 $0xC350, s8  }
0xa: {  	_ =	strace $0x8000004A;
	s10 =	ssub.s32 $0x2, s8;
	s8 =	smul.u32 $0x186A00, s8  }
0xb: {  	s9 =	sshrl.u32 s2, $0x3;
	s12 =	sshrl.u32 s10, $0x1;
	s15 =	sadd.s32 s2, s1  }
0xc: {  	s9 =	sadd.s32 s9, s0;
	s0 =	sadd.s32 $0xF6800, s0;
	s12 =	ssub.s32 s10, s12  }
0xd: {  	s10 =	sor.u32 $0x1C04, s22;
	s23 =	sadd.s32 s11, s13;
	s8 =	sshrl.u32 s8, $0x3  }
0xe: {  	s11 =	smul.u32 $0x62, s14;
	[dreg:$0x3] =	wrdreg s15;
	s26 =	sshrl.u32 s15, $0x3  }
0xf: {  	s22 =	simm.s32 $0x18D00;
	s21 =	sadd.s32 $0xC5A00, s9;
	s2 =	sshll.u32 s23, $0x2  }
0x10: {  	s8 =	sadd.s32 s0, s8;
	s25 =	smax.u32 s12, $0x1;
	[dreg:$0x8] =	wrdreg s26  }
0x11: {  	s23 =	simm.s32 $0x18F00;
	s26 =	simm.s32 $0x18E00;
	s9 =	simm.s32 $0x18A80  }
0x12: {  	s12 =	simm.s32 $0x3;
	[dreg:$0x4] =	wrdreg s21;
	s0 =	sadd.s32 s0, s2  }
0x13: {  	s24 =	sadd.s32 $0x2DD20, s8;
	[dreg:$0x7] =	wrdreg s25;
	s21 =	simm.s32 $0x80  }
0x14: {  	s25 =	simm.s32 $0x19F00;
	s2 =	simm.s32 $0x18A00;
	[dreg:$0x5] =	wrdreg s0  }
0x15: {  	v0 =	vmov s13;
	[dreg:$0x6] =	wrdreg s24;
	s24 =	simm.s32 $0x18D80;
	s0 =	simm.s32 $0x18980  }
.LBB2_1:
0x16: {  	s8 =	rddreg [dreg:$0x4]  }
0x17: {  	s13 =	rddreg [dreg:$0x8];
	s16 =	simm.s32 $0x4  }
0x18: {  	[spmem:s13], [sflag:s10] =	dma.local [hbm:s8], $0x30E0  }
0x19: {  	_ =	swait.ge [sflag:s16], $0x30E0  }
0x1a: {  	[sflag:s16] =	ssyncset.done $0x0  }
0x1b: {  	[sflag:s16] =	ssyncadd.s32 $0xFFFFCF20  }
0x1c: {  	s13 =	simm.s32 $0x0;
	[bflag:$0x0] =	sbarrier.arrive $0xFFFF  }
.LBB2_2:
0x1d: {  	s8 =	sadd.s32 s11, s13  }
0x1e: {  	s8 =	sshll.u32 s8, $0x6  }
0x1f: {  	s15 =	simm.s32 $0x0;
	s14 =	sadd.s32 s4, s8  }
0x20: {  	[tilespmem:s17], [sflag:$0x1] =	stream.linear.gather [hbm4b:s14+s15], $0x200, $0x38;
	[tilespmem:$0x1CF00] =	vst v63  }
0x21: {  	s16 =	sadd.s32 s5, s8  }
0x22: {  	[tilespmem:s18], [sflag:$0x1] =	stream.linear.gather [hbm4b:s16+s15], $0x200, $0x38;
	[tilespmem:$0x1CF00] =	vst v63  }
0x23: {  	s8 =	sadd.s32 s6, s8  }
0x24: {  	[tilespmem:s19], [sflag:$0x1] =	stream.linear.gather [hbm4b:s8+s15], $0x200, $0x38;
	[tilespmem:$0x1CF00] =	vst v63  }
0x25: {  	_ =	swait.ge [sflag:s20], $0x200  }
0x26: {  	[sflag:s20] =	ssyncset.done $0x0  }
0x27: {  	[sflag:s20] =	ssyncadd.s32 $0xFFFFFE00  }
0x28: {  	_ =	swait.ge [sflag:s20], $0x200  }
0x29: {  	[sflag:s20] =	ssyncset.done $0x0  }
0x2a: {  	[sflag:s20] =	ssyncadd.s32 $0xFFFFFE00  }
0x2b: {  	_ =	swait.ge [sflag:s20], $0x200  }
0x2c: {  	[sflag:s20] =	ssyncset.done $0x0  }
0x2d: {  	[sflag:s20] =	ssyncadd.s32 $0xFFFFFE00  }
0x2e: {  	v1 =	vld [tilespmem:$0x18700]  }
0x2f: {  	v2 =	vld [tilespmem:$0x18710]  }
0x30: {  	v3 =	vld [tilespmem:$0x18720]  }
0x31: {  	v4 =	vld [tilespmem:$0x18730]  }
0x32: {  	v5 =	vld [tilespmem:$0x18740]  }
0x33: {  	v6 =	vld [tilespmem:$0x18750];
	v1 =	vadd.s32 v0, v1  }
0x34: {  	[tilespmem:$0x18D00] =	vst v1;
	v1 =	vadd.s32 v0, v2;
	v2 =	vld [tilespmem:$0x18760]  }
0x35: {  	[tilespmem:$0x18D10] =	vst v1;
	v1 =	vadd.s32 v0, v3;
	v3 =	vld [tilespmem:$0x18770]  }
0x36: {  	[tilespmem:$0x18D20] =	vst v1;
	v1 =	vadd.s32 v0, v4;
	v4 =	vld [tilespmem:$0x18780]  }
0x37: {  	[tilespmem:$0x18D30] =	vst v1;
	v1 =	vadd.s32 v0, v5;
	v5 =	vld [tilespmem:$0x18790]  }
0x38: {  	[tilespmem:$0x18D40] =	vst v1;
	v1 =	vadd.s32 v0, v6;
	v6 =	vld [tilespmem:$0x187A0]  }
0x39: {  	[tilespmem:$0x18D50] =	vst v1;
	v1 =	vadd.s32 v0, v2;
	v2 =	vld [tilespmem:$0x187B0]  }
0x3a: {  	[tilespmem:$0x18D60] =	vst v1;
	v1 =	vadd.s32 v0, v3;
	v3 =	vld [tilespmem:$0x187C0]  }
0x3b: {  	[tilespmem:$0x18D70] =	vst v1;
	v1 =	vadd.s32 v0, v4;
	v4 =	vld [tilespmem:$0x187D0]  }
0x3c: {  	[tilespmem:$0x18D80] =	vst v1;
	v1 =	vadd.s32 v0, v5;
	v5 =	vld [tilespmem:$0x187E0]  }
0x3d: {  	[tilespmem:$0x18D90] =	vst v1;
	v1 =	vadd.s32 v0, v6;
	v6 =	vld [tilespmem:$0x187F0]  }
0x3e: {  	[tilespmem:$0x18DA0] =	vst v1;
	v1 =	vadd.s32 v0, v2;
	v2 =	vld [tilespmem:$0x18800]  }
0x3f: {  	[tilespmem:$0x18DB0] =	vst v1;
	v1 =	vadd.s32 v0, v3;
	v3 =	vld [tilespmem:$0x18810]  }
0x40: {  	[tilespmem:$0x18DC0] =	vst v1;
	v1 =	vadd.s32 v0, v4;
	v4 =	vld [tilespmem:$0x18820]  }
0x41: {  	[tilespmem:$0x18DD0] =	vst v1;
	v1 =	vadd.s32 v0, v5;
	v5 =	vld [tilespmem:$0x18830]  }
0x42: {  	[tilespmem:$0x18DE0] =	vst v1;
	v1 =	vadd.s32 v0, v6;
	v6 =	vld [tilespmem:$0x18840]  }
0x43: {  	[tilespmem:$0x18DF0] =	vst v1;
	v1 =	vadd.s32 v0, v2;
	v2 =	vld [tilespmem:$0x18850]  }
0x44: {  	[tilespmem:$0x18E00] =	vst v1;
	v1 =	vadd.s32 v0, v3;
	v3 =	vld [tilespmem:$0x18860]  }
0x45: {  	[tilespmem:$0x18E10] =	vst v1;
	v1 =	vadd.s32 v0, v4;
	v4 =	vld [tilespmem:$0x18870]  }
0x46: {  	[tilespmem:$0x18E20] =	vst v1;
	v1 =	vadd.s32 v0, v5;
	v5 =	vld [tilespmem:$0x18880]  }
0x47: {  	[tilespmem:$0x18E30] =	vst v1;
	v1 =	vadd.s32 v0, v6;
	v6 =	vld [tilespmem:$0x18890]  }
0x48: {  	[tilespmem:$0x18E40] =	vst v1;
	v1 =	vadd.s32 v0, v2;
	v2 =	vld [tilespmem:$0x188A0]  }
0x49: {  	[tilespmem:$0x18E50] =	vst v1;
	v1 =	vadd.s32 v0, v3;
	v3 =	vld [tilespmem:$0x188B0]  }
0x4a: {  	[tilespmem:$0x18E60] =	vst v1;
	v1 =	vadd.s32 v0, v4;
	v4 =	vld [tilespmem:$0x188C0]  }
0x4b: {  	[tilespmem:$0x18E70] =	vst v1;
	v1 =	vadd.s32 v0, v5;
	v5 =	vld [tilespmem:$0x188D0]  }
0x4c: {  	[tilespmem:$0x18E80] =	vst v1;
	v1 =	vadd.s32 v0, v6;
	v6 =	vld [tilespmem:$0x188E0]  }
0x4d: {  	[tilespmem:$0x18E90] =	vst v1;
	v1 =	vadd.s32 v0, v2;
	v2 =	vld [tilespmem:$0x188F0]  }
0x4e: {  	[tilespmem:$0x18EA0] =	vst v1;
	v1 =	vadd.s32 v0, v3  }
0x4f: {  	[tilespmem:$0x18EB0] =	vst v1;
	v1 =	vadd.s32 v0, v4  }
0x50: {  	[tilespmem:$0x18EC0] =	vst v1;
	v1 =	vadd.s32 v0, v5  }
0x51: {  	[tilespmem:$0x18ED0] =	vst v1;
	v1 =	vadd.s32 v0, v6  }
0x52: {  	[tilespmem:$0x18EE0] =	vst v1;
	v1 =	vadd.s32 v0, v2  }
0x53: {  	[tilespmem:$0x18EF0] =	vst v1  }
0x54: {  	[tilespmem:s23], [sflag:$0x2] =	stream.indirect.gather [hbm4b:s7+s21], $0x20, s22, s21, $0xb8;
	[tilespmem:$0x1CF00] =	vst v63  }
0x55: {  	_ = 	snop  }
0x56: {  	[tilespmem:s25], [sflag:$0x2] =	stream.indirect.gather [hbm4b:s7+s21], $0x20, s24, s21, $0xb8;
	[tilespmem:$0x1CF00] =	vst v63  }
0x57: {  	_ = 	snop  }
0x58: {  	[tilespmem:s28], [sflag:$0x2] =	stream.indirect.gather [hbm4b:s7+s21], $0x20, s26, s21, $0xb8;
	[tilespmem:$0x1CF00] =	vst v63  }
0x59: {  	_ = 	snop  }
0x5a: {  	[tilespmem:s30], [sflag:$0x2] =	stream.indirect.gather [hbm4b:s7+s21], $0x20, s29, s21, $0xb8;
	[tilespmem:$0x1CF00] =	vst v63  }
0x5b: {  	_ =	swait.ge [sflag:s31], $0x1000  }
0x5c: {  	[sflag:s31] =	ssyncset.done $0x0  }
0x5d: {  	[sflag:s31] =	ssyncadd.s32 $0xFFFFF000  }
0x5e: {  	_ =	swait.ge [sflag:s31], $0x1000  }
0x5f: {  	[sflag:s31] =	ssyncset.done $0x0  }
0x60: {  	[sflag:s31] =	ssyncadd.s32 $0xFFFFF000  }
0x61: {  	_ =	swait.ge [sflag:s31], $0x1000  }
0x62: {  	[sflag:s31] =	ssyncset.done $0x0  }
0x63: {  	[sflag:s31] =	ssyncadd.s32 $0xFFFFF000  }
0x64: {  	_ =	swait.ge [sflag:s31], $0x1000  }
0x65: {  	[sflag:s31] =	ssyncset.done $0x0  }
0x66: {  	s14 =	simm.s32 $0x19000;
	[sflag:s31] =	ssyncadd.s32 $0xFFFFF000  }
0x67: {  	v6 =	vld [tilespmem:s14+$0xFFFFFFA0]  }
0x68: {  	v4 =	vld [tilespmem:s14+$0xFFFFFFF0]  }
0x69: {  	v1 =	vld [tilespmem:s14+$0xFFFFFF60]  }
0x6a: {  	v7 =	vld [tilespmem:s14+$0xFFFFFFD0]  }
0x6b: {  	v8 =	vld [tilespmem:s14+$0x80]  }
0x6c: {  	v11 =	vld [tilespmem:s14+$0xFFFFFF10]  }
0x6d: {  	v15 =	vld [tilespmem:s14+$0xE0]  }
0x6e: {  	v10 =	vld [tilespmem:s14+$0xFFFFFF40]  }
0x6f: {  	s16 =	simm.s32 $0x0;
	v2 =	vld [tilespmem:s14+$0xFFFFFF90]  }
0x70: {  	v3 =	vld [tilespmem:s16+$0x18B00]  }
0x71: {  	v9 =	vld [tilespmem:s14+$0xFFFFFFC0]  }
0x72: {  	v12 =	vld [tilespmem:s14+$0xFFFFFF00]  }
0x73: {  	v13 =	vld [tilespmem:s14+$0xD0]  }
0x74: {  	v22 =	vld [tilespmem:s14+$0xC0]  }
0x75: {  	v20 =	vld [tilespmem:s14+$0x90];
	v18 =	vbroadcast v3, $0x0;
	v5 =	vbroadcast v3, $0xF  }
0x76: {  	v21 =	vld [tilespmem:s14+$0xFFFFFF50];
	v19 =	vbroadcast v3, $0x2;
	v17 =	vbroadcast v3, $0xE  }
0x77: {  	v16 =	vld [tilespmem:s14+$0xB0];
	v14 =	vbroadcast v3, $0xC;
	v24 =	vmul.f32 v18, v12  }
0x78: {  	s15 =	simm.s32 $0x40;
	s16 =	simm.s32 $0x19000;
	v12 =	vbroadcast v3, $0xD;
	v23 =	vmul.f32 v10, v19;
	v10 =	vld [tilespmem:s14+$0x60]  }
.LBB2_3:
0x79: {  	p1 =	sne.s32 s15, $0x7C0  }
0x7a: {  	[tilespmem:s14+$0xFFFFFF00] =	vst v24;
	v24 =	vld [tilespmem:s14+$0xFFFFFFB0];
	v22 =	vmul.f32 v22, v17;
	v15 =	vmul.f32 v15, v5;
	s16 =	sadd.s32 $0x200, s16;
	s8 =	smov.u32 s15;
	s15 =	sadd.s32 $0x40, s15  }
0x7b: {  	[tilespmem:s14+$0xFFFFFF40] =	vst v23;
	v23 =	vbroadcast v3, $0xA;
	v20 =	vmul.f32 v20, v14;
	v25 =	vld [tilespmem:s14+$0xA0]  }
0x7c: {  	v11 =	vmul.f32 v11, v18;
	v18 =	vmul.f32 v21, v19;
	v19 =	vld [tilespmem:s14+$0x70];
	[tilespmem:s14+$0xE0] =	vst v15  }
0x7d: {  	v15 =	vbroadcast v3, $0x5;
	v21 =	vld [tilespmem:s14+$0xFFFFFFE0];
	v16 =	vmul.f32 v16, v12;
	[tilespmem:s14+$0xC0] =	vst v22  }
0x7e: {  	v13 =	vmul.f32 v13, v17;
	[tilespmem:s14+$0xFFFFFF10] =	vst v11;
	v11 =	vbroadcast v3, $0x6;
	v22 =	vld [tilespmem:s14+$0x40]  }
0x7f: {  	v26 =	vbroadcast v3, $0xB;
	v6 =	vmul.f32 v6, v15;
	v17 =	vld [tilespmem:s14+$0xFFFFFF20];
	[tilespmem:s14+$0x90] =	vst v20  }
0x80: {  	v20 =	vbroadcast v3, $0x9;
	[tilespmem:s14+$0xFFFFFF50] =	vst v18;
	v18 =	vld [tilespmem:s14+$0x20];
	v12 =	vmul.f32 v25, v12  }
0x81: {  	v15 =	vmul.f32 v24, v15;
	v24 =	vld [tilespmem:s14+$0x50];
	v19 =	vmul.f32 v19, v26;
	[tilespmem:s14+$0xD0] =	vst v13  }
0x82: {  	v8 =	vmul.f32 v8, v14;
	v13 =	vbroadcast v3, $0x7;
	v25 =	vld [tilespmem:s14+$0x30];
	[tilespmem:s14+$0xA0] =	vst v12  }
0x83: {  	v9 =	vmul.f32 v9, v11;
	v12 =	vbroadcast v3, $0x3;
	v14 =	vld [tilespmem:s14+$0x0];
	[tilespmem:s14+$0x70] =	vst v19  }
0x84: {  	v10 =	vmul.f32 v10, v26;
	v7 =	vmul.f32 v7, v11;
	v11 =	vld [tilespmem:s14+$0x10];
	[tilespmem:s14+$0x80] =	vst v8  }
0x85: {  	v19 =	vbroadcast v3, $0x8;
	v22 =	vmul.f32 v22, v23;
	v8 =	vld [tilespmem:s14+$0xFFFFFF30];
	[tilespmem:s14+$0xB0] =	vst v16  }
0x86: {  	v16 =	vbroadcast v3, $0x1;
	v26 =	vld [tilespmem:s14+$0xFFFFFF70];
	[tilespmem:s14+$0xFFFFFFD0] =	vst v7;
	v23 =	vmul.f32 v24, v23  }
0x87: {  	v4 =	vmul.f32 v4, v13;
	v7 =	vmul.f32 v21, v13;
	[tilespmem:s14+$0xFFFFFFC0] =	vst v9;
	v9 =	vld [tilespmem:s14+$0xF0]  }
0x88: {  	v21 =	vmul.f32 v25, v20;
	v13 =	vld [tilespmem:s14+$0xFFFFFF80];
	[tilespmem:s14+$0xFFFFFFA0] =	vst v6;
	v14 =	vmul.f32 v14, v19  }
0x89: {  	v6 =	vld [tilespmem:s16+$0xFFFFFFA0];
	[tilespmem:s14+$0xFFFFFFF0] =	vst v4;
	v19 =	vmul.f32 v11, v19;
	v11 =	vmul.f32 v18, v20  }
0x8a: {  	v4 =	vmul.f32 v17, v16;
	v16 =	vmul.f32 v8, v16;
	[tilespmem:s14+$0x60] =	vst v10  }
0x8b: {  	v1 =	vmul.f32 v1, v12;
	v8 =	vmul.f32 v26, v12;
	[tilespmem:s14+$0xFFFFFFB0] =	vst v15  }
0x8c: {  	v3 =	vbroadcast v3, $0x4;
	[tilespmem:s14+$0xFFFFFF20] =	vst v4;
	v4 =	vmul.f32 v9, v5  }
0x8d: {  	[tilespmem:s14+$0xFFFFFF60] =	vst v1  }
0x8e: {  	v5 =	vmul.f32 v13, v3;
	v1 =	vmul.f32 v2, v3;
	[tilespmem:s14+$0x40] =	vst v22  }
0x8f: {  	[tilespmem:s14+$0xFFFFFFE0] =	vst v7  }
0x90: {  	[tilespmem:s14+$0xF0] =	vst v4  }
0x91: {  	[tilespmem:s14+$0xFFFFFF90] =	vst v1  }
0x92: {  	v4 =	vld [tilespmem:s16+$0xFFFFFFF0];
	[tilespmem:s14+$0xFFFFFF70] =	vst v8  }
0x93: {  	v1 =	vld [tilespmem:s16+$0xFFFFFF60];
	[tilespmem:s14+$0x20] =	vst v11  }
0x94: {  	v7 =	vld [tilespmem:s16+$0xFFFFFFD0];
	[tilespmem:s14+$0x30] =	vst v21  }
0x95: {  	v8 =	vld [tilespmem:s16+$0x80];
	[tilespmem:s14+$0xFFFFFF80] =	vst v5  }
0x96: {  	v11 =	vld [tilespmem:s16+$0xFFFFFF10];
	[tilespmem:s14+$0x50] =	vst v23  }
0x97: {  	v15 =	vld [tilespmem:s16+$0xE0];
	[tilespmem:s14+$0x0] =	vst v14  }
0x98: {  	v10 =	vld [tilespmem:s16+$0xFFFFFF40];
	[tilespmem:s14+$0xFFFFFF30] =	vst v16  }
0x99: {  	s8 =	sshra.s32 s8, $0x2;
	v2 =	vld [tilespmem:s16+$0xFFFFFF90];
	[tilespmem:s14+$0x10] =	vst v19;
	s14 =	smov.u32 s16  }
0x9a: {  	v3 =	vld [tilespmem:s8+$0x18B00]  }
0x9b: {  	v9 =	vld [tilespmem:s16+$0xFFFFFFC0]  }
0x9c: {  	v12 =	vld [tilespmem:s16+$0xFFFFFF00]  }
0x9d: {  	v13 =	vld [tilespmem:s16+$0xD0]  }
.Ltmp0:
0x9e: {  	v22 =	vld [tilespmem:s16+$0xC0];
	(pc) =	sbr.rel @p1 .LBB2_3-.Ltmp0, $4  }
0x9f: {  	v18 =	vbroadcast v3, $0x0;
	v20 =	vld [tilespmem:s16+$0x90];
	v5 =	vbroadcast v3, $0xF  }
0xa0: {  	v19 =	vbroadcast v3, $0x2;
	v17 =	vbroadcast v3, $0xE;
	v21 =	vld [tilespmem:s16+$0xFFFFFF50]  }
0xa1: {  	v24 =	vmul.f32 v18, v12;
	v12 =	vbroadcast v3, $0xD;
	v16 =	vld [tilespmem:s16+$0xB0]  }
0xa2: {  	v14 =	vbroadcast v3, $0xC;
	v23 =	vmul.f32 v10, v19;
	v10 =	vld [tilespmem:s16+$0x60]  }
0xa3: {  	[tilespmem:s14+$0xFFFFFF00] =	vst v24;
	v15 =	vmul.f32 v15, v5  }
0xa4: {  	v22 =	vmul.f32 v22, v17;
	[tilespmem:s14+$0xFFFFFF40] =	vst v23  }
0xa5: {  	v11 =	vmul.f32 v11, v18;
	[tilespmem:s14+$0xE0] =	vst v15  }
0xa6: {  	v35 =	vmul.f32 v13, v17;
	[tilespmem:s14+$0xC0] =	vst v22  }
0xa7: {  	v33 =	vmul.f32 v20, v14;
	[tilespmem:s14+$0xFFFFFF10] =	vst v11  }
0xa8: {  	v41 =	vbroadcast v3, $0x6;
	v8 =	vmul.f32 v8, v14;
	[tilespmem:s14+$0xD0] =	vst v35  }
0xa9: {  	v19 =	vmul.f32 v21, v19;
	[tilespmem:s14+$0x90] =	vst v33  }
0xaa: {  	v45 =	vbroadcast v3, $0x5;
	v7 =	vmul.f32 v7, v41;
	[tilespmem:s14+$0x80] =	vst v8  }
0xab: {  	v47 =	vbroadcast v3, $0x7;
	v9 =	vmul.f32 v9, v41;
	[tilespmem:s14+$0xFFFFFF50] =	vst v19  }
0xac: {  	v54 =	vbroadcast v3, $0x3;
	v6 =	vmul.f32 v6, v45;
	[tilespmem:s14+$0xFFFFFFD0] =	vst v7  }
0xad: {  	v31 =	vld [tilespmem:s14+$0xA0];
	v59 =	vbroadcast v3, $0x4;
	v4 =	vmul.f32 v4, v47;
	[tilespmem:s14+$0xFFFFFFC0] =	vst v9  }
0xae: {  	v32 =	vld [tilespmem:s14+$0x70];
	v1 =	vmul.f32 v1, v54;
	[tilespmem:s14+$0xFFFFFFA0] =	vst v6  }
0xaf: {  	v34 =	vld [tilespmem:s14+$0xFFFFFFB0];
	v37 =	vbroadcast v3, $0xB;
	v2 =	vmul.f32 v2, v59;
	[tilespmem:s14+$0xFFFFFFF0] =	vst v4  }
0xb0: {  	v36 =	vld [tilespmem:s14+$0xFFFFFF20];
	v43 =	vmul.f32 v16, v12;
	[tilespmem:s14+$0xFFFFFF60] =	vst v1  }
0xb1: {  	v40 =	vld [tilespmem:s14+$0x40];
	v10 =	vmul.f32 v10, v37;
	[tilespmem:s14+$0xFFFFFF90] =	vst v2  }
0xb2: {  	v38 =	vld [tilespmem:s14+$0xFFFFFFE0];
	v39 =	vmul.f32 v31, v12;
	[tilespmem:s14+$0xB0] =	vst v43  }
0xb3: {  	v52 =	vbroadcast v3, $0x1;
	v55 =	vld [tilespmem:s14+$0xF0];
	v18 =	vmul.f32 v32, v37;
	[tilespmem:s14+$0x60] =	vst v10  }
0xb4: {  	v49 =	vld [tilespmem:s14+$0xFFFFFF70];
	v56 =	vbroadcast v3, $0xA;
	v53 =	vmul.f32 v34, v45;
	[tilespmem:s14+$0xA0] =	vst v39  }
0xb5: {  	v46 =	vld [tilespmem:s14+$0x30];
	v13 =	vmul.f32 v36, v52;
	[tilespmem:s14+$0x70] =	vst v18  }
0xb6: {  	v50 =	vld [tilespmem:s14+$0xFFFFFF80];
	v58 =	vmul.f32 v40, v56;
	[tilespmem:s14+$0xFFFFFFB0] =	vst v53  }
0xb7: {  	v44 =	vld [tilespmem:s14+$0x20];
	v8 =	vmul.f32 v38, v47;
	[tilespmem:s14+$0xFFFFFF20] =	vst v13  }
0xb8: {  	v57 =	vld [tilespmem:s14+$0xFFFFFF30];
	v60 =	vbroadcast v3, $0x9;
	v1 =	vmul.f32 v55, v5;
	[tilespmem:s14+$0x40] =	vst v58  }
0xb9: {  	v42 =	vld [tilespmem:s14+$0x50];
	v61 =	vmul.f32 v49, v54;
	[tilespmem:s14+$0xFFFFFFE0] =	vst v8  }
0xba: {  	v48 =	vld [tilespmem:s14+$0x0];
	v2 =	vmul.f32 v46, v60;
	[tilespmem:s14+$0xF0] =	vst v1  }
0xbb: {  	v51 =	vld [tilespmem:s14+$0x10];
	v62 =	vmul.f32 v50, v59;
	[tilespmem:s14+$0xFFFFFF70] =	vst v61  }
0xbc: {  	v1 =	vmul.f32 v44, v60;
	[tilespmem:s14+$0x30] =	vst v2  }
0xbd: {  	v3 =	vbroadcast v3, $0x8;
	v63 =	vmul.f32 v57, v52;
	[tilespmem:s14+$0xFFFFFF80] =	vst v62  }
0xbe: {  	[tilespmem:s14+$0x20] =	vst v1;
	v1 =	vmul.f32 v42, v56  }
0xbf: {  	v2 =	vmul.f32 v48, v3;
	[tilespmem:s14+$0xFFFFFF30] =	vst v63  }
0xc0: {  	[tilespmem:s14+$0x50] =	vst v1;
	v1 =	vmul.f32 v51, v3  }
0xc1: {  	[tilespmem:s14+$0x0] =	vst v2  }
0xc2: {  	[tilespmem:s14+$0x10] =	vst v1  }
0xc3: {  	[spmem:s1] =	stream.indirect.scatter.add.f32 [tilespmem:s23], [sflag:$0x3], $0x20, s18, s21, $0xb8;
	[tilespmem:$0x1CF00] =	vst v63  }
0xc4: {  	_ = 	snop  }
0xc5: {  	[spmem:s1] =	stream.indirect.scatter.add.f32 [tilespmem:s25], [sflag:$0x3], $0x20, s0, s21, $0xb8;
	[tilespmem:$0x1CF00] =	vst v63  }
0xc6: {  	_ = 	snop  }
0xc7: {  	[spmem:s1] =	stream.indirect.scatter.add.f32 [tilespmem:s28], [sflag:$0x3], $0x20, s2, s21, $0xb8;
	[tilespmem:$0x1CF00] =	vst v63  }
0xc8: {  	_ = 	snop  }
0xc9: {  	[spmem:s1] =	stream.indirect.scatter.add.f32 [tilespmem:s30], [sflag:$0x3], $0x20, s9, s21, $0xb8;
	[tilespmem:$0x1CF00] =	vst v63  }
0xca: {  	_ =	swait.ge [sflag:s12], $0x1000  }
0xcb: {  	[sflag:s12] =	ssyncset.done $0x0  }
0xcc: {  	[sflag:s12] =	ssyncadd.s32 $0xFFFFF000  }
0xcd: {  	_ =	swait.ge [sflag:s12], $0x1000  }
0xce: {  	[sflag:s12] =	ssyncset.done $0x0  }
0xcf: {  	s13 =	sadd.s32 $0x1, s13;
	[sflag:s12] =	ssyncadd.s32 $0xFFFFF000  }
0xd0: {  	p1 =	sne.s32 s13, $0x62;
	_ =	swait.ge [sflag:s12], $0x1000  }
.Ltmp1:
0xd1: {  	[sflag:s12] =	ssyncset.done $0x0;
	(pc) =	sbr.rel @p1 .LBB2_2-.Ltmp1, $4  }
0xd2: {  	[sflag:s12] =	ssyncadd.s32 $0xFFFFF000  }
0xd3: {  	_ =	swait.ge [sflag:s12], $0x1000  }
0xd4: {  	[sflag:s12] =	ssyncset.done $0x0  }
0xd5: {  	[sflag:s12] =	ssyncadd.s32 $0xFFFFF000  }
0xd6: {  	[bflag:$0x0] =	sbarrier.arrive $0xFFFF  }
0xd7: {  	s13 =	rddreg [dreg:$0x3]  }
0xd8: {  	s14 =	rddreg [dreg:$0x6];
	s8 =	sshrl.u32 @p0 s13, $0x3  }
0xd9: {  	[hbm:s14], [sflag:s10] =	dma.local @p0 [spmem:s8], $0x3020  }
0xda: {  	s8 =	simm.s32 @p0 $0x4  }
0xdb: {  	_ =	swait.ge @p0 [sflag:s8], $0x3020  }
0xdc: {  	[sflag:s8] =	ssyncset.done @p0 $0x0  }
0xdd: {  	[sflag:s8] =	ssyncadd.s32 @p0 $0xFFFFCFE0;
	s8 =	sshrl.u32 @!p0 s13, $0x3;
	s13 =	rddreg [dreg:$0x5]  }
0xde: {  	[hbm:s13], [sflag:s10] =	dma.local @!p0 [spmem:s8], $0x30E0  }
0xdf: {  	s8 =	simm.s32 @!p0 $0x4  }
0xe0: {  	_ =	swait.ge @!p0 [sflag:s8], $0x30E0  }
0xe1: {  	s3 =	sadd.s32 $0x1, s3;
	s16 =	rddreg [dreg:$0x7]  }
0xe2: {  	p1 =	sne.s32 s3, s16  }
.Ltmp2:
0xe3: {  	_ = 	snop;
	(pc) =	sbr.rel @p1 .LBB2_1-.Ltmp2, $3  }
0xe4: {  	_ =	sdelay $0x1  }
0xe5: {  	[sflag:s8] =	ssyncset.done @!p0 $0x0  }
0xe6: {  	[sflag:s8] =	ssyncadd.s32 @!p0 $0xFFFFCF20  }
0xe7: {  	_ =	sfence.sel $0x180000  }
0xe8: {  	[bflag:$0x0] =	sbarrier.arrive $0xFFFF  }
0xe9: {  	_ =	strace $0x9000004A  }
0xea: {  	s0 =	stileid.u32;
	[bflag:$0x2] =	sbarrier.arrive $0xFFFF  }
0xeb: {  	p0 =	sne.s32 s0, $0x0;
	s0 =	rddreg [dreg:$0x2]  }
0xec: {  	s0 =	sadd.s32 @!p0 $0x100000, s0  }
0xed: {  	[sflag:s0] =	ssyncadd.tile.s32 @!p0 $0x1;
	_ =	shalt  }
.Lfunc_end2:
_tile_overlayer_lowered:
.L_overlay_start_2:
0xee: {  	(tag) =	ssettag $0x2  }
0xef: {  	s0 =	rddreg [dreg:$0x0];
	s2 =	stileid.u32  }
0xf0: {  	s1 =	rddreg [dreg:$0x1];
	p0 =	sne.s32 s2, $0x0  }
0xf1: {  	s3 =	rddreg [dreg:$0x2];
	[bflag:$0x3] =	sbarrier.arrive $0xFFFF;
	s2 =	simm.s32 @!p0 $0x1C04  }
0xf2: {  	[timem:s3], [sflag:s2] =	dma.local @!p0 [hbm:s0], s1  }
0xf3: {  	s0 =	simm.s32 @!p0 $0x4  }
0xf4: {  	_ =	swait.ge @!p0 [sflag:s0], s1  }
0xf5: {  	s1 =	ssub.s32 @!p0 $0x0, s1;
	[sflag:s0] =	ssyncset.done @!p0 $0x0  }
0xf6: {  	[sflag:s0] =	ssyncadd.s32 @!p0 s1  }
0xf7: {  	[bflag:$0x3] =	sbarrier.arrive $0xFFFF  }
0xf8: {  	_ =	shalt  }

</sc_bundles>
